<compile_context>
chip_gen: v7x
topology: tpu7x:2x2x1
jax: 0.10.2.dev20260603
libtpu: 0.0.44.dev20260713+nightly
codegen_flags: <defaults>
</compile_context>

<pallas_src>
import functools

import jax
import jax.numpy as jnp
from jax import lax
from jax.experimental import pallas as pl
from jax.experimental.pallas import tpu as pltpu
from jax.experimental.pallas import tpu_sc as plsc

NC = 2
NS = 16
NW = NC * NS
CHUNK = 128
ZCH = 128
LANES = 16


def _round_up(v, m):
    return (v + m - 1) // m * m


def _sc_degree(edge3, acc_rows):
    nch = edge3.shape[1]
    base = nch // NW
    extra = nch % NW
    rpt = acc_rows // NS
    group = max(d for d in range(1, 9) if base % d == 0)
    mesh = plsc.VectorSubcoreMesh(core_axis_name="c", subcore_axis_name="s")

    @functools.partial(
        pl.kernel,
        out_type=jax.ShapeDtypeStruct((NC, acc_rows, LANES), jnp.float32),
        mesh=mesh,
        scratch_types=[
            pltpu.VMEM((base + 1, CHUNK), jnp.int32),
            pltpu.VMEM((CHUNK, LANES), jnp.float32),
            pltpu.VMEM((ZCH, LANES), jnp.float32),
            pltpu.VMEM_SHARED((acc_rows, LANES), jnp.float32),
            pltpu.SemaphoreType.DMA,
            pltpu.SemaphoreType.DMA,
        ],
        compiler_params=pltpu.CompilerParams(use_tc_tiling_on_sc=False),
    )
    def deg_kernel(edge_hbm, deg_out, dstbuf, ones_v, zeros_v, deg_s,
                   sem, sem_idx):
        c = lax.axis_index("c")
        s = lax.axis_index("s")
        wid = c * NS + s

        idx_cp = pltpu.async_copy(edge_hbm.at[1, pl.ds(wid * base, base)],
                                  dstbuf.at[pl.ds(0, base)], sem_idx)

        @pl.when(wid < extra)
        def _():
            pltpu.async_copy(edge_hbm.at[1, pl.ds(NW * base + wid, 1)],
                             dstbuf.at[pl.ds(base, 1)], sem_idx)

        def fill(i, _):
            ones_v[i, :] = jnp.ones((LANES,), jnp.float32)
            return 0

        lax.fori_loop(0, CHUNK, fill, 0)

        def fillz(i, _):
            zeros_v[i, :] = jnp.zeros((LANES,), jnp.float32)
            return 0

        lax.fori_loop(0, ZCH, fillz, 0)

        def zero_slab(r, _):
            pltpu.async_copy(
                zeros_v, deg_s.at[pl.ds(s * rpt + r * ZCH, ZCH)], sem)
            return 0

        lax.fori_loop(0, rpt // ZCH, zero_slab, 0)

        def zero_drain(r, _):
            pltpu.make_async_copy(
                zeros_v, deg_s.at[pl.ds(s * rpt + r * ZCH, ZCH)], sem).wait()
            return 0

        lax.fori_loop(0, rpt // ZCH, zero_drain, 0)
        plsc.subcore_barrier()

        idx_cp.wait()

        @pl.when(wid < extra)
        def _():
            pltpu.make_async_copy(edge_hbm.at[1, pl.ds(NW * base + wid, 1)],
                                  dstbuf.at[pl.ds(base, 1)], sem_idx).wait()

        def grp(g, _):
            def fire(j, _):
                pltpu.async_copy(ones_v, deg_s.at[dstbuf.at[j]], sem,
                                 add=True)
                return 0

            lax.fori_loop(g * group, (g + 1) * group, fire, 0)

            def drain(j, _):
                pltpu.make_async_copy(
                    ones_v, deg_s.at[dstbuf.at[j]], sem).wait()
                return 0

            lax.fori_loop(g * group, (g + 1) * group, drain, 0)
            return 0

        lax.fori_loop(0, base // group, grp, 0)

        @pl.when(wid < extra)
        def _():
            pltpu.sync_copy(ones_v, deg_s.at[dstbuf.at[base]], add=True)

        plsc.subcore_barrier()

        pltpu.sync_copy(
            deg_s.at[pl.ds(s * rpt, rpt)],
            deg_out.at[c, pl.ds(s * rpt, rpt)],
        )

    return deg_kernel(edge3)


def _sc_messages(y, edge3, acc_rows, out_ch):
    nch = edge3.shape[1]
    base = nch // NW
    extra = nch % NW
    rpt = acc_rows // NS
    K = 2
    nsuper = base // K
    assert base % K == 0 and nsuper % 3 == 0 and nsuper >= 6
    mesh = plsc.VectorSubcoreMesh(core_axis_name="c", subcore_axis_name="s")

    @functools.partial(
        pl.kernel,
        out_type=jax.ShapeDtypeStruct((NC, acc_rows, out_ch), jnp.float32),
        mesh=mesh,
        scratch_types=[
            pltpu.VMEM((base + 1, CHUNK), jnp.int32),
            pltpu.VMEM((base + 1, CHUNK), jnp.int32),
            pltpu.VMEM((K * CHUNK, out_ch), jnp.float32),
            pltpu.VMEM((K * CHUNK, out_ch), jnp.float32),
            pltpu.VMEM((K * CHUNK, out_ch), jnp.float32),
            pltpu.VMEM((ZCH, out_ch), jnp.float32),
            pltpu.VMEM_SHARED((acc_rows, out_ch), jnp.float32),
            pltpu.SemaphoreType.DMA,
            pltpu.SemaphoreType.DMA,
            pltpu.SemaphoreType.DMA,
            pltpu.SemaphoreType.DMA,
            pltpu.SemaphoreType.DMA,
            pltpu.SemaphoreType.DMA,
            pltpu.SemaphoreType.DMA,
        ],
        compiler_params=pltpu.CompilerParams(use_tc_tiling_on_sc=False),
    )
    def msg_kernel(y_hbm, edge_hbm, acc_out,
                   srcbuf, dstbuf, rows_a, rows_b, rows_c, zeros_v, acc_s,
                   sem_ga, sem_gb, sem_gc, sem_sa, sem_sb, sem_sc, sem_idx):
        c = lax.axis_index("c")
        s = lax.axis_index("s")
        wid = c * NS + s
        lanes_per_row = out_ch // LANES

        src_cp = pltpu.async_copy(edge_hbm.at[0, pl.ds(wid * base, base)],
                                  srcbuf.at[pl.ds(0, base)], sem_idx)
        dst_cp = pltpu.async_copy(edge_hbm.at[1, pl.ds(wid * base, base)],
                                  dstbuf.at[pl.ds(0, base)], sem_idx)

        @pl.when(wid < extra)
        def _():
            pltpu.async_copy(edge_hbm.at[0, pl.ds(NW * base + wid, 1)],
                             srcbuf.at[pl.ds(base, 1)], sem_idx)
            pltpu.async_copy(edge_hbm.at[1, pl.ds(NW * base + wid, 1)],
                             dstbuf.at[pl.ds(base, 1)], sem_idx)

        def fill(t, _):
            zeros_v[t // lanes_per_row,
                    pl.ds((t % lanes_per_row) * LANES, LANES)] = (
                jnp.zeros((LANES,), jnp.float32))
            return 0

        lax.fori_loop(0, ZCH * lanes_per_row, fill, 0)

        def zero_slab(r, _):
            pltpu.async_copy(
                zeros_v, acc_s.at[pl.ds(s * rpt + r * ZCH, ZCH)], sem_sa)
            return 0

        lax.fori_loop(0, rpt // ZCH, zero_slab, 0)

        def zero_drain(r, _):
            pltpu.make_async_copy(
                zeros_v, acc_s.at[pl.ds(s * rpt + r * ZCH, ZCH)],
                sem_sa).wait()
            return 0

        lax.fori_loop(0, rpt // ZCH, zero_drain, 0)
        plsc.subcore_barrier()

        src_cp.wait()
        dst_cp.wait()

        @pl.when(wid < extra)
        def _():
            pltpu.make_async_copy(edge_hbm.at[0, pl.ds(NW * base + wid, 1)],
                                  srcbuf.at[pl.ds(base, 1)], sem_idx).wait()
            pltpu.make_async_copy(edge_hbm.at[1, pl.ds(NW * base + wid, 1)],
                                  dstbuf.at[pl.ds(base, 1)], sem_idx).wait()

        def fire_gathers(js, buf, sem):
            for i in range(K):
                pltpu.async_copy(
                    y_hbm.at[srcbuf.at[js * K + i]],
                    buf.at[pl.ds(i * CHUNK, CHUNK)], sem)

        def drain_gathers(js, buf, sem):
            for i in range(K):
                pltpu.make_async_copy(
                    y_hbm.at[srcbuf.at[js * K + i]],
                    buf.at[pl.ds(i * CHUNK, CHUNK)], sem).wait()

        def fire_scatters(js, buf, sem):
            for i in range(K):
                pltpu.async_copy(
                    buf.at[pl.ds(i * CHUNK, CHUNK)],
                    acc_s.at[dstbuf.at[js * K + i]], sem, add=True)

        def drain_scatters(js, buf, sem):
            for i in range(K):
                pltpu.make_async_copy(
                    buf.at[pl.ds(i * CHUNK, CHUNK)],
                    acc_s.at[dstbuf.at[js * K + i]], sem).wait()

        ring = ((rows_a, sem_ga, sem_sa),
                (rows_b, sem_gb, sem_sb),
                (rows_c, sem_gc, sem_sc))

        def step(j, cur, prev, drain_prev=True, fire_next=True):
            drain_gathers(j, cur[0], cur[1])
            fire_scatters(j, cur[0], cur[2])
            if drain_prev:
                drain_scatters(j - 1, prev[0], prev[2])
            if fire_next:
                fire_gathers(j + 2, prev[0], prev[1])

        fire_gathers(0, rows_a, sem_ga)
        fire_gathers(1, rows_b, sem_gb)
        step(0, ring[0], ring[2], drain_prev=False)
        step(1, ring[1], ring[0])
        step(2, ring[2], ring[1])

        def triple(g, _):
            j0 = 3 * g
            step(j0, ring[0], ring[2])
            step(j0 + 1, ring[1], ring[0])
            step(j0 + 2, ring[2], ring[1])
            return 0

        lax.fori_loop(1, nsuper // 3 - 1, triple, 0)
        j0 = nsuper - 3
        step(j0, ring[0], ring[2])
        step(j0 + 1, ring[1], ring[0], fire_next=False)
        step(j0 + 2, ring[2], ring[1], fire_next=False)
        drain_scatters(nsuper - 1, ring[2][0], ring[2][2])

        @pl.when(wid < extra)
        def _():
            pltpu.async_copy(
                y_hbm.at[srcbuf.at[base]],
                rows_a.at[pl.ds(0, CHUNK)], sem_ga).wait()
            pltpu.sync_copy(rows_a.at[pl.ds(0, CHUNK)],
                            acc_s.at[dstbuf.at[base]], add=True)

        plsc.subcore_barrier()

        pltpu.sync_copy(
            acc_s.at[pl.ds(s * rpt, rpt)],
            acc_out.at[c, pl.ds(s * rpt, rpt)],
        )

    return msg_kernel(y, edge3)


def _tc_matmul(x2, w2):
    half = x2.shape[0]

    def body(x_ref, w_ref, xw_ref):
        xw_ref[...] = jnp.dot(x_ref[...], w_ref[...],
                              preferred_element_type=jnp.float32)

    return pl.pallas_call(
        body,
        out_shape=jax.ShapeDtypeStruct((half, 128), jnp.float32),
    )(x2, w2)


def _tc_scale(xw128, degp, sel, n):
    half = xw128.shape[0]
    nr = n // 8

    def body(xw_ref, deg_ref, sel_ref, y_ref, dinv_ref):
        dinv = _packed_dinv(deg_ref, sel_ref, n)
        y_ref[...] = xw_ref[...] * dinv
        dinv_ref[...] = dinv

    return pl.pallas_call(
        body,
        out_shape=[
            jax.ShapeDtypeStruct((half, 128), jnp.float32),
            jax.ShapeDtypeStruct((half, 128), jnp.float32),
        ],
    )(xw128, degp, sel)


def _packed_dinv(deg_ref, sel_ref, n):
    nr = n // 8
    a = deg_ref[0, :nr, :] + deg_ref[1, :nr, :]
    parts = [
        jnp.dot(a, sel_ref[k], preferred_element_type=jnp.float32)
        [:, None, :]
        for k in range(4)
    ]
    degsel = jnp.concatenate(parts, axis=1).reshape(n // 2, 128)
    return 1.0 / jnp.sqrt(degsel + 1.0)


def _tc_final(acc2, y128, dinv128, b128, n, out_ch):
    half = n * out_ch // 128

    def body(acc_ref, y_ref, dinv_ref, b_ref, o_ref):
        p = acc_ref[0, :half, :] + acc_ref[1, :half, :] + y_ref[...]
        o_ref[...] = p * dinv_ref[...] + b_ref[...]

    return pl.pallas_call(
        body,
        out_shape=jax.ShapeDtypeStruct((half, 128), jnp.float32),
    )(acc2, y128, dinv128, b128)


def kernel(x, edge_index, W, b):
    n = x.shape[0]
    out_ch = W.shape[1]
    e = edge_index.shape[1]
    assert e % CHUNK == 0

    acc_rows = _round_up(n, NS * CHUNK)
    nch = e // CHUNK
    edge3 = edge_index.reshape(2, nch, CHUNK)

    deg_part = _sc_degree(edge3, acc_rows)
    degp = deg_part.reshape(NC, acc_rows * LANES // 128, 128)

    in_ch = x.shape[1]
    x2 = x.reshape(n // 2, 2 * in_ch)
    z = jnp.zeros_like(W)
    w2 = jnp.concatenate(
        [jnp.concatenate([W, z], axis=1), jnp.concatenate([z, W], axis=1)],
        axis=0)
    xw128 = _tc_matmul(x2, w2)

    lane = lax.broadcasted_iota(jnp.int32, (128, 128), 1)
    row = lax.broadcasted_iota(jnp.int32, (128, 128), 0)
    sel = jnp.stack([
        (row == jnp.where(lane < out_ch, 32 * k, 32 * k + LANES))
        .astype(jnp.float32)
        for k in range(4)])

    y128, dinv128 = _tc_scale(xw128, degp, sel, n)
    y = y128.reshape(n, out_ch)
    acc_part = _sc_messages(y, edge3, acc_rows, out_ch)
    acc2 = acc_part.reshape(NC, acc_rows * out_ch // 128, 128)
    b128 = jnp.tile(b, 128 // out_ch).reshape(1, 128)
    out128 = _tc_final(acc2, y128, dinv128, b128, n, out_ch)
    return out128.reshape(n, out_ch)

# --- scband reference (transcript-rebuilt; emitter-appended) ---
"""Pipeline reference for scband-linear-encoder-21835613733038 (READ-ONLY COPY).

The authoritative reference and input builder live on the scoring server;
editing this copy changes nothing except your own understanding.
"""

import jax, jax.numpy as jnp
import numpy as np

N_NODES = 10000
N_EDGES = 320000
IN_CH = 128
OUT_CH = 64


def setup_inputs(seed: int = 0) -> dict:
    key = jax.random.key(seed)
    k1, k2, k3 = jax.random.split(key, 3)
    x = jax.random.normal(k1, (N_NODES, IN_CH), dtype=jnp.float32)
    edge_index = jax.random.randint(k2, (2, N_EDGES), 0, N_NODES, dtype=jnp.int32)
    # GCNConv params: lin weight (no bias in lin) + separate bias
    W = jax.random.normal(k3, (IN_CH, OUT_CH), dtype=jnp.float32) * (1.0 / np.sqrt(IN_CH))
    b = jnp.zeros((OUT_CH,), dtype=jnp.float32)
    return {"x": x, "edge_index": edge_index, "W": W, "b": b}


def reference(x, edge_index, W, b):
    # Faithful GCNConv (normalize=True, add_self_loops=True, improved=False)
    N = x.shape[0]
    src = edge_index[0]
    dst = edge_index[1]
    loop = jnp.arange(N, dtype=src.dtype)
    src = jnp.concatenate([src, loop])
    dst = jnp.concatenate([dst, loop])
    # linear transform first
    xw = x @ W
    # symmetric gcn normalization with edge_weight = 1
    deg = jnp.zeros((N,), dtype=xw.dtype).at[dst].add(1.0)
    deg_inv_sqrt = jnp.where(deg > 0, 1.0 / jnp.sqrt(deg), 0.0)
    norm = deg_inv_sqrt[src] * deg_inv_sqrt[dst]
    # message = norm * x_j (gather on src), aggregate sum at dst (scatter-add)
    msg = xw[src] * norm[:, None]
    out = jnp.zeros((N, xw.shape[1]), dtype=xw.dtype).at[dst].add(msg)
    return out + b

if __name__ == "__main__":
    import jax
    _d = setup_inputs()
    print(jax.jit(kernel)(*tuple(_d.values())))

</pallas_src>

<mosaic_0001>
#map = affine_map<(d0, d1) -> (0, 0, 0)>
module attributes {stable_mosaic.version = 14 : i64} {
  func.func @deg_kernel(%arg0: i32, %arg1: i32, %arg2: memref<2x2500x128xi32, #tpu.memory_space<hbm>>, %arg3: memref<2x10240x16xf32, #tpu.memory_space<hbm>>, %arg4: memref<79x128xi32, #tpu.memory_space<vmem>>, %arg5: memref<128x16xf32, #tpu.memory_space<vmem>>, %arg6: memref<128x16xf32, #tpu.memory_space<vmem>>, %arg7: memref<10240x16xf32, #tpu.memory_space<vmem_shared>>, %arg8: memref<!tpu.dma_semaphore, #tpu.memory_space<semaphore_mem>>, %arg9: memref<!tpu.dma_semaphore, #tpu.memory_space<semaphore_mem>>) attributes {dimension_semantics = [#tpu.dimension_semantics<core_parallel>, #tpu.dimension_semantics<subcore_parallel>], iteration_bounds = array<i64: 2, 16>, scalar_prefetch = 0 : i64, scratch_operands = 6 : i64, tpu.core_type = #tpu.core_type<sc_vector_subcore>, window_params = [{transform_indices = #map}, {transform_indices = #map}]} {
    %mul3A = arith.constant 16 : i32
    %mul3A_0 = arith.muli %arg0, %mul3A : i32
    %add3A = arith.addi %mul3A_0, %arg1 : i32
    %mul3A_1 = arith.constant 78 : i32
    %mul3A_2 = arith.muli %add3A, %mul3A_1 : i32
    %dma_start3A = arith.constant 1 : i32
    %dma_start3A_3 = arith.constant 0 : i32
    %dma_start3A_4 = arith.constant 0 : i32
    %dma_start3A_5 = tpu.memref_slice %arg4[%dma_start3A_3, %dma_start3A_4] : memref<79x128xi32, #tpu.memory_space<vmem>> -> memref<78x128xi32, #tpu.memory_space<vmem>>
    %dma_start3A_6 = arith.constant 0 : i32
    %dma_start3A_7 = tpu.memref_slice %arg2[%dma_start3A, %mul3A_2, %dma_start3A_6] : memref<2x2500x128xi32, #tpu.memory_space<hbm>> -> memref<1x78x128xi32, #tpu.memory_space<hbm>>
    %dma_start3A_8 = tpu.memref_squeeze %dma_start3A_7 : memref<1x78x128xi32, #tpu.memory_space<hbm>> -> memref<78x128xi32, #tpu.memory_space<hbm>>
    %dma_start3A_9 = arith.constant 0 : i32
    %dma_start3A_10 = arith.constant 0 : i32
    %dma_start3A_11 = tpu.memref_slice %arg4[%dma_start3A_9, %dma_start3A_10] : memref<79x128xi32, #tpu.memory_space<vmem>> -> memref<78x128xi32, #tpu.memory_space<vmem>>
    %dma_start3A_12 = arith.constant 0 : i32
    %dma_start3A_13 = tpu.memref_slice %arg2[%dma_start3A, %mul3A_2, %dma_start3A_12] : memref<2x2500x128xi32, #tpu.memory_space<hbm>> -> memref<1x78x128xi32, #tpu.memory_space<hbm>>
    %dma_start3A_14 = tpu.memref_squeeze %dma_start3A_13 : memref<1x78x128xi32, #tpu.memory_space<hbm>> -> memref<78x128xi32, #tpu.memory_space<hbm>>
    tpu.enqueue_dma source(%dma_start3A_14 : memref<78x128xi32, #tpu.memory_space<hbm>>) target(%dma_start3A_11 : memref<78x128xi32, #tpu.memory_space<vmem>>) target_semaphore(%arg9 : memref<!tpu.dma_semaphore, #tpu.memory_space<semaphore_mem>>)
    %lt3A = arith.constant 4 : i32
    %lt3A_15 = arith.cmpi slt, %add3A, %lt3A : i32
    %convert_element_type3A = arith.extui %lt3A_15 : i1 to i32
    %cond3A = arith.constant 0 : i32
    %cond3A_16 = arith.cmpi ne, %convert_element_type3A, %cond3A : i32
    scf.if %cond3A_16 {
      %add3A_78 = arith.constant 2496 : i32
      %add3A_79 = arith.addi %add3A_78, %add3A : i32
      %dma_start3A_80 = arith.constant 1 : i32
      %dma_start3A_81 = arith.constant 78 : i32
      %dma_start3A_82 = arith.constant 0 : i32
      %dma_start3A_83 = tpu.memref_slice %arg4[%dma_start3A_81, %dma_start3A_82] : memref<79x128xi32, #tpu.memory_space<vmem>> -> memref<1x128xi32, #tpu.memory_space<vmem>>
      %dma_start3A_84 = arith.constant 0 : i32
      %dma_start3A_85 = tpu.memref_slice %arg2[%dma_start3A_80, %add3A_79, %dma_start3A_84] : memref<2x2500x128xi32, #tpu.memory_space<hbm>> -> memref<1x1x128xi32, #tpu.memory_space<hbm>>
      %dma_start3A_86 = tpu.memref_squeeze %dma_start3A_85 : memref<1x1x128xi32, #tpu.memory_space<hbm>> -> memref<1x128xi32, #tpu.memory_space<hbm>>
      %dma_start3A_87 = arith.constant 78 : i32
      %dma_start3A_88 = arith.constant 0 : i32
      %dma_start3A_89 = tpu.memref_slice %arg4[%dma_start3A_87, %dma_start3A_88] : memref<79x128xi32, #tpu.memory_space<vmem>> -> memref<1x128xi32, #tpu.memory_space<vmem>>
      %dma_start3A_90 = arith.constant 0 : i32
      %dma_start3A_91 = tpu.memref_slice %arg2[%dma_start3A_80, %add3A_79, %dma_start3A_90] : memref<2x2500x128xi32, #tpu.memory_space<hbm>> -> memref<1x1x128xi32, #tpu.memory_space<hbm>>
      %dma_start3A_92 = tpu.memref_squeeze %dma_start3A_91 : memref<1x1x128xi32, #tpu.memory_space<hbm>> -> memref<1x128xi32, #tpu.memory_space<hbm>>
      tpu.enqueue_dma source(%dma_start3A_92 : memref<1x128xi32, #tpu.memory_space<hbm>>) target(%dma_start3A_89 : memref<1x128xi32, #tpu.memory_space<vmem>>) target_semaphore(%arg9 : memref<!tpu.dma_semaphore, #tpu.memory_space<semaphore_mem>>)
    } else {
    }
    %scan3A = arith.constant 0 : i32
    %scan3A_17 = arith.constant 0 : i32
    %scan3A_18 = arith.constant 128 : i32
    %scan3A_19 = arith.addi %scan3A_17, %scan3A_18 : i32
    %scan3A_20 = arith.constant 1 : i32
    %scan3A_21 = scf.for %scan3A_78 = %scan3A_17 to %scan3A_19 step %scan3A_20 iter_args(%scan3A_79 = %scan3A) -> (i32)  : i32 {
      %broadcast_in_dim3A = arith.constant 1.000000e+00 : f32
      %broadcast_in_dim3A_80 = vector.broadcast %broadcast_in_dim3A : f32 to vector<16xf32>
      %swap3A = arith.index_cast %scan3A_78 : i32 to index
      %swap3A_81 = arith.constant 0 : index
      %swap3A_82 = tpu.vector_load %arg5[%swap3A, %swap3A_81] {strides = array<i32>} : memref<128x16xf32, #tpu.memory_space<vmem>>, vector<1x16xf32>,
      %swap3A_83 = vector.shape_cast %swap3A_82 : vector<1x16xf32> to vector<16xf32>
      %swap3A_84 = vector.shape_cast %broadcast_in_dim3A_80 : vector<16xf32> to vector<1x16xf32>
      tpu.vector_store %arg5[%swap3A, %swap3A_81], %swap3A_84 {strides = array<i32>} : memref<128x16xf32, #tpu.memory_space<vmem>>, vector<1x16xf32>,
      %scan3A_85 = arith.constant 0 : i32
      scf.yield %scan3A_85 : i32
    }
    %scan3A_22 = arith.constant 128 : i32
    %scan3A_23 = arith.constant 0 : i32
    %scan3A_24 = arith.constant 0 : i32
    %scan3A_25 = arith.constant 128 : i32
    %scan3A_26 = arith.addi %scan3A_24, %scan3A_25 : i32
    %scan3A_27 = arith.constant 1 : i32
    %scan3A_28 = scf.for %scan3A_78 = %scan3A_24 to %scan3A_26 step %scan3A_27 iter_args(%scan3A_79 = %scan3A_23) -> (i32)  : i32 {
      %broadcast_in_dim3A = arith.constant 0.000000e+00 : f32
      %broadcast_in_dim3A_80 = vector.broadcast %broadcast_in_dim3A : f32 to vector<16xf32>
      %swap3A = arith.index_cast %scan3A_78 : i32 to index
      %swap3A_81 = arith.constant 0 : index
      %swap3A_82 = tpu.vector_load %arg6[%swap3A, %swap3A_81] {strides = array<i32>} : memref<128x16xf32, #tpu.memory_space<vmem>>, vector<1x16xf32>,
      %swap3A_83 = vector.shape_cast %swap3A_82 : vector<1x16xf32> to vector<16xf32>
      %swap3A_84 = vector.shape_cast %broadcast_in_dim3A_80 : vector<16xf32> to vector<1x16xf32>
      tpu.vector_store %arg6[%swap3A, %swap3A_81], %swap3A_84 {strides = array<i32>} : memref<128x16xf32, #tpu.memory_space<vmem>>, vector<1x16xf32>,
      %scan3A_85 = arith.constant 0 : i32
      scf.yield %scan3A_85 : i32
    }
    %scan3A_29 = arith.constant 128 : i32
    %scan3A_30 = arith.constant 0 : i32
    %scan3A_31 = arith.constant 0 : i32
    %scan3A_32 = arith.constant 5 : i32
    %scan3A_33 = arith.addi %scan3A_31, %scan3A_32 : i32
    %scan3A_34 = arith.constant 1 : i32
    %scan3A_35 = scf.for %scan3A_78 = %scan3A_31 to %scan3A_33 step %scan3A_34 iter_args(%scan3A_79 = %scan3A_30) -> (i32)  : i32 {
      %mul3A_80 = arith.constant 640 : i32
      %mul3A_81 = arith.muli %arg1, %mul3A_80 : i32
      %mul3A_82 = arith.constant 128 : i32
      %mul3A_83 = arith.muli %scan3A_78, %mul3A_82 : i32
      %add3A_84 = arith.addi %mul3A_81, %mul3A_83 : i32
      %dma_start3A_85 = arith.constant 0 : i32
      %dma_start3A_86 = tpu.memref_slice %arg7[%add3A_84, %dma_start3A_85] : memref<10240x16xf32, #tpu.memory_space<vmem_shared>> -> memref<128x16xf32, #tpu.memory_space<vmem_shared>>
      %dma_start3A_87 = arith.constant 0 : i32
      %dma_start3A_88 = tpu.memref_slice %arg7[%add3A_84, %dma_start3A_87] : memref<10240x16xf32, #tpu.memory_space<vmem_shared>> -> memref<128x16xf32, #tpu.memory_space<vmem_shared>>
      tpu.enqueue_dma source(%arg6 : memref<128x16xf32, #tpu.memory_space<vmem>>) target(%dma_start3A_88 : memref<128x16xf32, #tpu.memory_space<vmem_shared>>) target_semaphore(%arg8 : memref<!tpu.dma_semaphore, #tpu.memory_space<semaphore_mem>>)
      %scan3A_89 = arith.constant 0 : i32
      scf.yield %scan3A_89 : i32
    }
    %scan3A_36 = arith.constant 5 : i32
    %scan3A_37 = arith.constant 0 : i32
    %scan3A_38 = arith.constant 0 : i32
    %scan3A_39 = arith.constant 5 : i32
    %scan3A_40 = arith.addi %scan3A_38, %scan3A_39 : i32
    %scan3A_41 = arith.constant 1 : i32
    %scan3A_42 = scf.for %scan3A_78 = %scan3A_38 to %scan3A_40 step %scan3A_41 iter_args(%scan3A_79 = %scan3A_37) -> (i32)  : i32 {
      %mul3A_80 = arith.constant 640 : i32
      %mul3A_81 = arith.muli %arg1, %mul3A_80 : i32
      %mul3A_82 = arith.constant 128 : i32
      %mul3A_83 = arith.muli %scan3A_78, %mul3A_82 : i32
      %add3A_84 = arith.addi %mul3A_81, %mul3A_83 : i32
      %dma_wait3A_85 = arith.constant 0 : i32
      %dma_wait3A_86 = tpu.memref_slice %arg7[%add3A_84, %dma_wait3A_85] : memref<10240x16xf32, #tpu.memory_space<vmem_shared>> -> memref<128x16xf32, #tpu.memory_space<vmem_shared>>
      %dma_wait3A_87 = arith.constant 0 : i32
      %dma_wait3A_88 = tpu.memref_slice %arg7[%add3A_84, %dma_wait3A_87] : memref<10240x16xf32, #tpu.memory_space<vmem_shared>> -> memref<128x16xf32, #tpu.memory_space<vmem_shared>>
      tpu.wait_dma2 semaphore(%arg8 : memref<!tpu.dma_semaphore, #tpu.memory_space<semaphore_mem>>) src(%arg6 : memref<128x16xf32, #tpu.memory_space<vmem>>) dst(%dma_wait3A_88 : memref<128x16xf32, #tpu.memory_space<vmem_shared>>)
      %scan3A_89 = arith.constant 0 : i32
      scf.yield %scan3A_89 : i32
    }
    %scan3A_43 = arith.constant 5 : i32
    %barrier3A = arith.constant 0 : index
    tpu.barrier barrier_id(%barrier3A)
    %dma_wait3A = arith.constant 1 : i32
    %dma_wait3A_44 = arith.constant 0 : i32
    %dma_wait3A_45 = arith.constant 0 : i32
    %dma_wait3A_46 = tpu.memref_slice %arg4[%dma_wait3A_44, %dma_wait3A_45] : memref<79x128xi32, #tpu.memory_space<vmem>> -> memref<78x128xi32, #tpu.memory_space<vmem>>
    %dma_wait3A_47 = arith.constant 0 : i32
    %dma_wait3A_48 = tpu.memref_slice %arg2[%dma_wait3A, %mul3A_2, %dma_wait3A_47] : memref<2x2500x128xi32, #tpu.memory_space<hbm>> -> memref<1x78x128xi32, #tpu.memory_space<hbm>>
    %dma_wait3A_49 = tpu.memref_squeeze %dma_wait3A_48 : memref<1x78x128xi32, #tpu.memory_space<hbm>> -> memref<78x128xi32, #tpu.memory_space<hbm>>
    %dma_wait3A_50 = arith.constant 0 : i32
    %dma_wait3A_51 = arith.constant 0 : i32
    %dma_wait3A_52 = tpu.memref_slice %arg4[%dma_wait3A_50, %dma_wait3A_51] : memref<79x128xi32, #tpu.memory_space<vmem>> -> memref<78x128xi32, #tpu.memory_space<vmem>>
    %dma_wait3A_53 = arith.constant 0 : i32
    %dma_wait3A_54 = tpu.memref_slice %arg2[%dma_wait3A, %mul3A_2, %dma_wait3A_53] : memref<2x2500x128xi32, #tpu.memory_space<hbm>> -> memref<1x78x128xi32, #tpu.memory_space<hbm>>
    %dma_wait3A_55 = tpu.memref_squeeze %dma_wait3A_54 : memref<1x78x128xi32, #tpu.memory_space<hbm>> -> memref<78x128xi32, #tpu.memory_space<hbm>>
    tpu.wait_dma2 semaphore(%arg9 : memref<!tpu.dma_semaphore, #tpu.memory_space<semaphore_mem>>) src(%dma_wait3A_55 : memref<78x128xi32, #tpu.memory_space<hbm>>) dst(%dma_wait3A_52 : memref<78x128xi32, #tpu.memory_space<vmem>>)
    %lt3A_56 = arith.constant 4 : i32
    %lt3A_57 = arith.cmpi slt, %add3A, %lt3A_56 : i32
    %convert_element_type3A_58 = arith.extui %lt3A_57 : i1 to i32
    %cond3A_59 = arith.constant 0 : i32
    %cond3A_60 = arith.cmpi ne, %convert_element_type3A_58, %cond3A_59 : i32
    scf.if %cond3A_60 {
      %add3A_78 = arith.constant 2496 : i32
      %add3A_79 = arith.addi %add3A_78, %add3A : i32
      %dma_wait3A_80 = arith.constant 1 : i32
      %dma_wait3A_81 = arith.constant 78 : i32
      %dma_wait3A_82 = arith.constant 0 : i32
      %dma_wait3A_83 = tpu.memref_slice %arg4[%dma_wait3A_81, %dma_wait3A_82] : memref<79x128xi32, #tpu.memory_space<vmem>> -> memref<1x128xi32, #tpu.memory_space<vmem>>
      %dma_wait3A_84 = arith.constant 0 : i32
      %dma_wait3A_85 = tpu.memref_slice %arg2[%dma_wait3A_80, %add3A_79, %dma_wait3A_84] : memref<2x2500x128xi32, #tpu.memory_space<hbm>> -> memref<1x1x128xi32, #tpu.memory_space<hbm>>
      %dma_wait3A_86 = tpu.memref_squeeze %dma_wait3A_85 : memref<1x1x128xi32, #tpu.memory_space<hbm>> -> memref<1x128xi32, #tpu.memory_space<hbm>>
      %dma_wait3A_87 = arith.constant 78 : i32
      %dma_wait3A_88 = arith.constant 0 : i32
      %dma_wait3A_89 = tpu.memref_slice %arg4[%dma_wait3A_87, %dma_wait3A_88] : memref<79x128xi32, #tpu.memory_space<vmem>> -> memref<1x128xi32, #tpu.memory_space<vmem>>
      %dma_wait3A_90 = arith.constant 0 : i32
      %dma_wait3A_91 = tpu.memref_slice %arg2[%dma_wait3A_80, %add3A_79, %dma_wait3A_90] : memref<2x2500x128xi32, #tpu.memory_space<hbm>> -> memref<1x1x128xi32, #tpu.memory_space<hbm>>
      %dma_wait3A_92 = tpu.memref_squeeze %dma_wait3A_91 : memref<1x1x128xi32, #tpu.memory_space<hbm>> -> memref<1x128xi32, #tpu.memory_space<hbm>>
      tpu.wait_dma2 semaphore(%arg9 : memref<!tpu.dma_semaphore, #tpu.memory_space<semaphore_mem>>) src(%dma_wait3A_92 : memref<1x128xi32, #tpu.memory_space<hbm>>) dst(%dma_wait3A_89 : memref<1x128xi32, #tpu.memory_space<vmem>>)
    } else {
    }
    %scan3A_61 = arith.constant 0 : i32
    %scan3A_62 = arith.constant 0 : i32
    %scan3A_63 = arith.constant 13 : i32
    %scan3A_64 = arith.addi %scan3A_62, %scan3A_63 : i32
    %scan3A_65 = arith.constant 1 : i32
    %scan3A_66 = scf.for %scan3A_78 = %scan3A_62 to %scan3A_64 step %scan3A_65 iter_args(%scan3A_79 = %scan3A_61) -> (i32)  : i32 {
      %mul3A_80 = arith.constant 6 : i32
      %mul3A_81 = arith.muli %scan3A_78, %mul3A_80 : i32
      %add3A_82 = arith.constant 1 : i32
      %add3A_83 = arith.addi %scan3A_78, %add3A_82 : i32
      %mul3A_84 = arith.constant 6 : i32
      %mul3A_85 = arith.muli %add3A_83, %mul3A_84 : i32
      %while3A = arith.constant 0 : i32
      %while3A_86 = arith.subi %mul3A_85, %mul3A_81 : i32
      %while3A_87 = arith.addi %mul3A_81, %while3A_86 : i32
      %while3A_88 = arith.constant 1 : i32
      %while3A_89 = arith.divsi %while3A_86, %while3A_88 : i32
      %while3A_90 = arith.muli %while3A_89, %while3A_88 : i32
      %while3A_91 = arith.addi %mul3A_81, %while3A_90 : i32
      %while3A_92 = arith.constant 1 : i32
      %while3A_93 = scf.for %while3A_114 = %mul3A_81 to %while3A_91 step %while3A_92 iter_args(%while3A_115 = %while3A) -> (i32)  : i32 {
        %dma_start3A_116 = arith.constant 0 : i32
        %dma_start3A_117 = tpu.memref_slice %arg4[%while3A_114, %dma_start3A_116] : memref<79x128xi32, #tpu.memory_space<vmem>> -> memref<1x128xi32, #tpu.memory_space<vmem>>
        %dma_start3A_118 = tpu.memref_squeeze %dma_start3A_117 : memref<1x128xi32, #tpu.memory_space<vmem>> -> memref<128xi32, #tpu.memory_space<vmem>>
        %dma_start3A_119 = arith.constant 0 : i32
        %dma_start3A_120 = arith.constant 0 : i32
        %dma_start3A_121 = tpu.memref_slice %arg7[%dma_start3A_119, %dma_start3A_120] : memref<10240x16xf32, #tpu.memory_space<vmem_shared>> -> memref<10240x16xf32, #tpu.memory_space<vmem_shared>>
        tpu.enqueue_indirect_dma source(%arg5 : memref<128x16xf32, #tpu.memory_space<vmem>>) target(%dma_start3A_121 : memref<10240x16xf32, #tpu.memory_space<vmem_shared>>) offsets(%dma_start3A_118 : memref<128xi32, #tpu.memory_space<vmem>>) semaphore(%arg8 : memref<!tpu.dma_semaphore, #tpu.memory_space<semaphore_mem>>) {add = true}
        %while3A_122 = arith.constant 0 : i32
        scf.yield %while3A_122 : i32
      }
      %while3A_94 = arith.constant 1 : i32
      %while3A_95 = scf.for %while3A_114 = %while3A_91 to %while3A_87 step %while3A_94 iter_args(%while3A_115 = %while3A_93) -> (i32)  : i32 {
        %dma_start3A_116 = arith.constant 0 : i32
        %dma_start3A_117 = tpu.memref_slice %arg4[%while3A_114, %dma_start3A_116] : memref<79x128xi32, #tpu.memory_space<vmem>> -> memref<1x128xi32, #tpu.memory_space<vmem>>
        %dma_start3A_118 = tpu.memref_squeeze %dma_start3A_117 : memref<1x128xi32, #tpu.memory_space<vmem>> -> memref<128xi32, #tpu.memory_space<vmem>>
        %dma_start3A_119 = arith.constant 0 : i32
        %dma_start3A_120 = arith.constant 0 : i32
        %dma_start3A_121 = tpu.memref_slice %arg7[%dma_start3A_119, %dma_start3A_120] : memref<10240x16xf32, #tpu.memory_space<vmem_shared>> -> memref<10240x16xf32, #tpu.memory_space<vmem_shared>>
        tpu.enqueue_indirect_dma source(%arg5 : memref<128x16xf32, #tpu.memory_space<vmem>>) target(%dma_start3A_121 : memref<10240x16xf32, #tpu.memory_space<vmem_shared>>) offsets(%dma_start3A_118 : memref<128xi32, #tpu.memory_space<vmem>>) semaphore(%arg8 : memref<!tpu.dma_semaphore, #tpu.memory_space<semaphore_mem>>) {add = true}
        %while3A_122 = arith.constant 0 : i32
        scf.yield %while3A_122 : i32
      }
      %mul3A_96 = arith.constant 6 : i32
      %mul3A_97 = arith.muli %scan3A_78, %mul3A_96 : i32
      %add3A_98 = arith.constant 1 : i32
      %add3A_99 = arith.addi %scan3A_78, %add3A_98 : i32
      %mul3A_100 = arith.constant 6 : i32
      %mul3A_101 = arith.muli %add3A_99, %mul3A_100 : i32
      %while3A_102 = arith.constant 0 : i32
      %while3A_103 = arith.subi %mul3A_101, %mul3A_97 : i32
      %while3A_104 = arith.addi %mul3A_97, %while3A_103 : i32
      %while3A_105 = arith.constant 1 : i32
      %while3A_106 = arith.divsi %while3A_103, %while3A_105 : i32
      %while3A_107 = arith.muli %while3A_106, %while3A_105 : i32
      %while3A_108 = arith.addi %mul3A_97, %while3A_107 : i32
      %while3A_109 = arith.constant 1 : i32
      %while3A_110 = scf.for %while3A_114 = %mul3A_97 to %while3A_108 step %while3A_109 iter_args(%while3A_115 = %while3A_102) -> (i32)  : i32 {
        %dma_wait3A_116 = arith.constant 0 : i32
        %dma_wait3A_117 = tpu.memref_slice %arg4[%while3A_114, %dma_wait3A_116] : memref<79x128xi32, #tpu.memory_space<vmem>> -> memref<1x128xi32, #tpu.memory_space<vmem>>
        %dma_wait3A_118 = tpu.memref_squeeze %dma_wait3A_117 : memref<1x128xi32, #tpu.memory_space<vmem>> -> memref<128xi32, #tpu.memory_space<vmem>>
        %dma_wait3A_119 = arith.constant 0 : i32
        %dma_wait3A_120 = arith.constant 0 : i32
        %dma_wait3A_121 = tpu.memref_slice %arg7[%dma_wait3A_119, %dma_wait3A_120] : memref<10240x16xf32, #tpu.memory_space<vmem_shared>> -> memref<10240x16xf32, #tpu.memory_space<vmem_shared>>
        tpu.wait_indirect_dma semaphore(%arg8 : memref<!tpu.dma_semaphore, #tpu.memory_space<semaphore_mem>>) src(%arg5 : memref<128x16xf32, #tpu.memory_space<vmem>>) dst(%dma_wait3A_121 : memref<10240x16xf32, #tpu.memory_space<vmem_shared>>)
        %while3A_122 = arith.constant 0 : i32
        scf.yield %while3A_122 : i32
      }
      %while3A_111 = arith.constant 1 : i32
      %while3A_112 = scf.for %while3A_114 = %while3A_108 to %while3A_104 step %while3A_111 iter_args(%while3A_115 = %while3A_110) -> (i32)  : i32 {
        %dma_wait3A_116 = arith.constant 0 : i32
        %dma_wait3A_117 = tpu.memref_slice %arg4[%while3A_114, %dma_wait3A_116] : memref<79x128xi32, #tpu.memory_space<vmem>> -> memref<1x128xi32, #tpu.memory_space<vmem>>
        %dma_wait3A_118 = tpu.memref_squeeze %dma_wait3A_117 : memref<1x128xi32, #tpu.memory_space<vmem>> -> memref<128xi32, #tpu.memory_space<vmem>>
        %dma_wait3A_119 = arith.constant 0 : i32
        %dma_wait3A_120 = arith.constant 0 : i32
        %dma_wait3A_121 = tpu.memref_slice %arg7[%dma_wait3A_119, %dma_wait3A_120] : memref<10240x16xf32, #tpu.memory_space<vmem_shared>> -> memref<10240x16xf32, #tpu.memory_space<vmem_shared>>
        tpu.wait_indirect_dma semaphore(%arg8 : memref<!tpu.dma_semaphore, #tpu.memory_space<semaphore_mem>>) src(%arg5 : memref<128x16xf32, #tpu.memory_space<vmem>>) dst(%dma_wait3A_121 : memref<10240x16xf32, #tpu.memory_space<vmem_shared>>)
        %while3A_122 = arith.constant 0 : i32
        scf.yield %while3A_122 : i32
      }
      %scan3A_113 = arith.constant 0 : i32
      scf.yield %scan3A_113 : i32
    }
    %scan3A_67 = arith.constant 13 : i32
    %lt3A_68 = arith.constant 4 : i32
    %lt3A_69 = arith.cmpi slt, %add3A, %lt3A_68 : i32
    %convert_element_type3A_70 = arith.extui %lt3A_69 : i1 to i32
    %cond3A_71 = arith.constant 0 : i32
    %cond3A_72 = arith.cmpi ne, %convert_element_type3A_70, %cond3A_71 : i32
    scf.if %cond3A_72 {
      %run_scoped3A = arith.constant 78 : i32
      "tpu.region"() ({
        %run_scoped3A_78 = tpu.sem_alloc : memref<!tpu.dma_semaphore, #tpu.memory_space<semaphore_mem>>
        %dma_start3A_79 = arith.constant 0 : i32
        %dma_start3A_80 = tpu.memref_slice %arg4[%run_scoped3A, %dma_start3A_79] : memref<79x128xi32, #tpu.memory_space<vmem>> -> memref<1x128xi32, #tpu.memory_space<vmem>>
        %dma_start3A_81 = tpu.memref_squeeze %dma_start3A_80 : memref<1x128xi32, #tpu.memory_space<vmem>> -> memref<128xi32, #tpu.memory_space<vmem>>
        %dma_start3A_82 = arith.constant 0 : i32
        %dma_start3A_83 = arith.constant 0 : i32
        %dma_start3A_84 = tpu.memref_slice %arg7[%dma_start3A_82, %dma_start3A_83] : memref<10240x16xf32, #tpu.memory_space<vmem_shared>> -> memref<10240x16xf32, #tpu.memory_space<vmem_shared>>
        tpu.enqueue_indirect_dma source(%arg5 : memref<128x16xf32, #tpu.memory_space<vmem>>) target(%dma_start3A_84 : memref<10240x16xf32, #tpu.memory_space<vmem_shared>>) offsets(%dma_start3A_81 : memref<128xi32, #tpu.memory_space<vmem>>) semaphore(%run_scoped3A_78 : memref<!tpu.dma_semaphore, #tpu.memory_space<semaphore_mem>>) {add = true}
        %dma_wait3A_85 = arith.constant 0 : i32
        %dma_wait3A_86 = tpu.memref_slice %arg4[%run_scoped3A, %dma_wait3A_85] : memref<79x128xi32, #tpu.memory_space<vmem>> -> memref<1x128xi32, #tpu.memory_space<vmem>>
        %dma_wait3A_87 = tpu.memref_squeeze %dma_wait3A_86 : memref<1x128xi32, #tpu.memory_space<vmem>> -> memref<128xi32, #tpu.memory_space<vmem>>
        %dma_wait3A_88 = arith.constant 0 : i32
        %dma_wait3A_89 = arith.constant 0 : i32
        %dma_wait3A_90 = tpu.memref_slice %arg7[%dma_wait3A_88, %dma_wait3A_89] : memref<10240x16xf32, #tpu.memory_space<vmem_shared>> -> memref<10240x16xf32, #tpu.memory_space<vmem_shared>>
        tpu.wait_indirect_dma semaphore(%run_scoped3A_78 : memref<!tpu.dma_semaphore, #tpu.memory_space<semaphore_mem>>) src(%arg5 : memref<128x16xf32, #tpu.memory_space<vmem>>) dst(%dma_wait3A_90 : memref<10240x16xf32, #tpu.memory_space<vmem_shared>>)
        tpu.yield
      }) : () -> ()
    } else {
    }
    %barrier3A_73 = arith.constant 0 : index
    tpu.barrier barrier_id(%barrier3A_73)
    %mul3A_74 = arith.constant 640 : i32
    %mul3A_75 = arith.muli %arg1, %mul3A_74 : i32
    %mul3A_76 = arith.constant 640 : i32
    %mul3A_77 = arith.muli %arg1, %mul3A_76 : i32
    "tpu.region"() ({
      %run_scoped3A = tpu.sem_alloc : memref<!tpu.dma_semaphore, #tpu.memory_space<semaphore_mem>>
      %dma_start3A_78 = arith.constant 0 : i32
      %dma_start3A_79 = tpu.memref_slice %arg3[%arg0, %mul3A_77, %dma_start3A_78] : memref<2x10240x16xf32, #tpu.memory_space<hbm>> -> memref<1x640x16xf32, #tpu.memory_space<hbm>>
      %dma_start3A_80 = tpu.memref_squeeze %dma_start3A_79 : memref<1x640x16xf32, #tpu.memory_space<hbm>> -> memref<640x16xf32, #tpu.memory_space<hbm>>
      %dma_start3A_81 = arith.constant 0 : i32
      %dma_start3A_82 = tpu.memref_slice %arg7[%mul3A_75, %dma_start3A_81] : memref<10240x16xf32, #tpu.memory_space<vmem_shared>> -> memref<640x16xf32, #tpu.memory_space<vmem_shared>>
      tpu.enqueue_dma source(%dma_start3A_82 : memref<640x16xf32, #tpu.memory_space<vmem_shared>>) target(%dma_start3A_80 : memref<640x16xf32, #tpu.memory_space<hbm>>) target_semaphore(%run_scoped3A : memref<!tpu.dma_semaphore, #tpu.memory_space<semaphore_mem>>)
      %dma_wait3A_83 = arith.constant 0 : i32
      %dma_wait3A_84 = tpu.memref_slice %arg3[%arg0, %mul3A_77, %dma_wait3A_83] : memref<2x10240x16xf32, #tpu.memory_space<hbm>> -> memref<1x640x16xf32, #tpu.memory_space<hbm>>
      %dma_wait3A_85 = tpu.memref_squeeze %dma_wait3A_84 : memref<1x640x16xf32, #tpu.memory_space<hbm>> -> memref<640x16xf32, #tpu.memory_space<hbm>>
      %dma_wait3A_86 = arith.constant 0 : i32
      %dma_wait3A_87 = tpu.memref_slice %arg7[%mul3A_75, %dma_wait3A_86] : memref<10240x16xf32, #tpu.memory_space<vmem_shared>> -> memref<640x16xf32, #tpu.memory_space<vmem_shared>>
      tpu.wait_dma2 semaphore(%run_scoped3A : memref<!tpu.dma_semaphore, #tpu.memory_space<semaphore_mem>>) src(%dma_wait3A_87 : memref<640x16xf32, #tpu.memory_space<vmem_shared>>) dst(%dma_wait3A_85 : memref<640x16xf32, #tpu.memory_space<hbm>>)
      tpu.yield
    }) : () -> ()
    return
  }
}

#map = affine_map<(d0, d1) -> (0, 0)>
#map1 = affine_map<(d0, d1) -> (0, 0, 0)>
module attributes {stable_mosaic.version = 14 : i64} {
  func.func @msg_kernel(%arg0: i32, %arg1: i32, %arg2: memref<10000x64xf32, #tpu.memory_space<hbm>>, %arg3: memref<2x2500x128xi32, #tpu.memory_space<hbm>>, %arg4: memref<2x10240x64xf32, #tpu.memory_space<hbm>>, %arg5: memref<79x128xi32, #tpu.memory_space<vmem>>, %arg6: memref<79x128xi32, #tpu.memory_space<vmem>>, %arg7: memref<256x64xf32, #tpu.memory_space<vmem>>, %arg8: memref<256x64xf32, #tpu.memory_space<vmem>>, %arg9: memref<256x64xf32, #tpu.memory_space<vmem>>, %arg10: memref<128x64xf32, #tpu.memory_space<vmem>>, %arg11: memref<10240x64xf32, #tpu.memory_space<vmem_shared>>, %arg12: memref<!tpu.dma_semaphore, #tpu.memory_space<semaphore_mem>>, %arg13: memref<!tpu.dma_semaphore, #tpu.memory_space<semaphore_mem>>, %arg14: memref<!tpu.dma_semaphore, #tpu.memory_space<semaphore_mem>>, %arg15: memref<!tpu.dma_semaphore, #tpu.memory_space<semaphore_mem>>, %arg16: memref<!tpu.dma_semaphore, #tpu.memory_space<semaphore_mem>>, %arg17: memref<!tpu.dma_semaphore, #tpu.memory_space<semaphore_mem>>, %arg18: memref<!tpu.dma_semaphore, #tpu.memory_space<semaphore_mem>>) attributes {dimension_semantics = [#tpu.dimension_semantics<core_parallel>, #tpu.dimension_semantics<subcore_parallel>], iteration_bounds = array<i64: 2, 16>, scalar_prefetch = 0 : i64, scratch_operands = 14 : i64, tpu.core_type = #tpu.core_type<sc_vector_subcore>, window_params = [{transform_indices = #map}, {transform_indices = #map1}, {transform_indices = #map1}]} {
    %mul3A = arith.constant 16 : i32
    %mul3A_0 = arith.muli %arg0, %mul3A : i32
    %add3A = arith.addi %mul3A_0, %arg1 : i32
    %mul3A_1 = arith.constant 78 : i32
    %mul3A_2 = arith.muli %add3A, %mul3A_1 : i32
    %dma_start3A = arith.constant 0 : i32
    %dma_start3A_3 = arith.constant 0 : i32
    %dma_start3A_4 = arith.constant 0 : i32
    %dma_start3A_5 = tpu.memref_slice %arg5[%dma_start3A_3, %dma_start3A_4] : memref<79x128xi32, #tpu.memory_space<vmem>> -> memref<78x128xi32, #tpu.memory_space<vmem>>
    %dma_start3A_6 = arith.constant 0 : i32
    %dma_start3A_7 = tpu.memref_slice %arg3[%dma_start3A, %mul3A_2, %dma_start3A_6] : memref<2x2500x128xi32, #tpu.memory_space<hbm>> -> memref<1x78x128xi32, #tpu.memory_space<hbm>>
    %dma_start3A_8 = tpu.memref_squeeze %dma_start3A_7 : memref<1x78x128xi32, #tpu.memory_space<hbm>> -> memref<78x128xi32, #tpu.memory_space<hbm>>
    %dma_start3A_9 = arith.constant 0 : i32
    %dma_start3A_10 = arith.constant 0 : i32
    %dma_start3A_11 = tpu.memref_slice %arg5[%dma_start3A_9, %dma_start3A_10] : memref<79x128xi32, #tpu.memory_space<vmem>> -> memref<78x128xi32, #tpu.memory_space<vmem>>
    %dma_start3A_12 = arith.constant 0 : i32
    %dma_start3A_13 = tpu.memref_slice %arg3[%dma_start3A, %mul3A_2, %dma_start3A_12] : memref<2x2500x128xi32, #tpu.memory_space<hbm>> -> memref<1x78x128xi32, #tpu.memory_space<hbm>>
    %dma_start3A_14 = tpu.memref_squeeze %dma_start3A_13 : memref<1x78x128xi32, #tpu.memory_space<hbm>> -> memref<78x128xi32, #tpu.memory_space<hbm>>
    tpu.enqueue_dma source(%dma_start3A_14 : memref<78x128xi32, #tpu.memory_space<hbm>>) target(%dma_start3A_11 : memref<78x128xi32, #tpu.memory_space<vmem>>) target_semaphore(%arg18 : memref<!tpu.dma_semaphore, #tpu.memory_space<semaphore_mem>>)
    %mul3A_15 = arith.constant 78 : i32
    %mul3A_16 = arith.muli %add3A, %mul3A_15 : i32
    %dma_start3A_17 = arith.constant 1 : i32
    %dma_start3A_18 = arith.constant 0 : i32
    %dma_start3A_19 = arith.constant 0 : i32
    %dma_start3A_20 = tpu.memref_slice %arg6[%dma_start3A_18, %dma_start3A_19] : memref<79x128xi32, #tpu.memory_space<vmem>> -> memref<78x128xi32, #tpu.memory_space<vmem>>
    %dma_start3A_21 = arith.constant 0 : i32
    %dma_start3A_22 = tpu.memref_slice %arg3[%dma_start3A_17, %mul3A_16, %dma_start3A_21] : memref<2x2500x128xi32, #tpu.memory_space<hbm>> -> memref<1x78x128xi32, #tpu.memory_space<hbm>>
    %dma_start3A_23 = tpu.memref_squeeze %dma_start3A_22 : memref<1x78x128xi32, #tpu.memory_space<hbm>> -> memref<78x128xi32, #tpu.memory_space<hbm>>
    %dma_start3A_24 = arith.constant 0 : i32
    %dma_start3A_25 = arith.constant 0 : i32
    %dma_start3A_26 = tpu.memref_slice %arg6[%dma_start3A_24, %dma_start3A_25] : memref<79x128xi32, #tpu.memory_space<vmem>> -> memref<78x128xi32, #tpu.memory_space<vmem>>
    %dma_start3A_27 = arith.constant 0 : i32
    %dma_start3A_28 = tpu.memref_slice %arg3[%dma_start3A_17, %mul3A_16, %dma_start3A_27] : memref<2x2500x128xi32, #tpu.memory_space<hbm>> -> memref<1x78x128xi32, #tpu.memory_space<hbm>>
    %dma_start3A_29 = tpu.memref_squeeze %dma_start3A_28 : memref<1x78x128xi32, #tpu.memory_space<hbm>> -> memref<78x128xi32, #tpu.memory_space<hbm>>
    tpu.enqueue_dma source(%dma_start3A_29 : memref<78x128xi32, #tpu.memory_space<hbm>>) target(%dma_start3A_26 : memref<78x128xi32, #tpu.memory_space<vmem>>) target_semaphore(%arg18 : memref<!tpu.dma_semaphore, #tpu.memory_space<semaphore_mem>>)
    %lt3A = arith.constant 4 : i32
    %lt3A_30 = arith.cmpi slt, %add3A, %lt3A : i32
    %convert_element_type3A = arith.extui %lt3A_30 : i1 to i32
    %cond3A = arith.constant 0 : i32
    %cond3A_31 = arith.cmpi ne, %convert_element_type3A, %cond3A : i32
    scf.if %cond3A_31 {
      %add3A_579 = arith.constant 2496 : i32
      %add3A_580 = arith.addi %add3A_579, %add3A : i32
      %dma_start3A_581 = arith.constant 0 : i32
      %dma_start3A_582 = arith.constant 78 : i32
      %dma_start3A_583 = arith.constant 0 : i32
      %dma_start3A_584 = tpu.memref_slice %arg5[%dma_start3A_582, %dma_start3A_583] : memref<79x128xi32, #tpu.memory_space<vmem>> -> memref<1x128xi32, #tpu.memory_space<vmem>>
      %dma_start3A_585 = arith.constant 0 : i32
      %dma_start3A_586 = tpu.memref_slice %arg3[%dma_start3A_581, %add3A_580, %dma_start3A_585] : memref<2x2500x128xi32, #tpu.memory_space<hbm>> -> memref<1x1x128xi32, #tpu.memory_space<hbm>>
      %dma_start3A_587 = tpu.memref_squeeze %dma_start3A_586 : memref<1x1x128xi32, #tpu.memory_space<hbm>> -> memref<1x128xi32, #tpu.memory_space<hbm>>
      %dma_start3A_588 = arith.constant 78 : i32
      %dma_start3A_589 = arith.constant 0 : i32
      %dma_start3A_590 = tpu.memref_slice %arg5[%dma_start3A_588, %dma_start3A_589] : memref<79x128xi32, #tpu.memory_space<vmem>> -> memref<1x128xi32, #tpu.memory_space<vmem>>
      %dma_start3A_591 = arith.constant 0 : i32
      %dma_start3A_592 = tpu.memref_slice %arg3[%dma_start3A_581, %add3A_580, %dma_start3A_591] : memref<2x2500x128xi32, #tpu.memory_space<hbm>> -> memref<1x1x128xi32, #tpu.memory_space<hbm>>
      %dma_start3A_593 = tpu.memref_squeeze %dma_start3A_592 : memref<1x1x128xi32, #tpu.memory_space<hbm>> -> memref<1x128xi32, #tpu.memory_space<hbm>>
      tpu.enqueue_dma source(%dma_start3A_593 : memref<1x128xi32, #tpu.memory_space<hbm>>) target(%dma_start3A_590 : memref<1x128xi32, #tpu.memory_space<vmem>>) target_semaphore(%arg18 : memref<!tpu.dma_semaphore, #tpu.memory_space<semaphore_mem>>)
      %add3A_594 = arith.constant 2496 : i32
      %add3A_595 = arith.addi %add3A_594, %add3A : i32
      %dma_start3A_596 = arith.constant 1 : i32
      %dma_start3A_597 = arith.constant 78 : i32
      %dma_start3A_598 = arith.constant 0 : i32
      %dma_start3A_599 = tpu.memref_slice %arg6[%dma_start3A_597, %dma_start3A_598] : memref<79x128xi32, #tpu.memory_space<vmem>> -> memref<1x128xi32, #tpu.memory_space<vmem>>
      %dma_start3A_600 = arith.constant 0 : i32
      %dma_start3A_601 = tpu.memref_slice %arg3[%dma_start3A_596, %add3A_595, %dma_start3A_600] : memref<2x2500x128xi32, #tpu.memory_space<hbm>> -> memref<1x1x128xi32, #tpu.memory_space<hbm>>
      %dma_start3A_602 = tpu.memref_squeeze %dma_start3A_601 : memref<1x1x128xi32, #tpu.memory_space<hbm>> -> memref<1x128xi32, #tpu.memory_space<hbm>>
      %dma_start3A_603 = arith.constant 78 : i32
      %dma_start3A_604 = arith.constant 0 : i32
      %dma_start3A_605 = tpu.memref_slice %arg6[%dma_start3A_603, %dma_start3A_604] : memref<79x128xi32, #tpu.memory_space<vmem>> -> memref<1x128xi32, #tpu.memory_space<vmem>>
      %dma_start3A_606 = arith.constant 0 : i32
      %dma_start3A_607 = tpu.memref_slice %arg3[%dma_start3A_596, %add3A_595, %dma_start3A_606] : memref<2x2500x128xi32, #tpu.memory_space<hbm>> -> memref<1x1x128xi32, #tpu.memory_space<hbm>>
      %dma_start3A_608 = tpu.memref_squeeze %dma_start3A_607 : memref<1x1x128xi32, #tpu.memory_space<hbm>> -> memref<1x128xi32, #tpu.memory_space<hbm>>
      tpu.enqueue_dma source(%dma_start3A_608 : memref<1x128xi32, #tpu.memory_space<hbm>>) target(%dma_start3A_605 : memref<1x128xi32, #tpu.memory_space<vmem>>) target_semaphore(%arg18 : memref<!tpu.dma_semaphore, #tpu.memory_space<semaphore_mem>>)
    } else {
    }
    %scan3A = arith.constant 0 : i32
    %scan3A_32 = arith.constant 0 : i32
    %scan3A_33 = arith.constant 512 : i32
    %scan3A_34 = arith.addi %scan3A_32, %scan3A_33 : i32
    %scan3A_35 = arith.constant 1 : i32
    %scan3A_36 = scf.for %scan3A_579 = %scan3A_32 to %scan3A_34 step %scan3A_35 iter_args(%scan3A_580 = %scan3A) -> (i32)  : i32 {
      %broadcast_in_dim3A = arith.constant 0.000000e+00 : f32
      %broadcast_in_dim3A_581 = vector.broadcast %broadcast_in_dim3A : f32 to vector<16xf32>
      %jit3A = arith.constant 4 : i32
      %div3A = arith.divsi %scan3A_579, %jit3A : i32
      %sign3A = arith.constant 0 : i32
      %sign3A_582 = arith.cmpi sgt, %scan3A_579, %sign3A : i32
      %sign3A_583 = arith.extui %sign3A_582 : i1 to i32
      %sign3A_584 = arith.constant 0 : i32
      %sign3A_585 = arith.cmpi slt, %scan3A_579, %sign3A_584 : i32
      %sign3A_586 = arith.extui %sign3A_585 : i1 to i32
      %sign3A_587 = arith.subi %sign3A_583, %sign3A_586 : i32
      %sign3A_588 = arith.constant 0 : i32
      %sign3A_589 = arith.cmpi sgt, %jit3A, %sign3A_588 : i32
      %sign3A_590 = arith.extui %sign3A_589 : i1 to i32
      %sign3A_591 = arith.constant 0 : i32
      %sign3A_592 = arith.cmpi slt, %jit3A, %sign3A_591 : i32
      %sign3A_593 = arith.extui %sign3A_592 : i1 to i32
      %sign3A_594 = arith.subi %sign3A_590, %sign3A_593 : i32
      %ne3A = arith.cmpi ne, %sign3A_587, %sign3A_594 : i32
      %rem3A = arith.remsi %scan3A_579, %jit3A : i32
      %ne3A_595 = arith.constant 0 : i32
      %ne3A_596 = arith.cmpi ne, %rem3A, %ne3A_595 : i32
      %and3A = arith.andi %ne3A, %ne3A_596 : i1
      %sub3A = arith.constant 1 : i32
      %sub3A_597 = arith.subi %div3A, %sub3A : i32
      %select_n3A = arith.select %and3A, %sub3A_597, %div3A : i32
      %jit3A_598 = arith.constant 4 : i32
      %eq3A = arith.constant 0 : i32
      %eq3A_599 = arith.cmpi eq, %jit3A_598, %eq3A : i32
      %jit3A_600 = arith.constant 1 : i32
      %select_n3A_601 = arith.select %eq3A_599, %jit3A_600, %jit3A_598 : i32
      %rem3A_602 = arith.remsi %scan3A_579, %select_n3A_601 : i32
      %ne3A_603 = arith.constant 0 : i32
      %ne3A_604 = arith.cmpi ne, %rem3A_602, %ne3A_603 : i32
      %lt3A_605 = arith.constant 0 : i32
      %lt3A_606 = arith.cmpi slt, %rem3A_602, %lt3A_605 : i32
      %lt3A_607 = arith.constant 0 : i32
      %lt3A_608 = arith.cmpi slt, %select_n3A_601, %lt3A_607 : i32
      %ne3A_609 = arith.xori %lt3A_606, %lt3A_608 : i1
      %and3A_610 = arith.andi %ne3A_609, %ne3A_604 : i1
      %add3A_611 = arith.addi %rem3A_602, %select_n3A_601 : i32
      %select_n3A_612 = arith.select %and3A_610, %add3A_611, %rem3A_602 : i32
      %mul3A_613 = arith.constant 16 : i32
      %mul3A_614 = arith.muli %select_n3A_612, %mul3A_613 : i32
      %swap3A = arith.index_cast %select_n3A : i32 to index
      %swap3A_615 = arith.index_cast %mul3A_614 : i32 to index
      %swap3A_616 = tpu.vector_load %arg10[%swap3A, %swap3A_615] {strides = array<i32>} : memref<128x64xf32, #tpu.memory_space<vmem>>, vector<1x16xf32>,
      %swap3A_617 = vector.shape_cast %swap3A_616 : vector<1x16xf32> to vector<16xf32>
      %swap3A_618 = vector.shape_cast %broadcast_in_dim3A_581 : vector<16xf32> to vector<1x16xf32>
      tpu.vector_store %arg10[%swap3A, %swap3A_615], %swap3A_618 {strides = array<i32>} : memref<128x64xf32, #tpu.memory_space<vmem>>, vector<1x16xf32>,
      %scan3A_619 = arith.constant 0 : i32
      scf.yield %scan3A_619 : i32
    }
    %scan3A_37 = arith.constant 512 : i32
    %scan3A_38 = arith.constant 0 : i32
    %scan3A_39 = arith.constant 0 : i32
    %scan3A_40 = arith.constant 5 : i32
    %scan3A_41 = arith.addi %scan3A_39, %scan3A_40 : i32
    %scan3A_42 = arith.constant 1 : i32
    %scan3A_43 = scf.for %scan3A_579 = %scan3A_39 to %scan3A_41 step %scan3A_42 iter_args(%scan3A_580 = %scan3A_38) -> (i32)  : i32 {
      %mul3A_581 = arith.constant 640 : i32
      %mul3A_582 = arith.muli %arg1, %mul3A_581 : i32
      %mul3A_583 = arith.constant 128 : i32
      %mul3A_584 = arith.muli %scan3A_579, %mul3A_583 : i32
      %add3A_585 = arith.addi %mul3A_582, %mul3A_584 : i32
      %dma_start3A_586 = arith.constant 0 : i32
      %dma_start3A_587 = tpu.memref_slice %arg11[%add3A_585, %dma_start3A_586] : memref<10240x64xf32, #tpu.memory_space<vmem_shared>> -> memref<128x64xf32, #tpu.memory_space<vmem_shared>>
      %dma_start3A_588 = arith.constant 0 : i32
      %dma_start3A_589 = tpu.memref_slice %arg11[%add3A_585, %dma_start3A_588] : memref<10240x64xf32, #tpu.memory_space<vmem_shared>> -> memref<128x64xf32, #tpu.memory_space<vmem_shared>>
      tpu.enqueue_dma source(%arg10 : memref<128x64xf32, #tpu.memory_space<vmem>>) target(%dma_start3A_589 : memref<128x64xf32, #tpu.memory_space<vmem_shared>>) target_semaphore(%arg15 : memref<!tpu.dma_semaphore, #tpu.memory_space<semaphore_mem>>)
      %scan3A_590 = arith.constant 0 : i32
      scf.yield %scan3A_590 : i32
    }
    %scan3A_44 = arith.constant 5 : i32
    %scan3A_45 = arith.constant 0 : i32
    %scan3A_46 = arith.constant 0 : i32
    %scan3A_47 = arith.constant 5 : i32
    %scan3A_48 = arith.addi %scan3A_46, %scan3A_47 : i32
    %scan3A_49 = arith.constant 1 : i32
    %scan3A_50 = scf.for %scan3A_579 = %scan3A_46 to %scan3A_48 step %scan3A_49 iter_args(%scan3A_580 = %scan3A_45) -> (i32)  : i32 {
      %mul3A_581 = arith.constant 640 : i32
      %mul3A_582 = arith.muli %arg1, %mul3A_581 : i32
      %mul3A_583 = arith.constant 128 : i32
      %mul3A_584 = arith.muli %scan3A_579, %mul3A_583 : i32
      %add3A_585 = arith.addi %mul3A_582, %mul3A_584 : i32
      %dma_wait3A_586 = arith.constant 0 : i32
      %dma_wait3A_587 = tpu.memref_slice %arg11[%add3A_585, %dma_wait3A_586] : memref<10240x64xf32, #tpu.memory_space<vmem_shared>> -> memref<128x64xf32, #tpu.memory_space<vmem_shared>>
      %dma_wait3A_588 = arith.constant 0 : i32
      %dma_wait3A_589 = tpu.memref_slice %arg11[%add3A_585, %dma_wait3A_588] : memref<10240x64xf32, #tpu.memory_space<vmem_shared>> -> memref<128x64xf32, #tpu.memory_space<vmem_shared>>
      tpu.wait_dma2 semaphore(%arg15 : memref<!tpu.dma_semaphore, #tpu.memory_space<semaphore_mem>>) src(%arg10 : memref<128x64xf32, #tpu.memory_space<vmem>>) dst(%dma_wait3A_589 : memref<128x64xf32, #tpu.memory_space<vmem_shared>>)
      %scan3A_590 = arith.constant 0 : i32
      scf.yield %scan3A_590 : i32
    }
    %scan3A_51 = arith.constant 5 : i32
    %barrier3A = arith.constant 0 : index
    tpu.barrier barrier_id(%barrier3A)
    %dma_wait3A = arith.constant 0 : i32
    %dma_wait3A_52 = arith.constant 0 : i32
    %dma_wait3A_53 = arith.constant 0 : i32
    %dma_wait3A_54 = tpu.memref_slice %arg5[%dma_wait3A_52, %dma_wait3A_53] : memref<79x128xi32, #tpu.memory_space<vmem>> -> memref<78x128xi32, #tpu.memory_space<vmem>>
    %dma_wait3A_55 = arith.constant 0 : i32
    %dma_wait3A_56 = tpu.memref_slice %arg3[%dma_wait3A, %mul3A_2, %dma_wait3A_55] : memref<2x2500x128xi32, #tpu.memory_space<hbm>> -> memref<1x78x128xi32, #tpu.memory_space<hbm>>
    %dma_wait3A_57 = tpu.memref_squeeze %dma_wait3A_56 : memref<1x78x128xi32, #tpu.memory_space<hbm>> -> memref<78x128xi32, #tpu.memory_space<hbm>>
    %dma_wait3A_58 = arith.constant 0 : i32
    %dma_wait3A_59 = arith.constant 0 : i32
    %dma_wait3A_60 = tpu.memref_slice %arg5[%dma_wait3A_58, %dma_wait3A_59] : memref<79x128xi32, #tpu.memory_space<vmem>> -> memref<78x128xi32, #tpu.memory_space<vmem>>
    %dma_wait3A_61 = arith.constant 0 : i32
    %dma_wait3A_62 = tpu.memref_slice %arg3[%dma_wait3A, %mul3A_2, %dma_wait3A_61] : memref<2x2500x128xi32, #tpu.memory_space<hbm>> -> memref<1x78x128xi32, #tpu.memory_space<hbm>>
    %dma_wait3A_63 = tpu.memref_squeeze %dma_wait3A_62 : memref<1x78x128xi32, #tpu.memory_space<hbm>> -> memref<78x128xi32, #tpu.memory_space<hbm>>
    tpu.wait_dma2 semaphore(%arg18 : memref<!tpu.dma_semaphore, #tpu.memory_space<semaphore_mem>>) src(%dma_wait3A_63 : memref<78x128xi32, #tpu.memory_space<hbm>>) dst(%dma_wait3A_60 : memref<78x128xi32, #tpu.memory_space<vmem>>)
    %dma_wait3A_64 = arith.constant 1 : i32
    %dma_wait3A_65 = arith.constant 0 : i32
    %dma_wait3A_66 = arith.constant 0 : i32
    %dma_wait3A_67 = tpu.memref_slice %arg6[%dma_wait3A_65, %dma_wait3A_66] : memref<79x128xi32, #tpu.memory_space<vmem>> -> memref<78x128xi32, #tpu.memory_space<vmem>>
    %dma_wait3A_68 = arith.constant 0 : i32
    %dma_wait3A_69 = tpu.memref_slice %arg3[%dma_wait3A_64, %mul3A_16, %dma_wait3A_68] : memref<2x2500x128xi32, #tpu.memory_space<hbm>> -> memref<1x78x128xi32, #tpu.memory_space<hbm>>
    %dma_wait3A_70 = tpu.memref_squeeze %dma_wait3A_69 : memref<1x78x128xi32, #tpu.memory_space<hbm>> -> memref<78x128xi32, #tpu.memory_space<hbm>>
    %dma_wait3A_71 = arith.constant 0 : i32
    %dma_wait3A_72 = arith.constant 0 : i32
    %dma_wait3A_73 = tpu.memref_slice %arg6[%dma_wait3A_71, %dma_wait3A_72] : memref<79x128xi32, #tpu.memory_space<vmem>> -> memref<78x128xi32, #tpu.memory_space<vmem>>
    %dma_wait3A_74 = arith.constant 0 : i32
    %dma_wait3A_75 = tpu.memref_slice %arg3[%dma_wait3A_64, %mul3A_16, %dma_wait3A_74] : memref<2x2500x128xi32, #tpu.memory_space<hbm>> -> memref<1x78x128xi32, #tpu.memory_space<hbm>>
    %dma_wait3A_76 = tpu.memref_squeeze %dma_wait3A_75 : memref<1x78x128xi32, #tpu.memory_space<hbm>> -> memref<78x128xi32, #tpu.memory_space<hbm>>
    tpu.wait_dma2 semaphore(%arg18 : memref<!tpu.dma_semaphore, #tpu.memory_space<semaphore_mem>>) src(%dma_wait3A_76 : memref<78x128xi32, #tpu.memory_space<hbm>>) dst(%dma_wait3A_73 : memref<78x128xi32, #tpu.memory_space<vmem>>)
    %lt3A_77 = arith.constant 4 : i32
    %lt3A_78 = arith.cmpi slt, %add3A, %lt3A_77 : i32
    %convert_element_type3A_79 = arith.extui %lt3A_78 : i1 to i32
    %cond3A_80 = arith.constant 0 : i32
    %cond3A_81 = arith.cmpi ne, %convert_element_type3A_79, %cond3A_80 : i32
    scf.if %cond3A_81 {
      %add3A_579 = arith.constant 2496 : i32
      %add3A_580 = arith.addi %add3A_579, %add3A : i32
      %dma_wait3A_581 = arith.constant 0 : i32
      %dma_wait3A_582 = arith.constant 78 : i32
      %dma_wait3A_583 = arith.constant 0 : i32
      %dma_wait3A_584 = tpu.memref_slice %arg5[%dma_wait3A_582, %dma_wait3A_583] : memref<79x128xi32, #tpu.memory_space<vmem>> -> memref<1x128xi32, #tpu.memory_space<vmem>>
      %dma_wait3A_585 = arith.constant 0 : i32
      %dma_wait3A_586 = tpu.memref_slice %arg3[%dma_wait3A_581, %add3A_580, %dma_wait3A_585] : memref<2x2500x128xi32, #tpu.memory_space<hbm>> -> memref<1x1x128xi32, #tpu.memory_space<hbm>>
      %dma_wait3A_587 = tpu.memref_squeeze %dma_wait3A_586 : memref<1x1x128xi32, #tpu.memory_space<hbm>> -> memref<1x128xi32, #tpu.memory_space<hbm>>
      %dma_wait3A_588 = arith.constant 78 : i32
      %dma_wait3A_589 = arith.constant 0 : i32
      %dma_wait3A_590 = tpu.memref_slice %arg5[%dma_wait3A_588, %dma_wait3A_589] : memref<79x128xi32, #tpu.memory_space<vmem>> -> memref<1x128xi32, #tpu.memory_space<vmem>>
      %dma_wait3A_591 = arith.constant 0 : i32
      %dma_wait3A_592 = tpu.memref_slice %arg3[%dma_wait3A_581, %add3A_580, %dma_wait3A_591] : memref<2x2500x128xi32, #tpu.memory_space<hbm>> -> memref<1x1x128xi32, #tpu.memory_space<hbm>>
      %dma_wait3A_593 = tpu.memref_squeeze %dma_wait3A_592 : memref<1x1x128xi32, #tpu.memory_space<hbm>> -> memref<1x128xi32, #tpu.memory_space<hbm>>
      tpu.wait_dma2 semaphore(%arg18 : memref<!tpu.dma_semaphore, #tpu.memory_space<semaphore_mem>>) src(%dma_wait3A_593 : memref<1x128xi32, #tpu.memory_space<hbm>>) dst(%dma_wait3A_590 : memref<1x128xi32, #tpu.memory_space<vmem>>)
      %add3A_594 = arith.constant 2496 : i32
      %add3A_595 = arith.addi %add3A_594, %add3A : i32
      %dma_wait3A_596 = arith.constant 1 : i32
      %dma_wait3A_597 = arith.constant 78 : i32
      %dma_wait3A_598 = arith.constant 0 : i32
      %dma_wait3A_599 = tpu.memref_slice %arg6[%dma_wait3A_597, %dma_wait3A_598] : memref<79x128xi32, #tpu.memory_space<vmem>> -> memref<1x128xi32, #tpu.memory_space<vmem>>
      %dma_wait3A_600 = arith.constant 0 : i32
      %dma_wait3A_601 = tpu.memref_slice %arg3[%dma_wait3A_596, %add3A_595, %dma_wait3A_600] : memref<2x2500x128xi32, #tpu.memory_space<hbm>> -> memref<1x1x128xi32, #tpu.memory_space<hbm>>
      %dma_wait3A_602 = tpu.memref_squeeze %dma_wait3A_601 : memref<1x1x128xi32, #tpu.memory_space<hbm>> -> memref<1x128xi32, #tpu.memory_space<hbm>>
      %dma_wait3A_603 = arith.constant 78 : i32
      %dma_wait3A_604 = arith.constant 0 : i32
      %dma_wait3A_605 = tpu.memref_slice %arg6[%dma_wait3A_603, %dma_wait3A_604] : memref<79x128xi32, #tpu.memory_space<vmem>> -> memref<1x128xi32, #tpu.memory_space<vmem>>
      %dma_wait3A_606 = arith.constant 0 : i32
      %dma_wait3A_607 = tpu.memref_slice %arg3[%dma_wait3A_596, %add3A_595, %dma_wait3A_606] : memref<2x2500x128xi32, #tpu.memory_space<hbm>> -> memref<1x1x128xi32, #tpu.memory_space<hbm>>
      %dma_wait3A_608 = tpu.memref_squeeze %dma_wait3A_607 : memref<1x1x128xi32, #tpu.memory_space<hbm>> -> memref<1x128xi32, #tpu.memory_space<hbm>>
      tpu.wait_dma2 semaphore(%arg18 : memref<!tpu.dma_semaphore, #tpu.memory_space<semaphore_mem>>) src(%dma_wait3A_608 : memref<1x128xi32, #tpu.memory_space<hbm>>) dst(%dma_wait3A_605 : memref<1x128xi32, #tpu.memory_space<vmem>>)
    } else {
    }
    %dma_start3A_82 = arith.constant 0 : i32
    %dma_start3A_83 = arith.constant 0 : i32
    %dma_start3A_84 = arith.constant 0 : i32
    %dma_start3A_85 = tpu.memref_slice %arg7[%dma_start3A_83, %dma_start3A_84] : memref<256x64xf32, #tpu.memory_space<vmem>> -> memref<128x64xf32, #tpu.memory_space<vmem>>
    %dma_start3A_86 = arith.constant 0 : i32
    %dma_start3A_87 = tpu.memref_slice %arg5[%dma_start3A_82, %dma_start3A_86] : memref<79x128xi32, #tpu.memory_space<vmem>> -> memref<1x128xi32, #tpu.memory_space<vmem>>
    %dma_start3A_88 = tpu.memref_squeeze %dma_start3A_87 : memref<1x128xi32, #tpu.memory_space<vmem>> -> memref<128xi32, #tpu.memory_space<vmem>>
    %dma_start3A_89 = arith.constant 0 : i32
    %dma_start3A_90 = arith.constant 0 : i32
    %dma_start3A_91 = tpu.memref_slice %arg2[%dma_start3A_89, %dma_start3A_90] : memref<10000x64xf32, #tpu.memory_space<hbm>> -> memref<10000x64xf32, #tpu.memory_space<hbm>>
    tpu.enqueue_indirect_dma source(%dma_start3A_91 : memref<10000x64xf32, #tpu.memory_space<hbm>>) target(%dma_start3A_85 : memref<128x64xf32, #tpu.memory_space<vmem>>) offsets(%dma_start3A_88 : memref<128xi32, #tpu.memory_space<vmem>>) semaphore(%arg12 : memref<!tpu.dma_semaphore, #tpu.memory_space<semaphore_mem>>)
    %dma_start3A_92 = arith.constant 1 : i32
    %dma_start3A_93 = arith.constant 128 : i32
    %dma_start3A_94 = arith.constant 0 : i32
    %dma_start3A_95 = tpu.memref_slice %arg7[%dma_start3A_93, %dma_start3A_94] : memref<256x64xf32, #tpu.memory_space<vmem>> -> memref<128x64xf32, #tpu.memory_space<vmem>>
    %dma_start3A_96 = arith.constant 0 : i32
    %dma_start3A_97 = tpu.memref_slice %arg5[%dma_start3A_92, %dma_start3A_96] : memref<79x128xi32, #tpu.memory_space<vmem>> -> memref<1x128xi32, #tpu.memory_space<vmem>>
    %dma_start3A_98 = tpu.memref_squeeze %dma_start3A_97 : memref<1x128xi32, #tpu.memory_space<vmem>> -> memref<128xi32, #tpu.memory_space<vmem>>
    %dma_start3A_99 = arith.constant 0 : i32
    %dma_start3A_100 = arith.constant 0 : i32
    %dma_start3A_101 = tpu.memref_slice %arg2[%dma_start3A_99, %dma_start3A_100] : memref<10000x64xf32, #tpu.memory_space<hbm>> -> memref<10000x64xf32, #tpu.memory_space<hbm>>
    tpu.enqueue_indirect_dma source(%dma_start3A_101 : memref<10000x64xf32, #tpu.memory_space<hbm>>) target(%dma_start3A_95 : memref<128x64xf32, #tpu.memory_space<vmem>>) offsets(%dma_start3A_98 : memref<128xi32, #tpu.memory_space<vmem>>) semaphore(%arg12 : memref<!tpu.dma_semaphore, #tpu.memory_space<semaphore_mem>>)
    %dma_start3A_102 = arith.constant 2 : i32
    %dma_start3A_103 = arith.constant 0 : i32
    %dma_start3A_104 = arith.constant 0 : i32
    %dma_start3A_105 = tpu.memref_slice %arg8[%dma_start3A_103, %dma_start3A_104] : memref<256x64xf32, #tpu.memory_space<vmem>> -> memref<128x64xf32, #tpu.memory_space<vmem>>
    %dma_start3A_106 = arith.constant 0 : i32
    %dma_start3A_107 = tpu.memref_slice %arg5[%dma_start3A_102, %dma_start3A_106] : memref<79x128xi32, #tpu.memory_space<vmem>> -> memref<1x128xi32, #tpu.memory_space<vmem>>
    %dma_start3A_108 = tpu.memref_squeeze %dma_start3A_107 : memref<1x128xi32, #tpu.memory_space<vmem>> -> memref<128xi32, #tpu.memory_space<vmem>>
    %dma_start3A_109 = arith.constant 0 : i32
    %dma_start3A_110 = arith.constant 0 : i32
    %dma_start3A_111 = tpu.memref_slice %arg2[%dma_start3A_109, %dma_start3A_110] : memref<10000x64xf32, #tpu.memory_space<hbm>> -> memref<10000x64xf32, #tpu.memory_space<hbm>>
    tpu.enqueue_indirect_dma source(%dma_start3A_111 : memref<10000x64xf32, #tpu.memory_space<hbm>>) target(%dma_start3A_105 : memref<128x64xf32, #tpu.memory_space<vmem>>) offsets(%dma_start3A_108 : memref<128xi32, #tpu.memory_space<vmem>>) semaphore(%arg13 : memref<!tpu.dma_semaphore, #tpu.memory_space<semaphore_mem>>)
    %dma_start3A_112 = arith.constant 3 : i32
    %dma_start3A_113 = arith.constant 128 : i32
    %dma_start3A_114 = arith.constant 0 : i32
    %dma_start3A_115 = tpu.memref_slice %arg8[%dma_start3A_113, %dma_start3A_114] : memref<256x64xf32, #tpu.memory_space<vmem>> -> memref<128x64xf32, #tpu.memory_space<vmem>>
    %dma_start3A_116 = arith.constant 0 : i32
    %dma_start3A_117 = tpu.memref_slice %arg5[%dma_start3A_112, %dma_start3A_116] : memref<79x128xi32, #tpu.memory_space<vmem>> -> memref<1x128xi32, #tpu.memory_space<vmem>>
    %dma_start3A_118 = tpu.memref_squeeze %dma_start3A_117 : memref<1x128xi32, #tpu.memory_space<vmem>> -> memref<128xi32, #tpu.memory_space<vmem>>
    %dma_start3A_119 = arith.constant 0 : i32
    %dma_start3A_120 = arith.constant 0 : i32
    %dma_start3A_121 = tpu.memref_slice %arg2[%dma_start3A_119, %dma_start3A_120] : memref<10000x64xf32, #tpu.memory_space<hbm>> -> memref<10000x64xf32, #tpu.memory_space<hbm>>
    tpu.enqueue_indirect_dma source(%dma_start3A_121 : memref<10000x64xf32, #tpu.memory_space<hbm>>) target(%dma_start3A_115 : memref<128x64xf32, #tpu.memory_space<vmem>>) offsets(%dma_start3A_118 : memref<128xi32, #tpu.memory_space<vmem>>) semaphore(%arg13 : memref<!tpu.dma_semaphore, #tpu.memory_space<semaphore_mem>>)
    %dma_wait3A_122 = arith.constant 0 : i32
    %dma_wait3A_123 = arith.constant 0 : i32
    %dma_wait3A_124 = arith.constant 0 : i32
    %dma_wait3A_125 = tpu.memref_slice %arg7[%dma_wait3A_123, %dma_wait3A_124] : memref<256x64xf32, #tpu.memory_space<vmem>> -> memref<128x64xf32, #tpu.memory_space<vmem>>
    %dma_wait3A_126 = arith.constant 0 : i32
    %dma_wait3A_127 = tpu.memref_slice %arg5[%dma_wait3A_122, %dma_wait3A_126] : memref<79x128xi32, #tpu.memory_space<vmem>> -> memref<1x128xi32, #tpu.memory_space<vmem>>
    %dma_wait3A_128 = tpu.memref_squeeze %dma_wait3A_127 : memref<1x128xi32, #tpu.memory_space<vmem>> -> memref<128xi32, #tpu.memory_space<vmem>>
    %dma_wait3A_129 = arith.constant 0 : i32
    %dma_wait3A_130 = arith.constant 0 : i32
    %dma_wait3A_131 = tpu.memref_slice %arg2[%dma_wait3A_129, %dma_wait3A_130] : memref<10000x64xf32, #tpu.memory_space<hbm>> -> memref<10000x64xf32, #tpu.memory_space<hbm>>
    tpu.wait_indirect_dma semaphore(%arg12 : memref<!tpu.dma_semaphore, #tpu.memory_space<semaphore_mem>>) src(%dma_wait3A_131 : memref<10000x64xf32, #tpu.memory_space<hbm>>) dst(%dma_wait3A_125 : memref<128x64xf32, #tpu.memory_space<vmem>>)
    %dma_wait3A_132 = arith.constant 1 : i32
    %dma_wait3A_133 = arith.constant 128 : i32
    %dma_wait3A_134 = arith.constant 0 : i32
    %dma_wait3A_135 = tpu.memref_slice %arg7[%dma_wait3A_133, %dma_wait3A_134] : memref<256x64xf32, #tpu.memory_space<vmem>> -> memref<128x64xf32, #tpu.memory_space<vmem>>
    %dma_wait3A_136 = arith.constant 0 : i32
    %dma_wait3A_137 = tpu.memref_slice %arg5[%dma_wait3A_132, %dma_wait3A_136] : memref<79x128xi32, #tpu.memory_space<vmem>> -> memref<1x128xi32, #tpu.memory_space<vmem>>
    %dma_wait3A_138 = tpu.memref_squeeze %dma_wait3A_137 : memref<1x128xi32, #tpu.memory_space<vmem>> -> memref<128xi32, #tpu.memory_space<vmem>>
    %dma_wait3A_139 = arith.constant 0 : i32
    %dma_wait3A_140 = arith.constant 0 : i32
    %dma_wait3A_141 = tpu.memref_slice %arg2[%dma_wait3A_139, %dma_wait3A_140] : memref<10000x64xf32, #tpu.memory_space<hbm>> -> memref<10000x64xf32, #tpu.memory_space<hbm>>
    tpu.wait_indirect_dma semaphore(%arg12 : memref<!tpu.dma_semaphore, #tpu.memory_space<semaphore_mem>>) src(%dma_wait3A_141 : memref<10000x64xf32, #tpu.memory_space<hbm>>) dst(%dma_wait3A_135 : memref<128x64xf32, #tpu.memory_space<vmem>>)
    %dma_start3A_142 = arith.constant 0 : i32
    %dma_start3A_143 = arith.constant 0 : i32
    %dma_start3A_144 = arith.constant 0 : i32
    %dma_start3A_145 = tpu.memref_slice %arg7[%dma_start3A_143, %dma_start3A_144] : memref<256x64xf32, #tpu.memory_space<vmem>> -> memref<128x64xf32, #tpu.memory_space<vmem>>
    %dma_start3A_146 = arith.constant 0 : i32
    %dma_start3A_147 = tpu.memref_slice %arg6[%dma_start3A_142, %dma_start3A_146] : memref<79x128xi32, #tpu.memory_space<vmem>> -> memref<1x128xi32, #tpu.memory_space<vmem>>
    %dma_start3A_148 = tpu.memref_squeeze %dma_start3A_147 : memref<1x128xi32, #tpu.memory_space<vmem>> -> memref<128xi32, #tpu.memory_space<vmem>>
    %dma_start3A_149 = arith.constant 0 : i32
    %dma_start3A_150 = arith.constant 0 : i32
    %dma_start3A_151 = tpu.memref_slice %arg11[%dma_start3A_149, %dma_start3A_150] : memref<10240x64xf32, #tpu.memory_space<vmem_shared>> -> memref<10240x64xf32, #tpu.memory_space<vmem_shared>>
    tpu.enqueue_indirect_dma source(%dma_start3A_145 : memref<128x64xf32, #tpu.memory_space<vmem>>) target(%dma_start3A_151 : memref<10240x64xf32, #tpu.memory_space<vmem_shared>>) offsets(%dma_start3A_148 : memref<128xi32, #tpu.memory_space<vmem>>) semaphore(%arg15 : memref<!tpu.dma_semaphore, #tpu.memory_space<semaphore_mem>>) {add = true}
    %dma_start3A_152 = arith.constant 1 : i32
    %dma_start3A_153 = arith.constant 128 : i32
    %dma_start3A_154 = arith.constant 0 : i32
    %dma_start3A_155 = tpu.memref_slice %arg7[%dma_start3A_153, %dma_start3A_154] : memref<256x64xf32, #tpu.memory_space<vmem>> -> memref<128x64xf32, #tpu.memory_space<vmem>>
    %dma_start3A_156 = arith.constant 0 : i32
    %dma_start3A_157 = tpu.memref_slice %arg6[%dma_start3A_152, %dma_start3A_156] : memref<79x128xi32, #tpu.memory_space<vmem>> -> memref<1x128xi32, #tpu.memory_space<vmem>>
    %dma_start3A_158 = tpu.memref_squeeze %dma_start3A_157 : memref<1x128xi32, #tpu.memory_space<vmem>> -> memref<128xi32, #tpu.memory_space<vmem>>
    %dma_start3A_159 = arith.constant 0 : i32
    %dma_start3A_160 = arith.constant 0 : i32
    %dma_start3A_161 = tpu.memref_slice %arg11[%dma_start3A_159, %dma_start3A_160] : memref<10240x64xf32, #tpu.memory_space<vmem_shared>> -> memref<10240x64xf32, #tpu.memory_space<vmem_shared>>
    tpu.enqueue_indirect_dma source(%dma_start3A_155 : memref<128x64xf32, #tpu.memory_space<vmem>>) target(%dma_start3A_161 : memref<10240x64xf32, #tpu.memory_space<vmem_shared>>) offsets(%dma_start3A_158 : memref<128xi32, #tpu.memory_space<vmem>>) semaphore(%arg15 : memref<!tpu.dma_semaphore, #tpu.memory_space<semaphore_mem>>) {add = true}
    %dma_start3A_162 = arith.constant 4 : i32
    %dma_start3A_163 = arith.constant 0 : i32
    %dma_start3A_164 = arith.constant 0 : i32
    %dma_start3A_165 = tpu.memref_slice %arg9[%dma_start3A_163, %dma_start3A_164] : memref<256x64xf32, #tpu.memory_space<vmem>> -> memref<128x64xf32, #tpu.memory_space<vmem>>
    %dma_start3A_166 = arith.constant 0 : i32
    %dma_start3A_167 = tpu.memref_slice %arg5[%dma_start3A_162, %dma_start3A_166] : memref<79x128xi32, #tpu.memory_space<vmem>> -> memref<1x128xi32, #tpu.memory_space<vmem>>
    %dma_start3A_168 = tpu.memref_squeeze %dma_start3A_167 : memref<1x128xi32, #tpu.memory_space<vmem>> -> memref<128xi32, #tpu.memory_space<vmem>>
    %dma_start3A_169 = arith.constant 0 : i32
    %dma_start3A_170 = arith.constant 0 : i32
    %dma_start3A_171 = tpu.memref_slice %arg2[%dma_start3A_169, %dma_start3A_170] : memref<10000x64xf32, #tpu.memory_space<hbm>> -> memref<10000x64xf32, #tpu.memory_space<hbm>>
    tpu.enqueue_indirect_dma source(%dma_start3A_171 : memref<10000x64xf32, #tpu.memory_space<hbm>>) target(%dma_start3A_165 : memref<128x64xf32, #tpu.memory_space<vmem>>) offsets(%dma_start3A_168 : memref<128xi32, #tpu.memory_space<vmem>>) semaphore(%arg14 : memref<!tpu.dma_semaphore, #tpu.memory_space<semaphore_mem>>)
    %dma_start3A_172 = arith.constant 5 : i32
    %dma_start3A_173 = arith.constant 128 : i32
    %dma_start3A_174 = arith.constant 0 : i32
    %dma_start3A_175 = tpu.memref_slice %arg9[%dma_start3A_173, %dma_start3A_174] : memref<256x64xf32, #tpu.memory_space<vmem>> -> memref<128x64xf32, #tpu.memory_space<vmem>>
    %dma_start3A_176 = arith.constant 0 : i32
    %dma_start3A_177 = tpu.memref_slice %arg5[%dma_start3A_172, %dma_start3A_176] : memref<79x128xi32, #tpu.memory_space<vmem>> -> memref<1x128xi32, #tpu.memory_space<vmem>>
    %dma_start3A_178 = tpu.memref_squeeze %dma_start3A_177 : memref<1x128xi32, #tpu.memory_space<vmem>> -> memref<128xi32, #tpu.memory_space<vmem>>
    %dma_start3A_179 = arith.constant 0 : i32
    %dma_start3A_180 = arith.constant 0 : i32
    %dma_start3A_181 = tpu.memref_slice %arg2[%dma_start3A_179, %dma_start3A_180] : memref<10000x64xf32, #tpu.memory_space<hbm>> -> memref<10000x64xf32, #tpu.memory_space<hbm>>
    tpu.enqueue_indirect_dma source(%dma_start3A_181 : memref<10000x64xf32, #tpu.memory_space<hbm>>) target(%dma_start3A_175 : memref<128x64xf32, #tpu.memory_space<vmem>>) offsets(%dma_start3A_178 : memref<128xi32, #tpu.memory_space<vmem>>) semaphore(%arg14 : memref<!tpu.dma_semaphore, #tpu.memory_space<semaphore_mem>>)
    %dma_wait3A_182 = arith.constant 2 : i32
    %dma_wait3A_183 = arith.constant 0 : i32
    %dma_wait3A_184 = arith.constant 0 : i32
    %dma_wait3A_185 = tpu.memref_slice %arg8[%dma_wait3A_183, %dma_wait3A_184] : memref<256x64xf32, #tpu.memory_space<vmem>> -> memref<128x64xf32, #tpu.memory_space<vmem>>
    %dma_wait3A_186 = arith.constant 0 : i32
    %dma_wait3A_187 = tpu.memref_slice %arg5[%dma_wait3A_182, %dma_wait3A_186] : memref<79x128xi32, #tpu.memory_space<vmem>> -> memref<1x128xi32, #tpu.memory_space<vmem>>
    %dma_wait3A_188 = tpu.memref_squeeze %dma_wait3A_187 : memref<1x128xi32, #tpu.memory_space<vmem>> -> memref<128xi32, #tpu.memory_space<vmem>>
    %dma_wait3A_189 = arith.constant 0 : i32
    %dma_wait3A_190 = arith.constant 0 : i32
    %dma_wait3A_191 = tpu.memref_slice %arg2[%dma_wait3A_189, %dma_wait3A_190] : memref<10000x64xf32, #tpu.memory_space<hbm>> -> memref<10000x64xf32, #tpu.memory_space<hbm>>
    tpu.wait_indirect_dma semaphore(%arg13 : memref<!tpu.dma_semaphore, #tpu.memory_space<semaphore_mem>>) src(%dma_wait3A_191 : memref<10000x64xf32, #tpu.memory_space<hbm>>) dst(%dma_wait3A_185 : memref<128x64xf32, #tpu.memory_space<vmem>>)
    %dma_wait3A_192 = arith.constant 3 : i32
    %dma_wait3A_193 = arith.constant 128 : i32
    %dma_wait3A_194 = arith.constant 0 : i32
    %dma_wait3A_195 = tpu.memref_slice %arg8[%dma_wait3A_193, %dma_wait3A_194] : memref<256x64xf32, #tpu.memory_space<vmem>> -> memref<128x64xf32, #tpu.memory_space<vmem>>
    %dma_wait3A_196 = arith.constant 0 : i32
    %dma_wait3A_197 = tpu.memref_slice %arg5[%dma_wait3A_192, %dma_wait3A_196] : memref<79x128xi32, #tpu.memory_space<vmem>> -> memref<1x128xi32, #tpu.memory_space<vmem>>
    %dma_wait3A_198 = tpu.memref_squeeze %dma_wait3A_197 : memref<1x128xi32, #tpu.memory_space<vmem>> -> memref<128xi32, #tpu.memory_space<vmem>>
    %dma_wait3A_199 = arith.constant 0 : i32
    %dma_wait3A_200 = arith.constant 0 : i32
    %dma_wait3A_201 = tpu.memref_slice %arg2[%dma_wait3A_199, %dma_wait3A_200] : memref<10000x64xf32, #tpu.memory_space<hbm>> -> memref<10000x64xf32, #tpu.memory_space<hbm>>
    tpu.wait_indirect_dma semaphore(%arg13 : memref<!tpu.dma_semaphore, #tpu.memory_space<semaphore_mem>>) src(%dma_wait3A_201 : memref<10000x64xf32, #tpu.memory_space<hbm>>) dst(%dma_wait3A_195 : memref<128x64xf32, #tpu.memory_space<vmem>>)
    %dma_start3A_202 = arith.constant 2 : i32
    %dma_start3A_203 = arith.constant 0 : i32
    %dma_start3A_204 = arith.constant 0 : i32
    %dma_start3A_205 = tpu.memref_slice %arg8[%dma_start3A_203, %dma_start3A_204] : memref<256x64xf32, #tpu.memory_space<vmem>> -> memref<128x64xf32, #tpu.memory_space<vmem>>
    %dma_start3A_206 = arith.constant 0 : i32
    %dma_start3A_207 = tpu.memref_slice %arg6[%dma_start3A_202, %dma_start3A_206] : memref<79x128xi32, #tpu.memory_space<vmem>> -> memref<1x128xi32, #tpu.memory_space<vmem>>
    %dma_start3A_208 = tpu.memref_squeeze %dma_start3A_207 : memref<1x128xi32, #tpu.memory_space<vmem>> -> memref<128xi32, #tpu.memory_space<vmem>>
    %dma_start3A_209 = arith.constant 0 : i32
    %dma_start3A_210 = arith.constant 0 : i32
    %dma_start3A_211 = tpu.memref_slice %arg11[%dma_start3A_209, %dma_start3A_210] : memref<10240x64xf32, #tpu.memory_space<vmem_shared>> -> memref<10240x64xf32, #tpu.memory_space<vmem_shared>>
    tpu.enqueue_indirect_dma source(%dma_start3A_205 : memref<128x64xf32, #tpu.memory_space<vmem>>) target(%dma_start3A_211 : memref<10240x64xf32, #tpu.memory_space<vmem_shared>>) offsets(%dma_start3A_208 : memref<128xi32, #tpu.memory_space<vmem>>) semaphore(%arg16 : memref<!tpu.dma_semaphore, #tpu.memory_space<semaphore_mem>>) {add = true}
    %dma_start3A_212 = arith.constant 3 : i32
    %dma_start3A_213 = arith.constant 128 : i32
    %dma_start3A_214 = arith.constant 0 : i32
    %dma_start3A_215 = tpu.memref_slice %arg8[%dma_start3A_213, %dma_start3A_214] : memref<256x64xf32, #tpu.memory_space<vmem>> -> memref<128x64xf32, #tpu.memory_space<vmem>>
    %dma_start3A_216 = arith.constant 0 : i32
    %dma_start3A_217 = tpu.memref_slice %arg6[%dma_start3A_212, %dma_start3A_216] : memref<79x128xi32, #tpu.memory_space<vmem>> -> memref<1x128xi32, #tpu.memory_space<vmem>>
    %dma_start3A_218 = tpu.memref_squeeze %dma_start3A_217 : memref<1x128xi32, #tpu.memory_space<vmem>> -> memref<128xi32, #tpu.memory_space<vmem>>
    %dma_start3A_219 = arith.constant 0 : i32
    %dma_start3A_220 = arith.constant 0 : i32
    %dma_start3A_221 = tpu.memref_slice %arg11[%dma_start3A_219, %dma_start3A_220] : memref<10240x64xf32, #tpu.memory_space<vmem_shared>> -> memref<10240x64xf32, #tpu.memory_space<vmem_shared>>
    tpu.enqueue_indirect_dma source(%dma_start3A_215 : memref<128x64xf32, #tpu.memory_space<vmem>>) target(%dma_start3A_221 : memref<10240x64xf32, #tpu.memory_space<vmem_shared>>) offsets(%dma_start3A_218 : memref<128xi32, #tpu.memory_space<vmem>>) semaphore(%arg16 : memref<!tpu.dma_semaphore, #tpu.memory_space<semaphore_mem>>) {add = true}
    %dma_wait3A_222 = arith.constant 0 : i32
    %dma_wait3A_223 = arith.constant 0 : i32
    %dma_wait3A_224 = arith.constant 0 : i32
    %dma_wait3A_225 = tpu.memref_slice %arg7[%dma_wait3A_223, %dma_wait3A_224] : memref<256x64xf32, #tpu.memory_space<vmem>> -> memref<128x64xf32, #tpu.memory_space<vmem>>
    %dma_wait3A_226 = arith.constant 0 : i32
    %dma_wait3A_227 = tpu.memref_slice %arg6[%dma_wait3A_222, %dma_wait3A_226] : memref<79x128xi32, #tpu.memory_space<vmem>> -> memref<1x128xi32, #tpu.memory_space<vmem>>
    %dma_wait3A_228 = tpu.memref_squeeze %dma_wait3A_227 : memref<1x128xi32, #tpu.memory_space<vmem>> -> memref<128xi32, #tpu.memory_space<vmem>>
    %dma_wait3A_229 = arith.constant 0 : i32
    %dma_wait3A_230 = arith.constant 0 : i32
    %dma_wait3A_231 = tpu.memref_slice %arg11[%dma_wait3A_229, %dma_wait3A_230] : memref<10240x64xf32, #tpu.memory_space<vmem_shared>> -> memref<10240x64xf32, #tpu.memory_space<vmem_shared>>
    tpu.wait_indirect_dma semaphore(%arg15 : memref<!tpu.dma_semaphore, #tpu.memory_space<semaphore_mem>>) src(%dma_wait3A_225 : memref<128x64xf32, #tpu.memory_space<vmem>>) dst(%dma_wait3A_231 : memref<10240x64xf32, #tpu.memory_space<vmem_shared>>)
    %dma_wait3A_232 = arith.constant 1 : i32
    %dma_wait3A_233 = arith.constant 128 : i32
    %dma_wait3A_234 = arith.constant 0 : i32
    %dma_wait3A_235 = tpu.memref_slice %arg7[%dma_wait3A_233, %dma_wait3A_234] : memref<256x64xf32, #tpu.memory_space<vmem>> -> memref<128x64xf32, #tpu.memory_space<vmem>>
    %dma_wait3A_236 = arith.constant 0 : i32
    %dma_wait3A_237 = tpu.memref_slice %arg6[%dma_wait3A_232, %dma_wait3A_236] : memref<79x128xi32, #tpu.memory_space<vmem>> -> memref<1x128xi32, #tpu.memory_space<vmem>>
    %dma_wait3A_238 = tpu.memref_squeeze %dma_wait3A_237 : memref<1x128xi32, #tpu.memory_space<vmem>> -> memref<128xi32, #tpu.memory_space<vmem>>
    %dma_wait3A_239 = arith.constant 0 : i32
    %dma_wait3A_240 = arith.constant 0 : i32
    %dma_wait3A_241 = tpu.memref_slice %arg11[%dma_wait3A_239, %dma_wait3A_240] : memref<10240x64xf32, #tpu.memory_space<vmem_shared>> -> memref<10240x64xf32, #tpu.memory_space<vmem_shared>>
    tpu.wait_indirect_dma semaphore(%arg15 : memref<!tpu.dma_semaphore, #tpu.memory_space<semaphore_mem>>) src(%dma_wait3A_235 : memref<128x64xf32, #tpu.memory_space<vmem>>) dst(%dma_wait3A_241 : memref<10240x64xf32, #tpu.memory_space<vmem_shared>>)
    %dma_start3A_242 = arith.constant 6 : i32
    %dma_start3A_243 = arith.constant 0 : i32
    %dma_start3A_244 = arith.constant 0 : i32
    %dma_start3A_245 = tpu.memref_slice %arg7[%dma_start3A_243, %dma_start3A_244] : memref<256x64xf32, #tpu.memory_space<vmem>> -> memref<128x64xf32, #tpu.memory_space<vmem>>
    %dma_start3A_246 = arith.constant 0 : i32
    %dma_start3A_247 = tpu.memref_slice %arg5[%dma_start3A_242, %dma_start3A_246] : memref<79x128xi32, #tpu.memory_space<vmem>> -> memref<1x128xi32, #tpu.memory_space<vmem>>
    %dma_start3A_248 = tpu.memref_squeeze %dma_start3A_247 : memref<1x128xi32, #tpu.memory_space<vmem>> -> memref<128xi32, #tpu.memory_space<vmem>>
    %dma_start3A_249 = arith.constant 0 : i32
    %dma_start3A_250 = arith.constant 0 : i32
    %dma_start3A_251 = tpu.memref_slice %arg2[%dma_start3A_249, %dma_start3A_250] : memref<10000x64xf32, #tpu.memory_space<hbm>> -> memref<10000x64xf32, #tpu.memory_space<hbm>>
    tpu.enqueue_indirect_dma source(%dma_start3A_251 : memref<10000x64xf32, #tpu.memory_space<hbm>>) target(%dma_start3A_245 : memref<128x64xf32, #tpu.memory_space<vmem>>) offsets(%dma_start3A_248 : memref<128xi32, #tpu.memory_space<vmem>>) semaphore(%arg12 : memref<!tpu.dma_semaphore, #tpu.memory_space<semaphore_mem>>)
    %dma_start3A_252 = arith.constant 7 : i32
    %dma_start3A_253 = arith.constant 128 : i32
    %dma_start3A_254 = arith.constant 0 : i32
    %dma_start3A_255 = tpu.memref_slice %arg7[%dma_start3A_253, %dma_start3A_254] : memref<256x64xf32, #tpu.memory_space<vmem>> -> memref<128x64xf32, #tpu.memory_space<vmem>>
    %dma_start3A_256 = arith.constant 0 : i32
    %dma_start3A_257 = tpu.memref_slice %arg5[%dma_start3A_252, %dma_start3A_256] : memref<79x128xi32, #tpu.memory_space<vmem>> -> memref<1x128xi32, #tpu.memory_space<vmem>>
    %dma_start3A_258 = tpu.memref_squeeze %dma_start3A_257 : memref<1x128xi32, #tpu.memory_space<vmem>> -> memref<128xi32, #tpu.memory_space<vmem>>
    %dma_start3A_259 = arith.constant 0 : i32
    %dma_start3A_260 = arith.constant 0 : i32
    %dma_start3A_261 = tpu.memref_slice %arg2[%dma_start3A_259, %dma_start3A_260] : memref<10000x64xf32, #tpu.memory_space<hbm>> -> memref<10000x64xf32, #tpu.memory_space<hbm>>
    tpu.enqueue_indirect_dma source(%dma_start3A_261 : memref<10000x64xf32, #tpu.memory_space<hbm>>) target(%dma_start3A_255 : memref<128x64xf32, #tpu.memory_space<vmem>>) offsets(%dma_start3A_258 : memref<128xi32, #tpu.memory_space<vmem>>) semaphore(%arg12 : memref<!tpu.dma_semaphore, #tpu.memory_space<semaphore_mem>>)
    %dma_wait3A_262 = arith.constant 4 : i32
    %dma_wait3A_263 = arith.constant 0 : i32
    %dma_wait3A_264 = arith.constant 0 : i32
    %dma_wait3A_265 = tpu.memref_slice %arg9[%dma_wait3A_263, %dma_wait3A_264] : memref<256x64xf32, #tpu.memory_space<vmem>> -> memref<128x64xf32, #tpu.memory_space<vmem>>
    %dma_wait3A_266 = arith.constant 0 : i32
    %dma_wait3A_267 = tpu.memref_slice %arg5[%dma_wait3A_262, %dma_wait3A_266] : memref<79x128xi32, #tpu.memory_space<vmem>> -> memref<1x128xi32, #tpu.memory_space<vmem>>
    %dma_wait3A_268 = tpu.memref_squeeze %dma_wait3A_267 : memref<1x128xi32, #tpu.memory_space<vmem>> -> memref<128xi32, #tpu.memory_space<vmem>>
    %dma_wait3A_269 = arith.constant 0 : i32
    %dma_wait3A_270 = arith.constant 0 : i32
    %dma_wait3A_271 = tpu.memref_slice %arg2[%dma_wait3A_269, %dma_wait3A_270] : memref<10000x64xf32, #tpu.memory_space<hbm>> -> memref<10000x64xf32, #tpu.memory_space<hbm>>
    tpu.wait_indirect_dma semaphore(%arg14 : memref<!tpu.dma_semaphore, #tpu.memory_space<semaphore_mem>>) src(%dma_wait3A_271 : memref<10000x64xf32, #tpu.memory_space<hbm>>) dst(%dma_wait3A_265 : memref<128x64xf32, #tpu.memory_space<vmem>>)
    %dma_wait3A_272 = arith.constant 5 : i32
    %dma_wait3A_273 = arith.constant 128 : i32
    %dma_wait3A_274 = arith.constant 0 : i32
    %dma_wait3A_275 = tpu.memref_slice %arg9[%dma_wait3A_273, %dma_wait3A_274] : memref<256x64xf32, #tpu.memory_space<vmem>> -> memref<128x64xf32, #tpu.memory_space<vmem>>
    %dma_wait3A_276 = arith.constant 0 : i32
    %dma_wait3A_277 = tpu.memref_slice %arg5[%dma_wait3A_272, %dma_wait3A_276] : memref<79x128xi32, #tpu.memory_space<vmem>> -> memref<1x128xi32, #tpu.memory_space<vmem>>
    %dma_wait3A_278 = tpu.memref_squeeze %dma_wait3A_277 : memref<1x128xi32, #tpu.memory_space<vmem>> -> memref<128xi32, #tpu.memory_space<vmem>>
    %dma_wait3A_279 = arith.constant 0 : i32
    %dma_wait3A_280 = arith.constant 0 : i32
    %dma_wait3A_281 = tpu.memref_slice %arg2[%dma_wait3A_279, %dma_wait3A_280] : memref<10000x64xf32, #tpu.memory_space<hbm>> -> memref<10000x64xf32, #tpu.memory_space<hbm>>
    tpu.wait_indirect_dma semaphore(%arg14 : memref<!tpu.dma_semaphore, #tpu.memory_space<semaphore_mem>>) src(%dma_wait3A_281 : memref<10000x64xf32, #tpu.memory_space<hbm>>) dst(%dma_wait3A_275 : memref<128x64xf32, #tpu.memory_space<vmem>>)
    %dma_start3A_282 = arith.constant 4 : i32
    %dma_start3A_283 = arith.constant 0 : i32
    %dma_start3A_284 = arith.constant 0 : i32
    %dma_start3A_285 = tpu.memref_slice %arg9[%dma_start3A_283, %dma_start3A_284] : memref<256x64xf32, #tpu.memory_space<vmem>> -> memref<128x64xf32, #tpu.memory_space<vmem>>
    %dma_start3A_286 = arith.constant 0 : i32
    %dma_start3A_287 = tpu.memref_slice %arg6[%dma_start3A_282, %dma_start3A_286] : memref<79x128xi32, #tpu.memory_space<vmem>> -> memref<1x128xi32, #tpu.memory_space<vmem>>
    %dma_start3A_288 = tpu.memref_squeeze %dma_start3A_287 : memref<1x128xi32, #tpu.memory_space<vmem>> -> memref<128xi32, #tpu.memory_space<vmem>>
    %dma_start3A_289 = arith.constant 0 : i32
    %dma_start3A_290 = arith.constant 0 : i32
    %dma_start3A_291 = tpu.memref_slice %arg11[%dma_start3A_289, %dma_start3A_290] : memref<10240x64xf32, #tpu.memory_space<vmem_shared>> -> memref<10240x64xf32, #tpu.memory_space<vmem_shared>>
    tpu.enqueue_indirect_dma source(%dma_start3A_285 : memref<128x64xf32, #tpu.memory_space<vmem>>) target(%dma_start3A_291 : memref<10240x64xf32, #tpu.memory_space<vmem_shared>>) offsets(%dma_start3A_288 : memref<128xi32, #tpu.memory_space<vmem>>) semaphore(%arg17 : memref<!tpu.dma_semaphore, #tpu.memory_space<semaphore_mem>>) {add = true}
    %dma_start3A_292 = arith.constant 5 : i32
    %dma_start3A_293 = arith.constant 128 : i32
    %dma_start3A_294 = arith.constant 0 : i32
    %dma_start3A_295 = tpu.memref_slice %arg9[%dma_start3A_293, %dma_start3A_294] : memref<256x64xf32, #tpu.memory_space<vmem>> -> memref<128x64xf32, #tpu.memory_space<vmem>>
    %dma_start3A_296 = arith.constant 0 : i32
    %dma_start3A_297 = tpu.memref_slice %arg6[%dma_start3A_292, %dma_start3A_296] : memref<79x128xi32, #tpu.memory_space<vmem>> -> memref<1x128xi32, #tpu.memory_space<vmem>>
    %dma_start3A_298 = tpu.memref_squeeze %dma_start3A_297 : memref<1x128xi32, #tpu.memory_space<vmem>> -> memref<128xi32, #tpu.memory_space<vmem>>
    %dma_start3A_299 = arith.constant 0 : i32
    %dma_start3A_300 = arith.constant 0 : i32
    %dma_start3A_301 = tpu.memref_slice %arg11[%dma_start3A_299, %dma_start3A_300] : memref<10240x64xf32, #tpu.memory_space<vmem_shared>> -> memref<10240x64xf32, #tpu.memory_space<vmem_shared>>
    tpu.enqueue_indirect_dma source(%dma_start3A_295 : memref<128x64xf32, #tpu.memory_space<vmem>>) target(%dma_start3A_301 : memref<10240x64xf32, #tpu.memory_space<vmem_shared>>) offsets(%dma_start3A_298 : memref<128xi32, #tpu.memory_space<vmem>>) semaphore(%arg17 : memref<!tpu.dma_semaphore, #tpu.memory_space<semaphore_mem>>) {add = true}
    %dma_wait3A_302 = arith.constant 2 : i32
    %dma_wait3A_303 = arith.constant 0 : i32
    %dma_wait3A_304 = arith.constant 0 : i32
    %dma_wait3A_305 = tpu.memref_slice %arg8[%dma_wait3A_303, %dma_wait3A_304] : memref<256x64xf32, #tpu.memory_space<vmem>> -> memref<128x64xf32, #tpu.memory_space<vmem>>
    %dma_wait3A_306 = arith.constant 0 : i32
    %dma_wait3A_307 = tpu.memref_slice %arg6[%dma_wait3A_302, %dma_wait3A_306] : memref<79x128xi32, #tpu.memory_space<vmem>> -> memref<1x128xi32, #tpu.memory_space<vmem>>
    %dma_wait3A_308 = tpu.memref_squeeze %dma_wait3A_307 : memref<1x128xi32, #tpu.memory_space<vmem>> -> memref<128xi32, #tpu.memory_space<vmem>>
    %dma_wait3A_309 = arith.constant 0 : i32
    %dma_wait3A_310 = arith.constant 0 : i32
    %dma_wait3A_311 = tpu.memref_slice %arg11[%dma_wait3A_309, %dma_wait3A_310] : memref<10240x64xf32, #tpu.memory_space<vmem_shared>> -> memref<10240x64xf32, #tpu.memory_space<vmem_shared>>
    tpu.wait_indirect_dma semaphore(%arg16 : memref<!tpu.dma_semaphore, #tpu.memory_space<semaphore_mem>>) src(%dma_wait3A_305 : memref<128x64xf32, #tpu.memory_space<vmem>>) dst(%dma_wait3A_311 : memref<10240x64xf32, #tpu.memory_space<vmem_shared>>)
    %dma_wait3A_312 = arith.constant 3 : i32
    %dma_wait3A_313 = arith.constant 128 : i32
    %dma_wait3A_314 = arith.constant 0 : i32
    %dma_wait3A_315 = tpu.memref_slice %arg8[%dma_wait3A_313, %dma_wait3A_314] : memref<256x64xf32, #tpu.memory_space<vmem>> -> memref<128x64xf32, #tpu.memory_space<vmem>>
    %dma_wait3A_316 = arith.constant 0 : i32
    %dma_wait3A_317 = tpu.memref_slice %arg6[%dma_wait3A_312, %dma_wait3A_316] : memref<79x128xi32, #tpu.memory_space<vmem>> -> memref<1x128xi32, #tpu.memory_space<vmem>>
    %dma_wait3A_318 = tpu.memref_squeeze %dma_wait3A_317 : memref<1x128xi32, #tpu.memory_space<vmem>> -> memref<128xi32, #tpu.memory_space<vmem>>
    %dma_wait3A_319 = arith.constant 0 : i32
    %dma_wait3A_320 = arith.constant 0 : i32
    %dma_wait3A_321 = tpu.memref_slice %arg11[%dma_wait3A_319, %dma_wait3A_320] : memref<10240x64xf32, #tpu.memory_space<vmem_shared>> -> memref<10240x64xf32, #tpu.memory_space<vmem_shared>>
    tpu.wait_indirect_dma semaphore(%arg16 : memref<!tpu.dma_semaphore, #tpu.memory_space<semaphore_mem>>) src(%dma_wait3A_315 : memref<128x64xf32, #tpu.memory_space<vmem>>) dst(%dma_wait3A_321 : memref<10240x64xf32, #tpu.memory_space<vmem_shared>>)
    %dma_start3A_322 = arith.constant 8 : i32
    %dma_start3A_323 = arith.constant 0 : i32
    %dma_start3A_324 = arith.constant 0 : i32
    %dma_start3A_325 = tpu.memref_slice %arg8[%dma_start3A_323, %dma_start3A_324] : memref<256x64xf32, #tpu.memory_space<vmem>> -> memref<128x64xf32, #tpu.memory_space<vmem>>
    %dma_start3A_326 = arith.constant 0 : i32
    %dma_start3A_327 = tpu.memref_slice %arg5[%dma_start3A_322, %dma_start3A_326] : memref<79x128xi32, #tpu.memory_space<vmem>> -> memref<1x128xi32, #tpu.memory_space<vmem>>
    %dma_start3A_328 = tpu.memref_squeeze %dma_start3A_327 : memref<1x128xi32, #tpu.memory_space<vmem>> -> memref<128xi32, #tpu.memory_space<vmem>>
    %dma_start3A_329 = arith.constant 0 : i32
    %dma_start3A_330 = arith.constant 0 : i32
    %dma_start3A_331 = tpu.memref_slice %arg2[%dma_start3A_329, %dma_start3A_330] : memref<10000x64xf32, #tpu.memory_space<hbm>> -> memref<10000x64xf32, #tpu.memory_space<hbm>>
    tpu.enqueue_indirect_dma source(%dma_start3A_331 : memref<10000x64xf32, #tpu.memory_space<hbm>>) target(%dma_start3A_325 : memref<128x64xf32, #tpu.memory_space<vmem>>) offsets(%dma_start3A_328 : memref<128xi32, #tpu.memory_space<vmem>>) semaphore(%arg13 : memref<!tpu.dma_semaphore, #tpu.memory_space<semaphore_mem>>)
    %dma_start3A_332 = arith.constant 9 : i32
    %dma_start3A_333 = arith.constant 128 : i32
    %dma_start3A_334 = arith.constant 0 : i32
    %dma_start3A_335 = tpu.memref_slice %arg8[%dma_start3A_333, %dma_start3A_334] : memref<256x64xf32, #tpu.memory_space<vmem>> -> memref<128x64xf32, #tpu.memory_space<vmem>>
    %dma_start3A_336 = arith.constant 0 : i32
    %dma_start3A_337 = tpu.memref_slice %arg5[%dma_start3A_332, %dma_start3A_336] : memref<79x128xi32, #tpu.memory_space<vmem>> -> memref<1x128xi32, #tpu.memory_space<vmem>>
    %dma_start3A_338 = tpu.memref_squeeze %dma_start3A_337 : memref<1x128xi32, #tpu.memory_space<vmem>> -> memref<128xi32, #tpu.memory_space<vmem>>
    %dma_start3A_339 = arith.constant 0 : i32
    %dma_start3A_340 = arith.constant 0 : i32
    %dma_start3A_341 = tpu.memref_slice %arg2[%dma_start3A_339, %dma_start3A_340] : memref<10000x64xf32, #tpu.memory_space<hbm>> -> memref<10000x64xf32, #tpu.memory_space<hbm>>
    tpu.enqueue_indirect_dma source(%dma_start3A_341 : memref<10000x64xf32, #tpu.memory_space<hbm>>) target(%dma_start3A_335 : memref<128x64xf32, #tpu.memory_space<vmem>>) offsets(%dma_start3A_338 : memref<128xi32, #tpu.memory_space<vmem>>) semaphore(%arg13 : memref<!tpu.dma_semaphore, #tpu.memory_space<semaphore_mem>>)
    %scan3A_342 = arith.constant 0 : i32
    %scan3A_343 = arith.constant 1 : i32
    %scan3A_344 = arith.constant 11 : i32
    %scan3A_345 = arith.addi %scan3A_343, %scan3A_344 : i32
    %scan3A_346 = arith.constant 1 : i32
    %scan3A_347 = scf.for %scan3A_579 = %scan3A_343 to %scan3A_345 step %scan3A_346 iter_args(%scan3A_580 = %scan3A_342) -> (i32)  : i32 {
      %mul3A_581 = arith.constant 3 : i32
      %mul3A_582 = arith.muli %mul3A_581, %scan3A_579 : i32
      %mul3A_583 = arith.constant 2 : i32
      %mul3A_584 = arith.muli %mul3A_582, %mul3A_583 : i32
      %add3A_585 = arith.constant 0 : i32
      %add3A_586 = arith.addi %mul3A_584, %add3A_585 : i32
      %dma_wait3A_587 = arith.constant 0 : i32
      %dma_wait3A_588 = arith.constant 0 : i32
      %dma_wait3A_589 = tpu.memref_slice %arg7[%dma_wait3A_587, %dma_wait3A_588] : memref<256x64xf32, #tpu.memory_space<vmem>> -> memref<128x64xf32, #tpu.memory_space<vmem>>
      %dma_wait3A_590 = arith.constant 0 : i32
      %dma_wait3A_591 = tpu.memref_slice %arg5[%add3A_586, %dma_wait3A_590] : memref<79x128xi32, #tpu.memory_space<vmem>> -> memref<1x128xi32, #tpu.memory_space<vmem>>
      %dma_wait3A_592 = tpu.memref_squeeze %dma_wait3A_591 : memref<1x128xi32, #tpu.memory_space<vmem>> -> memref<128xi32, #tpu.memory_space<vmem>>
      %dma_wait3A_593 = arith.constant 0 : i32
      %dma_wait3A_594 = arith.constant 0 : i32
      %dma_wait3A_595 = tpu.memref_slice %arg2[%dma_wait3A_593, %dma_wait3A_594] : memref<10000x64xf32, #tpu.memory_space<hbm>> -> memref<10000x64xf32, #tpu.memory_space<hbm>>
      tpu.wait_indirect_dma semaphore(%arg12 : memref<!tpu.dma_semaphore, #tpu.memory_space<semaphore_mem>>) src(%dma_wait3A_595 : memref<10000x64xf32, #tpu.memory_space<hbm>>) dst(%dma_wait3A_589 : memref<128x64xf32, #tpu.memory_space<vmem>>)
      %mul3A_596 = arith.constant 2 : i32
      %mul3A_597 = arith.muli %mul3A_582, %mul3A_596 : i32
      %add3A_598 = arith.constant 1 : i32
      %add3A_599 = arith.addi %mul3A_597, %add3A_598 : i32
      %dma_wait3A_600 = arith.constant 128 : i32
      %dma_wait3A_601 = arith.constant 0 : i32
      %dma_wait3A_602 = tpu.memref_slice %arg7[%dma_wait3A_600, %dma_wait3A_601] : memref<256x64xf32, #tpu.memory_space<vmem>> -> memref<128x64xf32, #tpu.memory_space<vmem>>
      %dma_wait3A_603 = arith.constant 0 : i32
      %dma_wait3A_604 = tpu.memref_slice %arg5[%add3A_599, %dma_wait3A_603] : memref<79x128xi32, #tpu.memory_space<vmem>> -> memref<1x128xi32, #tpu.memory_space<vmem>>
      %dma_wait3A_605 = tpu.memref_squeeze %dma_wait3A_604 : memref<1x128xi32, #tpu.memory_space<vmem>> -> memref<128xi32, #tpu.memory_space<vmem>>
      %dma_wait3A_606 = arith.constant 0 : i32
      %dma_wait3A_607 = arith.constant 0 : i32
      %dma_wait3A_608 = tpu.memref_slice %arg2[%dma_wait3A_606, %dma_wait3A_607] : memref<10000x64xf32, #tpu.memory_space<hbm>> -> memref<10000x64xf32, #tpu.memory_space<hbm>>
      tpu.wait_indirect_dma semaphore(%arg12 : memref<!tpu.dma_semaphore, #tpu.memory_space<semaphore_mem>>) src(%dma_wait3A_608 : memref<10000x64xf32, #tpu.memory_space<hbm>>) dst(%dma_wait3A_602 : memref<128x64xf32, #tpu.memory_space<vmem>>)
      %mul3A_609 = arith.constant 2 : i32
      %mul3A_610 = arith.muli %mul3A_582, %mul3A_609 : i32
      %add3A_611 = arith.constant 0 : i32
      %add3A_612 = arith.addi %mul3A_610, %add3A_611 : i32
      %dma_start3A_613 = arith.constant 0 : i32
      %dma_start3A_614 = arith.constant 0 : i32
      %dma_start3A_615 = tpu.memref_slice %arg7[%dma_start3A_613, %dma_start3A_614] : memref<256x64xf32, #tpu.memory_space<vmem>> -> memref<128x64xf32, #tpu.memory_space<vmem>>
      %dma_start3A_616 = arith.constant 0 : i32
      %dma_start3A_617 = tpu.memref_slice %arg6[%add3A_612, %dma_start3A_616] : memref<79x128xi32, #tpu.memory_space<vmem>> -> memref<1x128xi32, #tpu.memory_space<vmem>>
      %dma_start3A_618 = tpu.memref_squeeze %dma_start3A_617 : memref<1x128xi32, #tpu.memory_space<vmem>> -> memref<128xi32, #tpu.memory_space<vmem>>
      %dma_start3A_619 = arith.constant 0 : i32
      %dma_start3A_620 = arith.constant 0 : i32
      %dma_start3A_621 = tpu.memref_slice %arg11[%dma_start3A_619, %dma_start3A_620] : memref<10240x64xf32, #tpu.memory_space<vmem_shared>> -> memref<10240x64xf32, #tpu.memory_space<vmem_shared>>
      tpu.enqueue_indirect_dma source(%dma_start3A_615 : memref<128x64xf32, #tpu.memory_space<vmem>>) target(%dma_start3A_621 : memref<10240x64xf32, #tpu.memory_space<vmem_shared>>) offsets(%dma_start3A_618 : memref<128xi32, #tpu.memory_space<vmem>>) semaphore(%arg15 : memref<!tpu.dma_semaphore, #tpu.memory_space<semaphore_mem>>) {add = true}
      %mul3A_622 = arith.constant 2 : i32
      %mul3A_623 = arith.muli %mul3A_582, %mul3A_622 : i32
      %add3A_624 = arith.constant 1 : i32
      %add3A_625 = arith.addi %mul3A_623, %add3A_624 : i32
      %dma_start3A_626 = arith.constant 128 : i32
      %dma_start3A_627 = arith.constant 0 : i32
      %dma_start3A_628 = tpu.memref_slice %arg7[%dma_start3A_626, %dma_start3A_627] : memref<256x64xf32, #tpu.memory_space<vmem>> -> memref<128x64xf32, #tpu.memory_space<vmem>>
      %dma_start3A_629 = arith.constant 0 : i32
      %dma_start3A_630 = tpu.memref_slice %arg6[%add3A_625, %dma_start3A_629] : memref<79x128xi32, #tpu.memory_space<vmem>> -> memref<1x128xi32, #tpu.memory_space<vmem>>
      %dma_start3A_631 = tpu.memref_squeeze %dma_start3A_630 : memref<1x128xi32, #tpu.memory_space<vmem>> -> memref<128xi32, #tpu.memory_space<vmem>>
      %dma_start3A_632 = arith.constant 0 : i32
      %dma_start3A_633 = arith.constant 0 : i32
      %dma_start3A_634 = tpu.memref_slice %arg11[%dma_start3A_632, %dma_start3A_633] : memref<10240x64xf32, #tpu.memory_space<vmem_shared>> -> memref<10240x64xf32, #tpu.memory_space<vmem_shared>>
      tpu.enqueue_indirect_dma source(%dma_start3A_628 : memref<128x64xf32, #tpu.memory_space<vmem>>) target(%dma_start3A_634 : memref<10240x64xf32, #tpu.memory_space<vmem_shared>>) offsets(%dma_start3A_631 : memref<128xi32, #tpu.memory_space<vmem>>) semaphore(%arg15 : memref<!tpu.dma_semaphore, #tpu.memory_space<semaphore_mem>>) {add = true}
      %sub3A = arith.constant 1 : i32
      %sub3A_635 = arith.subi %mul3A_582, %sub3A : i32
      %mul3A_636 = arith.constant 2 : i32
      %mul3A_637 = arith.muli %sub3A_635, %mul3A_636 : i32
      %add3A_638 = arith.constant 0 : i32
      %add3A_639 = arith.addi %mul3A_637, %add3A_638 : i32
      %dma_wait3A_640 = arith.constant 0 : i32
      %dma_wait3A_641 = arith.constant 0 : i32
      %dma_wait3A_642 = tpu.memref_slice %arg9[%dma_wait3A_640, %dma_wait3A_641] : memref<256x64xf32, #tpu.memory_space<vmem>> -> memref<128x64xf32, #tpu.memory_space<vmem>>
      %dma_wait3A_643 = arith.constant 0 : i32
      %dma_wait3A_644 = tpu.memref_slice %arg6[%add3A_639, %dma_wait3A_643] : memref<79x128xi32, #tpu.memory_space<vmem>> -> memref<1x128xi32, #tpu.memory_space<vmem>>
      %dma_wait3A_645 = tpu.memref_squeeze %dma_wait3A_644 : memref<1x128xi32, #tpu.memory_space<vmem>> -> memref<128xi32, #tpu.memory_space<vmem>>
      %dma_wait3A_646 = arith.constant 0 : i32
      %dma_wait3A_647 = arith.constant 0 : i32
      %dma_wait3A_648 = tpu.memref_slice %arg11[%dma_wait3A_646, %dma_wait3A_647] : memref<10240x64xf32, #tpu.memory_space<vmem_shared>> -> memref<10240x64xf32, #tpu.memory_space<vmem_shared>>
      tpu.wait_indirect_dma semaphore(%arg17 : memref<!tpu.dma_semaphore, #tpu.memory_space<semaphore_mem>>) src(%dma_wait3A_642 : memref<128x64xf32, #tpu.memory_space<vmem>>) dst(%dma_wait3A_648 : memref<10240x64xf32, #tpu.memory_space<vmem_shared>>)
      %mul3A_649 = arith.constant 2 : i32
      %mul3A_650 = arith.muli %sub3A_635, %mul3A_649 : i32
      %add3A_651 = arith.constant 1 : i32
      %add3A_652 = arith.addi %mul3A_650, %add3A_651 : i32
      %dma_wait3A_653 = arith.constant 128 : i32
      %dma_wait3A_654 = arith.constant 0 : i32
      %dma_wait3A_655 = tpu.memref_slice %arg9[%dma_wait3A_653, %dma_wait3A_654] : memref<256x64xf32, #tpu.memory_space<vmem>> -> memref<128x64xf32, #tpu.memory_space<vmem>>
      %dma_wait3A_656 = arith.constant 0 : i32
      %dma_wait3A_657 = tpu.memref_slice %arg6[%add3A_652, %dma_wait3A_656] : memref<79x128xi32, #tpu.memory_space<vmem>> -> memref<1x128xi32, #tpu.memory_space<vmem>>
      %dma_wait3A_658 = tpu.memref_squeeze %dma_wait3A_657 : memref<1x128xi32, #tpu.memory_space<vmem>> -> memref<128xi32, #tpu.memory_space<vmem>>
      %dma_wait3A_659 = arith.constant 0 : i32
      %dma_wait3A_660 = arith.constant 0 : i32
      %dma_wait3A_661 = tpu.memref_slice %arg11[%dma_wait3A_659, %dma_wait3A_660] : memref<10240x64xf32, #tpu.memory_space<vmem_shared>> -> memref<10240x64xf32, #tpu.memory_space<vmem_shared>>
      tpu.wait_indirect_dma semaphore(%arg17 : memref<!tpu.dma_semaphore, #tpu.memory_space<semaphore_mem>>) src(%dma_wait3A_655 : memref<128x64xf32, #tpu.memory_space<vmem>>) dst(%dma_wait3A_661 : memref<10240x64xf32, #tpu.memory_space<vmem_shared>>)
      %add3A_662 = arith.constant 2 : i32
      %add3A_663 = arith.addi %mul3A_582, %add3A_662 : i32
      %mul3A_664 = arith.constant 2 : i32
      %mul3A_665 = arith.muli %add3A_663, %mul3A_664 : i32
      %add3A_666 = arith.constant 0 : i32
      %add3A_667 = arith.addi %mul3A_665, %add3A_666 : i32
      %dma_start3A_668 = arith.constant 0 : i32
      %dma_start3A_669 = arith.constant 0 : i32
      %dma_start3A_670 = tpu.memref_slice %arg9[%dma_start3A_668, %dma_start3A_669] : memref<256x64xf32, #tpu.memory_space<vmem>> -> memref<128x64xf32, #tpu.memory_space<vmem>>
      %dma_start3A_671 = arith.constant 0 : i32
      %dma_start3A_672 = tpu.memref_slice %arg5[%add3A_667, %dma_start3A_671] : memref<79x128xi32, #tpu.memory_space<vmem>> -> memref<1x128xi32, #tpu.memory_space<vmem>>
      %dma_start3A_673 = tpu.memref_squeeze %dma_start3A_672 : memref<1x128xi32, #tpu.memory_space<vmem>> -> memref<128xi32, #tpu.memory_space<vmem>>
      %dma_start3A_674 = arith.constant 0 : i32
      %dma_start3A_675 = arith.constant 0 : i32
      %dma_start3A_676 = tpu.memref_slice %arg2[%dma_start3A_674, %dma_start3A_675] : memref<10000x64xf32, #tpu.memory_space<hbm>> -> memref<10000x64xf32, #tpu.memory_space<hbm>>
      tpu.enqueue_indirect_dma source(%dma_start3A_676 : memref<10000x64xf32, #tpu.memory_space<hbm>>) target(%dma_start3A_670 : memref<128x64xf32, #tpu.memory_space<vmem>>) offsets(%dma_start3A_673 : memref<128xi32, #tpu.memory_space<vmem>>) semaphore(%arg14 : memref<!tpu.dma_semaphore, #tpu.memory_space<semaphore_mem>>)
      %mul3A_677 = arith.constant 2 : i32
      %mul3A_678 = arith.muli %add3A_663, %mul3A_677 : i32
      %add3A_679 = arith.constant 1 : i32
      %add3A_680 = arith.addi %mul3A_678, %add3A_679 : i32
      %dma_start3A_681 = arith.constant 128 : i32
      %dma_start3A_682 = arith.constant 0 : i32
      %dma_start3A_683 = tpu.memref_slice %arg9[%dma_start3A_681, %dma_start3A_682] : memref<256x64xf32, #tpu.memory_space<vmem>> -> memref<128x64xf32, #tpu.memory_space<vmem>>
      %dma_start3A_684 = arith.constant 0 : i32
      %dma_start3A_685 = tpu.memref_slice %arg5[%add3A_680, %dma_start3A_684] : memref<79x128xi32, #tpu.memory_space<vmem>> -> memref<1x128xi32, #tpu.memory_space<vmem>>
      %dma_start3A_686 = tpu.memref_squeeze %dma_start3A_685 : memref<1x128xi32, #tpu.memory_space<vmem>> -> memref<128xi32, #tpu.memory_space<vmem>>
      %dma_start3A_687 = arith.constant 0 : i32
      %dma_start3A_688 = arith.constant 0 : i32
      %dma_start3A_689 = tpu.memref_slice %arg2[%dma_start3A_687, %dma_start3A_688] : memref<10000x64xf32, #tpu.memory_space<hbm>> -> memref<10000x64xf32, #tpu.memory_space<hbm>>
      tpu.enqueue_indirect_dma source(%dma_start3A_689 : memref<10000x64xf32, #tpu.memory_space<hbm>>) target(%dma_start3A_683 : memref<128x64xf32, #tpu.memory_space<vmem>>) offsets(%dma_start3A_686 : memref<128xi32, #tpu.memory_space<vmem>>) semaphore(%arg14 : memref<!tpu.dma_semaphore, #tpu.memory_space<semaphore_mem>>)
      %add3A_690 = arith.constant 1 : i32
      %add3A_691 = arith.addi %mul3A_582, %add3A_690 : i32
      %mul3A_692 = arith.constant 2 : i32
      %mul3A_693 = arith.muli %add3A_691, %mul3A_692 : i32
      %add3A_694 = arith.constant 0 : i32
      %add3A_695 = arith.addi %mul3A_693, %add3A_694 : i32
      %dma_wait3A_696 = arith.constant 0 : i32
      %dma_wait3A_697 = arith.constant 0 : i32
      %dma_wait3A_698 = tpu.memref_slice %arg8[%dma_wait3A_696, %dma_wait3A_697] : memref<256x64xf32, #tpu.memory_space<vmem>> -> memref<128x64xf32, #tpu.memory_space<vmem>>
      %dma_wait3A_699 = arith.constant 0 : i32
      %dma_wait3A_700 = tpu.memref_slice %arg5[%add3A_695, %dma_wait3A_699] : memref<79x128xi32, #tpu.memory_space<vmem>> -> memref<1x128xi32, #tpu.memory_space<vmem>>
      %dma_wait3A_701 = tpu.memref_squeeze %dma_wait3A_700 : memref<1x128xi32, #tpu.memory_space<vmem>> -> memref<128xi32, #tpu.memory_space<vmem>>
      %dma_wait3A_702 = arith.constant 0 : i32
      %dma_wait3A_703 = arith.constant 0 : i32
      %dma_wait3A_704 = tpu.memref_slice %arg2[%dma_wait3A_702, %dma_wait3A_703] : memref<10000x64xf32, #tpu.memory_space<hbm>> -> memref<10000x64xf32, #tpu.memory_space<hbm>>
      tpu.wait_indirect_dma semaphore(%arg13 : memref<!tpu.dma_semaphore, #tpu.memory_space<semaphore_mem>>) src(%dma_wait3A_704 : memref<10000x64xf32, #tpu.memory_space<hbm>>) dst(%dma_wait3A_698 : memref<128x64xf32, #tpu.memory_space<vmem>>)
      %mul3A_705 = arith.constant 2 : i32
      %mul3A_706 = arith.muli %add3A_691, %mul3A_705 : i32
      %add3A_707 = arith.constant 1 : i32
      %add3A_708 = arith.addi %mul3A_706, %add3A_707 : i32
      %dma_wait3A_709 = arith.constant 128 : i32
      %dma_wait3A_710 = arith.constant 0 : i32
      %dma_wait3A_711 = tpu.memref_slice %arg8[%dma_wait3A_709, %dma_wait3A_710] : memref<256x64xf32, #tpu.memory_space<vmem>> -> memref<128x64xf32, #tpu.memory_space<vmem>>
      %dma_wait3A_712 = arith.constant 0 : i32
      %dma_wait3A_713 = tpu.memref_slice %arg5[%add3A_708, %dma_wait3A_712] : memref<79x128xi32, #tpu.memory_space<vmem>> -> memref<1x128xi32, #tpu.memory_space<vmem>>
      %dma_wait3A_714 = tpu.memref_squeeze %dma_wait3A_713 : memref<1x128xi32, #tpu.memory_space<vmem>> -> memref<128xi32, #tpu.memory_space<vmem>>
      %dma_wait3A_715 = arith.constant 0 : i32
      %dma_wait3A_716 = arith.constant 0 : i32
      %dma_wait3A_717 = tpu.memref_slice %arg2[%dma_wait3A_715, %dma_wait3A_716] : memref<10000x64xf32, #tpu.memory_space<hbm>> -> memref<10000x64xf32, #tpu.memory_space<hbm>>
      tpu.wait_indirect_dma semaphore(%arg13 : memref<!tpu.dma_semaphore, #tpu.memory_space<semaphore_mem>>) src(%dma_wait3A_717 : memref<10000x64xf32, #tpu.memory_space<hbm>>) dst(%dma_wait3A_711 : memref<128x64xf32, #tpu.memory_space<vmem>>)
      %mul3A_718 = arith.constant 2 : i32
      %mul3A_719 = arith.muli %add3A_691, %mul3A_718 : i32
      %add3A_720 = arith.constant 0 : i32
      %add3A_721 = arith.addi %mul3A_719, %add3A_720 : i32
      %dma_start3A_722 = arith.constant 0 : i32
      %dma_start3A_723 = arith.constant 0 : i32
      %dma_start3A_724 = tpu.memref_slice %arg8[%dma_start3A_722, %dma_start3A_723] : memref<256x64xf32, #tpu.memory_space<vmem>> -> memref<128x64xf32, #tpu.memory_space<vmem>>
      %dma_start3A_725 = arith.constant 0 : i32
      %dma_start3A_726 = tpu.memref_slice %arg6[%add3A_721, %dma_start3A_725] : memref<79x128xi32, #tpu.memory_space<vmem>> -> memref<1x128xi32, #tpu.memory_space<vmem>>
      %dma_start3A_727 = tpu.memref_squeeze %dma_start3A_726 : memref<1x128xi32, #tpu.memory_space<vmem>> -> memref<128xi32, #tpu.memory_space<vmem>>
      %dma_start3A_728 = arith.constant 0 : i32
      %dma_start3A_729 = arith.constant 0 : i32
      %dma_start3A_730 = tpu.memref_slice %arg11[%dma_start3A_728, %dma_start3A_729] : memref<10240x64xf32, #tpu.memory_space<vmem_shared>> -> memref<10240x64xf32, #tpu.memory_space<vmem_shared>>
      tpu.enqueue_indirect_dma source(%dma_start3A_724 : memref<128x64xf32, #tpu.memory_space<vmem>>) target(%dma_start3A_730 : memref<10240x64xf32, #tpu.memory_space<vmem_shared>>) offsets(%dma_start3A_727 : memref<128xi32, #tpu.memory_space<vmem>>) semaphore(%arg16 : memref<!tpu.dma_semaphore, #tpu.memory_space<semaphore_mem>>) {add = true}
      %mul3A_731 = arith.constant 2 : i32
      %mul3A_732 = arith.muli %add3A_691, %mul3A_731 : i32
      %add3A_733 = arith.constant 1 : i32
      %add3A_734 = arith.addi %mul3A_732, %add3A_733 : i32
      %dma_start3A_735 = arith.constant 128 : i32
      %dma_start3A_736 = arith.constant 0 : i32
      %dma_start3A_737 = tpu.memref_slice %arg8[%dma_start3A_735, %dma_start3A_736] : memref<256x64xf32, #tpu.memory_space<vmem>> -> memref<128x64xf32, #tpu.memory_space<vmem>>
      %dma_start3A_738 = arith.constant 0 : i32
      %dma_start3A_739 = tpu.memref_slice %arg6[%add3A_734, %dma_start3A_738] : memref<79x128xi32, #tpu.memory_space<vmem>> -> memref<1x128xi32, #tpu.memory_space<vmem>>
      %dma_start3A_740 = tpu.memref_squeeze %dma_start3A_739 : memref<1x128xi32, #tpu.memory_space<vmem>> -> memref<128xi32, #tpu.memory_space<vmem>>
      %dma_start3A_741 = arith.constant 0 : i32
      %dma_start3A_742 = arith.constant 0 : i32
      %dma_start3A_743 = tpu.memref_slice %arg11[%dma_start3A_741, %dma_start3A_742] : memref<10240x64xf32, #tpu.memory_space<vmem_shared>> -> memref<10240x64xf32, #tpu.memory_space<vmem_shared>>
      tpu.enqueue_indirect_dma source(%dma_start3A_737 : memref<128x64xf32, #tpu.memory_space<vmem>>) target(%dma_start3A_743 : memref<10240x64xf32, #tpu.memory_space<vmem_shared>>) offsets(%dma_start3A_740 : memref<128xi32, #tpu.memory_space<vmem>>) semaphore(%arg16 : memref<!tpu.dma_semaphore, #tpu.memory_space<semaphore_mem>>) {add = true}
      %sub3A_744 = arith.constant 1 : i32
      %sub3A_745 = arith.subi %add3A_691, %sub3A_744 : i32
      %mul3A_746 = arith.constant 2 : i32
      %mul3A_747 = arith.muli %sub3A_745, %mul3A_746 : i32
      %add3A_748 = arith.constant 0 : i32
      %add3A_749 = arith.addi %mul3A_747, %add3A_748 : i32
      %dma_wait3A_750 = arith.constant 0 : i32
      %dma_wait3A_751 = arith.constant 0 : i32
      %dma_wait3A_752 = tpu.memref_slice %arg7[%dma_wait3A_750, %dma_wait3A_751] : memref<256x64xf32, #tpu.memory_space<vmem>> -> memref<128x64xf32, #tpu.memory_space<vmem>>
      %dma_wait3A_753 = arith.constant 0 : i32
      %dma_wait3A_754 = tpu.memref_slice %arg6[%add3A_749, %dma_wait3A_753] : memref<79x128xi32, #tpu.memory_space<vmem>> -> memref<1x128xi32, #tpu.memory_space<vmem>>
      %dma_wait3A_755 = tpu.memref_squeeze %dma_wait3A_754 : memref<1x128xi32, #tpu.memory_space<vmem>> -> memref<128xi32, #tpu.memory_space<vmem>>
      %dma_wait3A_756 = arith.constant 0 : i32
      %dma_wait3A_757 = arith.constant 0 : i32
      %dma_wait3A_758 = tpu.memref_slice %arg11[%dma_wait3A_756, %dma_wait3A_757] : memref<10240x64xf32, #tpu.memory_space<vmem_shared>> -> memref<10240x64xf32, #tpu.memory_space<vmem_shared>>
      tpu.wait_indirect_dma semaphore(%arg15 : memref<!tpu.dma_semaphore, #tpu.memory_space<semaphore_mem>>) src(%dma_wait3A_752 : memref<128x64xf32, #tpu.memory_space<vmem>>) dst(%dma_wait3A_758 : memref<10240x64xf32, #tpu.memory_space<vmem_shared>>)
      %mul3A_759 = arith.constant 2 : i32
      %mul3A_760 = arith.muli %sub3A_745, %mul3A_759 : i32
      %add3A_761 = arith.constant 1 : i32
      %add3A_762 = arith.addi %mul3A_760, %add3A_761 : i32
      %dma_wait3A_763 = arith.constant 128 : i32
      %dma_wait3A_764 = arith.constant 0 : i32
      %dma_wait3A_765 = tpu.memref_slice %arg7[%dma_wait3A_763, %dma_wait3A_764] : memref<256x64xf32, #tpu.memory_space<vmem>> -> memref<128x64xf32, #tpu.memory_space<vmem>>
      %dma_wait3A_766 = arith.constant 0 : i32
      %dma_wait3A_767 = tpu.memref_slice %arg6[%add3A_762, %dma_wait3A_766] : memref<79x128xi32, #tpu.memory_space<vmem>> -> memref<1x128xi32, #tpu.memory_space<vmem>>
      %dma_wait3A_768 = tpu.memref_squeeze %dma_wait3A_767 : memref<1x128xi32, #tpu.memory_space<vmem>> -> memref<128xi32, #tpu.memory_space<vmem>>
      %dma_wait3A_769 = arith.constant 0 : i32
      %dma_wait3A_770 = arith.constant 0 : i32
      %dma_wait3A_771 = tpu.memref_slice %arg11[%dma_wait3A_769, %dma_wait3A_770] : memref<10240x64xf32, #tpu.memory_space<vmem_shared>> -> memref<10240x64xf32, #tpu.memory_space<vmem_shared>>
      tpu.wait_indirect_dma semaphore(%arg15 : memref<!tpu.dma_semaphore, #tpu.memory_space<semaphore_mem>>) src(%dma_wait3A_765 : memref<128x64xf32, #tpu.memory_space<vmem>>) dst(%dma_wait3A_771 : memref<10240x64xf32, #tpu.memory_space<vmem_shared>>)
      %add3A_772 = arith.constant 2 : i32
      %add3A_773 = arith.addi %add3A_691, %add3A_772 : i32
      %mul3A_774 = arith.constant 2 : i32
      %mul3A_775 = arith.muli %add3A_773, %mul3A_774 : i32
      %add3A_776 = arith.constant 0 : i32
      %add3A_777 = arith.addi %mul3A_775, %add3A_776 : i32
      %dma_start3A_778 = arith.constant 0 : i32
      %dma_start3A_779 = arith.constant 0 : i32
      %dma_start3A_780 = tpu.memref_slice %arg7[%dma_start3A_778, %dma_start3A_779] : memref<256x64xf32, #tpu.memory_space<vmem>> -> memref<128x64xf32, #tpu.memory_space<vmem>>
      %dma_start3A_781 = arith.constant 0 : i32
      %dma_start3A_782 = tpu.memref_slice %arg5[%add3A_777, %dma_start3A_781] : memref<79x128xi32, #tpu.memory_space<vmem>> -> memref<1x128xi32, #tpu.memory_space<vmem>>
      %dma_start3A_783 = tpu.memref_squeeze %dma_start3A_782 : memref<1x128xi32, #tpu.memory_space<vmem>> -> memref<128xi32, #tpu.memory_space<vmem>>
      %dma_start3A_784 = arith.constant 0 : i32
      %dma_start3A_785 = arith.constant 0 : i32
      %dma_start3A_786 = tpu.memref_slice %arg2[%dma_start3A_784, %dma_start3A_785] : memref<10000x64xf32, #tpu.memory_space<hbm>> -> memref<10000x64xf32, #tpu.memory_space<hbm>>
      tpu.enqueue_indirect_dma source(%dma_start3A_786 : memref<10000x64xf32, #tpu.memory_space<hbm>>) target(%dma_start3A_780 : memref<128x64xf32, #tpu.memory_space<vmem>>) offsets(%dma_start3A_783 : memref<128xi32, #tpu.memory_space<vmem>>) semaphore(%arg12 : memref<!tpu.dma_semaphore, #tpu.memory_space<semaphore_mem>>)
      %mul3A_787 = arith.constant 2 : i32
      %mul3A_788 = arith.muli %add3A_773, %mul3A_787 : i32
      %add3A_789 = arith.constant 1 : i32
      %add3A_790 = arith.addi %mul3A_788, %add3A_789 : i32
      %dma_start3A_791 = arith.constant 128 : i32
      %dma_start3A_792 = arith.constant 0 : i32
      %dma_start3A_793 = tpu.memref_slice %arg7[%dma_start3A_791, %dma_start3A_792] : memref<256x64xf32, #tpu.memory_space<vmem>> -> memref<128x64xf32, #tpu.memory_space<vmem>>
      %dma_start3A_794 = arith.constant 0 : i32
      %dma_start3A_795 = tpu.memref_slice %arg5[%add3A_790, %dma_start3A_794] : memref<79x128xi32, #tpu.memory_space<vmem>> -> memref<1x128xi32, #tpu.memory_space<vmem>>
      %dma_start3A_796 = tpu.memref_squeeze %dma_start3A_795 : memref<1x128xi32, #tpu.memory_space<vmem>> -> memref<128xi32, #tpu.memory_space<vmem>>
      %dma_start3A_797 = arith.constant 0 : i32
      %dma_start3A_798 = arith.constant 0 : i32
      %dma_start3A_799 = tpu.memref_slice %arg2[%dma_start3A_797, %dma_start3A_798] : memref<10000x64xf32, #tpu.memory_space<hbm>> -> memref<10000x64xf32, #tpu.memory_space<hbm>>
      tpu.enqueue_indirect_dma source(%dma_start3A_799 : memref<10000x64xf32, #tpu.memory_space<hbm>>) target(%dma_start3A_793 : memref<128x64xf32, #tpu.memory_space<vmem>>) offsets(%dma_start3A_796 : memref<128xi32, #tpu.memory_space<vmem>>) semaphore(%arg12 : memref<!tpu.dma_semaphore, #tpu.memory_space<semaphore_mem>>)
      %add3A_800 = arith.constant 2 : i32
      %add3A_801 = arith.addi %mul3A_582, %add3A_800 : i32
      %mul3A_802 = arith.constant 2 : i32
      %mul3A_803 = arith.muli %add3A_801, %mul3A_802 : i32
      %add3A_804 = arith.constant 0 : i32
      %add3A_805 = arith.addi %mul3A_803, %add3A_804 : i32
      %dma_wait3A_806 = arith.constant 0 : i32
      %dma_wait3A_807 = arith.constant 0 : i32
      %dma_wait3A_808 = tpu.memref_slice %arg9[%dma_wait3A_806, %dma_wait3A_807] : memref<256x64xf32, #tpu.memory_space<vmem>> -> memref<128x64xf32, #tpu.memory_space<vmem>>
      %dma_wait3A_809 = arith.constant 0 : i32
      %dma_wait3A_810 = tpu.memref_slice %arg5[%add3A_805, %dma_wait3A_809] : memref<79x128xi32, #tpu.memory_space<vmem>> -> memref<1x128xi32, #tpu.memory_space<vmem>>
      %dma_wait3A_811 = tpu.memref_squeeze %dma_wait3A_810 : memref<1x128xi32, #tpu.memory_space<vmem>> -> memref<128xi32, #tpu.memory_space<vmem>>
      %dma_wait3A_812 = arith.constant 0 : i32
      %dma_wait3A_813 = arith.constant 0 : i32
      %dma_wait3A_814 = tpu.memref_slice %arg2[%dma_wait3A_812, %dma_wait3A_813] : memref<10000x64xf32, #tpu.memory_space<hbm>> -> memref<10000x64xf32, #tpu.memory_space<hbm>>
      tpu.wait_indirect_dma semaphore(%arg14 : memref<!tpu.dma_semaphore, #tpu.memory_space<semaphore_mem>>) src(%dma_wait3A_814 : memref<10000x64xf32, #tpu.memory_space<hbm>>) dst(%dma_wait3A_808 : memref<128x64xf32, #tpu.memory_space<vmem>>)
      %mul3A_815 = arith.constant 2 : i32
      %mul3A_816 = arith.muli %add3A_801, %mul3A_815 : i32
      %add3A_817 = arith.constant 1 : i32
      %add3A_818 = arith.addi %mul3A_816, %add3A_817 : i32
      %dma_wait3A_819 = arith.constant 128 : i32
      %dma_wait3A_820 = arith.constant 0 : i32
      %dma_wait3A_821 = tpu.memref_slice %arg9[%dma_wait3A_819, %dma_wait3A_820] : memref<256x64xf32, #tpu.memory_space<vmem>> -> memref<128x64xf32, #tpu.memory_space<vmem>>
      %dma_wait3A_822 = arith.constant 0 : i32
      %dma_wait3A_823 = tpu.memref_slice %arg5[%add3A_818, %dma_wait3A_822] : memref<79x128xi32, #tpu.memory_space<vmem>> -> memref<1x128xi32, #tpu.memory_space<vmem>>
      %dma_wait3A_824 = tpu.memref_squeeze %dma_wait3A_823 : memref<1x128xi32, #tpu.memory_space<vmem>> -> memref<128xi32, #tpu.memory_space<vmem>>
      %dma_wait3A_825 = arith.constant 0 : i32
      %dma_wait3A_826 = arith.constant 0 : i32
      %dma_wait3A_827 = tpu.memref_slice %arg2[%dma_wait3A_825, %dma_wait3A_826] : memref<10000x64xf32, #tpu.memory_space<hbm>> -> memref<10000x64xf32, #tpu.memory_space<hbm>>
      tpu.wait_indirect_dma semaphore(%arg14 : memref<!tpu.dma_semaphore, #tpu.memory_space<semaphore_mem>>) src(%dma_wait3A_827 : memref<10000x64xf32, #tpu.memory_space<hbm>>) dst(%dma_wait3A_821 : memref<128x64xf32, #tpu.memory_space<vmem>>)
      %mul3A_828 = arith.constant 2 : i32
      %mul3A_829 = arith.muli %add3A_801, %mul3A_828 : i32
      %add3A_830 = arith.constant 0 : i32
      %add3A_831 = arith.addi %mul3A_829, %add3A_830 : i32
      %dma_start3A_832 = arith.constant 0 : i32
      %dma_start3A_833 = arith.constant 0 : i32
      %dma_start3A_834 = tpu.memref_slice %arg9[%dma_start3A_832, %dma_start3A_833] : memref<256x64xf32, #tpu.memory_space<vmem>> -> memref<128x64xf32, #tpu.memory_space<vmem>>
      %dma_start3A_835 = arith.constant 0 : i32
      %dma_start3A_836 = tpu.memref_slice %arg6[%add3A_831, %dma_start3A_835] : memref<79x128xi32, #tpu.memory_space<vmem>> -> memref<1x128xi32, #tpu.memory_space<vmem>>
      %dma_start3A_837 = tpu.memref_squeeze %dma_start3A_836 : memref<1x128xi32, #tpu.memory_space<vmem>> -> memref<128xi32, #tpu.memory_space<vmem>>
      %dma_start3A_838 = arith.constant 0 : i32
      %dma_start3A_839 = arith.constant 0 : i32
      %dma_start3A_840 = tpu.memref_slice %arg11[%dma_start3A_838, %dma_start3A_839] : memref<10240x64xf32, #tpu.memory_space<vmem_shared>> -> memref<10240x64xf32, #tpu.memory_space<vmem_shared>>
      tpu.enqueue_indirect_dma source(%dma_start3A_834 : memref<128x64xf32, #tpu.memory_space<vmem>>) target(%dma_start3A_840 : memref<10240x64xf32, #tpu.memory_space<vmem_shared>>) offsets(%dma_start3A_837 : memref<128xi32, #tpu.memory_space<vmem>>) semaphore(%arg17 : memref<!tpu.dma_semaphore, #tpu.memory_space<semaphore_mem>>) {add = true}
      %mul3A_841 = arith.constant 2 : i32
      %mul3A_842 = arith.muli %add3A_801, %mul3A_841 : i32
      %add3A_843 = arith.constant 1 : i32
      %add3A_844 = arith.addi %mul3A_842, %add3A_843 : i32
      %dma_start3A_845 = arith.constant 128 : i32
      %dma_start3A_846 = arith.constant 0 : i32
      %dma_start3A_847 = tpu.memref_slice %arg9[%dma_start3A_845, %dma_start3A_846] : memref<256x64xf32, #tpu.memory_space<vmem>> -> memref<128x64xf32, #tpu.memory_space<vmem>>
      %dma_start3A_848 = arith.constant 0 : i32
      %dma_start3A_849 = tpu.memref_slice %arg6[%add3A_844, %dma_start3A_848] : memref<79x128xi32, #tpu.memory_space<vmem>> -> memref<1x128xi32, #tpu.memory_space<vmem>>
      %dma_start3A_850 = tpu.memref_squeeze %dma_start3A_849 : memref<1x128xi32, #tpu.memory_space<vmem>> -> memref<128xi32, #tpu.memory_space<vmem>>
      %dma_start3A_851 = arith.constant 0 : i32
      %dma_start3A_852 = arith.constant 0 : i32
      %dma_start3A_853 = tpu.memref_slice %arg11[%dma_start3A_851, %dma_start3A_852] : memref<10240x64xf32, #tpu.memory_space<vmem_shared>> -> memref<10240x64xf32, #tpu.memory_space<vmem_shared>>
      tpu.enqueue_indirect_dma source(%dma_start3A_847 : memref<128x64xf32, #tpu.memory_space<vmem>>) target(%dma_start3A_853 : memref<10240x64xf32, #tpu.memory_space<vmem_shared>>) offsets(%dma_start3A_850 : memref<128xi32, #tpu.memory_space<vmem>>) semaphore(%arg17 : memref<!tpu.dma_semaphore, #tpu.memory_space<semaphore_mem>>) {add = true}
      %sub3A_854 = arith.constant 1 : i32
      %sub3A_855 = arith.subi %add3A_801, %sub3A_854 : i32
      %mul3A_856 = arith.constant 2 : i32
      %mul3A_857 = arith.muli %sub3A_855, %mul3A_856 : i32
      %add3A_858 = arith.constant 0 : i32
      %add3A_859 = arith.addi %mul3A_857, %add3A_858 : i32
      %dma_wait3A_860 = arith.constant 0 : i32
      %dma_wait3A_861 = arith.constant 0 : i32
      %dma_wait3A_862 = tpu.memref_slice %arg8[%dma_wait3A_860, %dma_wait3A_861] : memref<256x64xf32, #tpu.memory_space<vmem>> -> memref<128x64xf32, #tpu.memory_space<vmem>>
      %dma_wait3A_863 = arith.constant 0 : i32
      %dma_wait3A_864 = tpu.memref_slice %arg6[%add3A_859, %dma_wait3A_863] : memref<79x128xi32, #tpu.memory_space<vmem>> -> memref<1x128xi32, #tpu.memory_space<vmem>>
      %dma_wait3A_865 = tpu.memref_squeeze %dma_wait3A_864 : memref<1x128xi32, #tpu.memory_space<vmem>> -> memref<128xi32, #tpu.memory_space<vmem>>
      %dma_wait3A_866 = arith.constant 0 : i32
      %dma_wait3A_867 = arith.constant 0 : i32
      %dma_wait3A_868 = tpu.memref_slice %arg11[%dma_wait3A_866, %dma_wait3A_867] : memref<10240x64xf32, #tpu.memory_space<vmem_shared>> -> memref<10240x64xf32, #tpu.memory_space<vmem_shared>>
      tpu.wait_indirect_dma semaphore(%arg16 : memref<!tpu.dma_semaphore, #tpu.memory_space<semaphore_mem>>) src(%dma_wait3A_862 : memref<128x64xf32, #tpu.memory_space<vmem>>) dst(%dma_wait3A_868 : memref<10240x64xf32, #tpu.memory_space<vmem_shared>>)
      %mul3A_869 = arith.constant 2 : i32
      %mul3A_870 = arith.muli %sub3A_855, %mul3A_869 : i32
      %add3A_871 = arith.constant 1 : i32
      %add3A_872 = arith.addi %mul3A_870, %add3A_871 : i32
      %dma_wait3A_873 = arith.constant 128 : i32
      %dma_wait3A_874 = arith.constant 0 : i32
      %dma_wait3A_875 = tpu.memref_slice %arg8[%dma_wait3A_873, %dma_wait3A_874] : memref<256x64xf32, #tpu.memory_space<vmem>> -> memref<128x64xf32, #tpu.memory_space<vmem>>
      %dma_wait3A_876 = arith.constant 0 : i32
      %dma_wait3A_877 = tpu.memref_slice %arg6[%add3A_872, %dma_wait3A_876] : memref<79x128xi32, #tpu.memory_space<vmem>> -> memref<1x128xi32, #tpu.memory_space<vmem>>
      %dma_wait3A_878 = tpu.memref_squeeze %dma_wait3A_877 : memref<1x128xi32, #tpu.memory_space<vmem>> -> memref<128xi32, #tpu.memory_space<vmem>>
      %dma_wait3A_879 = arith.constant 0 : i32
      %dma_wait3A_880 = arith.constant 0 : i32
      %dma_wait3A_881 = tpu.memref_slice %arg11[%dma_wait3A_879, %dma_wait3A_880] : memref<10240x64xf32, #tpu.memory_space<vmem_shared>> -> memref<10240x64xf32, #tpu.memory_space<vmem_shared>>
      tpu.wait_indirect_dma semaphore(%arg16 : memref<!tpu.dma_semaphore, #tpu.memory_space<semaphore_mem>>) src(%dma_wait3A_875 : memref<128x64xf32, #tpu.memory_space<vmem>>) dst(%dma_wait3A_881 : memref<10240x64xf32, #tpu.memory_space<vmem_shared>>)
      %add3A_882 = arith.constant 2 : i32
      %add3A_883 = arith.addi %add3A_801, %add3A_882 : i32
      %mul3A_884 = arith.constant 2 : i32
      %mul3A_885 = arith.muli %add3A_883, %mul3A_884 : i32
      %add3A_886 = arith.constant 0 : i32
      %add3A_887 = arith.addi %mul3A_885, %add3A_886 : i32
      %dma_start3A_888 = arith.constant 0 : i32
      %dma_start3A_889 = arith.constant 0 : i32
      %dma_start3A_890 = tpu.memref_slice %arg8[%dma_start3A_888, %dma_start3A_889] : memref<256x64xf32, #tpu.memory_space<vmem>> -> memref<128x64xf32, #tpu.memory_space<vmem>>
      %dma_start3A_891 = arith.constant 0 : i32
      %dma_start3A_892 = tpu.memref_slice %arg5[%add3A_887, %dma_start3A_891] : memref<79x128xi32, #tpu.memory_space<vmem>> -> memref<1x128xi32, #tpu.memory_space<vmem>>
      %dma_start3A_893 = tpu.memref_squeeze %dma_start3A_892 : memref<1x128xi32, #tpu.memory_space<vmem>> -> memref<128xi32, #tpu.memory_space<vmem>>
      %dma_start3A_894 = arith.constant 0 : i32
      %dma_start3A_895 = arith.constant 0 : i32
      %dma_start3A_896 = tpu.memref_slice %arg2[%dma_start3A_894, %dma_start3A_895] : memref<10000x64xf32, #tpu.memory_space<hbm>> -> memref<10000x64xf32, #tpu.memory_space<hbm>>
      tpu.enqueue_indirect_dma source(%dma_start3A_896 : memref<10000x64xf32, #tpu.memory_space<hbm>>) target(%dma_start3A_890 : memref<128x64xf32, #tpu.memory_space<vmem>>) offsets(%dma_start3A_893 : memref<128xi32, #tpu.memory_space<vmem>>) semaphore(%arg13 : memref<!tpu.dma_semaphore, #tpu.memory_space<semaphore_mem>>)
      %mul3A_897 = arith.constant 2 : i32
      %mul3A_898 = arith.muli %add3A_883, %mul3A_897 : i32
      %add3A_899 = arith.constant 1 : i32
      %add3A_900 = arith.addi %mul3A_898, %add3A_899 : i32
      %dma_start3A_901 = arith.constant 128 : i32
      %dma_start3A_902 = arith.constant 0 : i32
      %dma_start3A_903 = tpu.memref_slice %arg8[%dma_start3A_901, %dma_start3A_902] : memref<256x64xf32, #tpu.memory_space<vmem>> -> memref<128x64xf32, #tpu.memory_space<vmem>>
      %dma_start3A_904 = arith.constant 0 : i32
      %dma_start3A_905 = tpu.memref_slice %arg5[%add3A_900, %dma_start3A_904] : memref<79x128xi32, #tpu.memory_space<vmem>> -> memref<1x128xi32, #tpu.memory_space<vmem>>
      %dma_start3A_906 = tpu.memref_squeeze %dma_start3A_905 : memref<1x128xi32, #tpu.memory_space<vmem>> -> memref<128xi32, #tpu.memory_space<vmem>>
      %dma_start3A_907 = arith.constant 0 : i32
      %dma_start3A_908 = arith.constant 0 : i32
      %dma_start3A_909 = tpu.memref_slice %arg2[%dma_start3A_907, %dma_start3A_908] : memref<10000x64xf32, #tpu.memory_space<hbm>> -> memref<10000x64xf32, #tpu.memory_space<hbm>>
      tpu.enqueue_indirect_dma source(%dma_start3A_909 : memref<10000x64xf32, #tpu.memory_space<hbm>>) target(%dma_start3A_903 : memref<128x64xf32, #tpu.memory_space<vmem>>) offsets(%dma_start3A_906 : memref<128xi32, #tpu.memory_space<vmem>>) semaphore(%arg13 : memref<!tpu.dma_semaphore, #tpu.memory_space<semaphore_mem>>)
      %scan3A_910 = arith.constant 0 : i32
      scf.yield %scan3A_910 : i32
    }
    %scan3A_348 = arith.constant 11 : i32
    %dma_wait3A_349 = arith.constant 72 : i32
    %dma_wait3A_350 = arith.constant 0 : i32
    %dma_wait3A_351 = arith.constant 0 : i32
    %dma_wait3A_352 = tpu.memref_slice %arg7[%dma_wait3A_350, %dma_wait3A_351] : memref<256x64xf32, #tpu.memory_space<vmem>> -> memref<128x64xf32, #tpu.memory_space<vmem>>
    %dma_wait3A_353 = arith.constant 0 : i32
    %dma_wait3A_354 = tpu.memref_slice %arg5[%dma_wait3A_349, %dma_wait3A_353] : memref<79x128xi32, #tpu.memory_space<vmem>> -> memref<1x128xi32, #tpu.memory_space<vmem>>
    %dma_wait3A_355 = tpu.memref_squeeze %dma_wait3A_354 : memref<1x128xi32, #tpu.memory_space<vmem>> -> memref<128xi32, #tpu.memory_space<vmem>>
    %dma_wait3A_356 = arith.constant 0 : i32
    %dma_wait3A_357 = arith.constant 0 : i32
    %dma_wait3A_358 = tpu.memref_slice %arg2[%dma_wait3A_356, %dma_wait3A_357] : memref<10000x64xf32, #tpu.memory_space<hbm>> -> memref<10000x64xf32, #tpu.memory_space<hbm>>
    tpu.wait_indirect_dma semaphore(%arg12 : memref<!tpu.dma_semaphore, #tpu.memory_space<semaphore_mem>>) src(%dma_wait3A_358 : memref<10000x64xf32, #tpu.memory_space<hbm>>) dst(%dma_wait3A_352 : memref<128x64xf32, #tpu.memory_space<vmem>>)
    %dma_wait3A_359 = arith.constant 73 : i32
    %dma_wait3A_360 = arith.constant 128 : i32
    %dma_wait3A_361 = arith.constant 0 : i32
    %dma_wait3A_362 = tpu.memref_slice %arg7[%dma_wait3A_360, %dma_wait3A_361] : memref<256x64xf32, #tpu.memory_space<vmem>> -> memref<128x64xf32, #tpu.memory_space<vmem>>
    %dma_wait3A_363 = arith.constant 0 : i32
    %dma_wait3A_364 = tpu.memref_slice %arg5[%dma_wait3A_359, %dma_wait3A_363] : memref<79x128xi32, #tpu.memory_space<vmem>> -> memref<1x128xi32, #tpu.memory_space<vmem>>
    %dma_wait3A_365 = tpu.memref_squeeze %dma_wait3A_364 : memref<1x128xi32, #tpu.memory_space<vmem>> -> memref<128xi32, #tpu.memory_space<vmem>>
    %dma_wait3A_366 = arith.constant 0 : i32
    %dma_wait3A_367 = arith.constant 0 : i32
    %dma_wait3A_368 = tpu.memref_slice %arg2[%dma_wait3A_366, %dma_wait3A_367] : memref<10000x64xf32, #tpu.memory_space<hbm>> -> memref<10000x64xf32, #tpu.memory_space<hbm>>
    tpu.wait_indirect_dma semaphore(%arg12 : memref<!tpu.dma_semaphore, #tpu.memory_space<semaphore_mem>>) src(%dma_wait3A_368 : memref<10000x64xf32, #tpu.memory_space<hbm>>) dst(%dma_wait3A_362 : memref<128x64xf32, #tpu.memory_space<vmem>>)
    %dma_start3A_369 = arith.constant 72 : i32
    %dma_start3A_370 = arith.constant 0 : i32
    %dma_start3A_371 = arith.constant 0 : i32
    %dma_start3A_372 = tpu.memref_slice %arg7[%dma_start3A_370, %dma_start3A_371] : memref<256x64xf32, #tpu.memory_space<vmem>> -> memref<128x64xf32, #tpu.memory_space<vmem>>
    %dma_start3A_373 = arith.constant 0 : i32
    %dma_start3A_374 = tpu.memref_slice %arg6[%dma_start3A_369, %dma_start3A_373] : memref<79x128xi32, #tpu.memory_space<vmem>> -> memref<1x128xi32, #tpu.memory_space<vmem>>
    %dma_start3A_375 = tpu.memref_squeeze %dma_start3A_374 : memref<1x128xi32, #tpu.memory_space<vmem>> -> memref<128xi32, #tpu.memory_space<vmem>>
    %dma_start3A_376 = arith.constant 0 : i32
    %dma_start3A_377 = arith.constant 0 : i32
    %dma_start3A_378 = tpu.memref_slice %arg11[%dma_start3A_376, %dma_start3A_377] : memref<10240x64xf32, #tpu.memory_space<vmem_shared>> -> memref<10240x64xf32, #tpu.memory_space<vmem_shared>>
    tpu.enqueue_indirect_dma source(%dma_start3A_372 : memref<128x64xf32, #tpu.memory_space<vmem>>) target(%dma_start3A_378 : memref<10240x64xf32, #tpu.memory_space<vmem_shared>>) offsets(%dma_start3A_375 : memref<128xi32, #tpu.memory_space<vmem>>) semaphore(%arg15 : memref<!tpu.dma_semaphore, #tpu.memory_space<semaphore_mem>>) {add = true}
    %dma_start3A_379 = arith.constant 73 : i32
    %dma_start3A_380 = arith.constant 128 : i32
    %dma_start3A_381 = arith.constant 0 : i32
    %dma_start3A_382 = tpu.memref_slice %arg7[%dma_start3A_380, %dma_start3A_381] : memref<256x64xf32, #tpu.memory_space<vmem>> -> memref<128x64xf32, #tpu.memory_space<vmem>>
    %dma_start3A_383 = arith.constant 0 : i32
    %dma_start3A_384 = tpu.memref_slice %arg6[%dma_start3A_379, %dma_start3A_383] : memref<79x128xi32, #tpu.memory_space<vmem>> -> memref<1x128xi32, #tpu.memory_space<vmem>>
    %dma_start3A_385 = tpu.memref_squeeze %dma_start3A_384 : memref<1x128xi32, #tpu.memory_space<vmem>> -> memref<128xi32, #tpu.memory_space<vmem>>
    %dma_start3A_386 = arith.constant 0 : i32
    %dma_start3A_387 = arith.constant 0 : i32
    %dma_start3A_388 = tpu.memref_slice %arg11[%dma_start3A_386, %dma_start3A_387] : memref<10240x64xf32, #tpu.memory_space<vmem_shared>> -> memref<10240x64xf32, #tpu.memory_space<vmem_shared>>
    tpu.enqueue_indirect_dma source(%dma_start3A_382 : memref<128x64xf32, #tpu.memory_space<vmem>>) target(%dma_start3A_388 : memref<10240x64xf32, #tpu.memory_space<vmem_shared>>) offsets(%dma_start3A_385 : memref<128xi32, #tpu.memory_space<vmem>>) semaphore(%arg15 : memref<!tpu.dma_semaphore, #tpu.memory_space<semaphore_mem>>) {add = true}
    %dma_wait3A_389 = arith.constant 70 : i32
    %dma_wait3A_390 = arith.constant 0 : i32
    %dma_wait3A_391 = arith.constant 0 : i32
    %dma_wait3A_392 = tpu.memref_slice %arg9[%dma_wait3A_390, %dma_wait3A_391] : memref<256x64xf32, #tpu.memory_space<vmem>> -> memref<128x64xf32, #tpu.memory_space<vmem>>
    %dma_wait3A_393 = arith.constant 0 : i32
    %dma_wait3A_394 = tpu.memref_slice %arg6[%dma_wait3A_389, %dma_wait3A_393] : memref<79x128xi32, #tpu.memory_space<vmem>> -> memref<1x128xi32, #tpu.memory_space<vmem>>
    %dma_wait3A_395 = tpu.memref_squeeze %dma_wait3A_394 : memref<1x128xi32, #tpu.memory_space<vmem>> -> memref<128xi32, #tpu.memory_space<vmem>>
    %dma_wait3A_396 = arith.constant 0 : i32
    %dma_wait3A_397 = arith.constant 0 : i32
    %dma_wait3A_398 = tpu.memref_slice %arg11[%dma_wait3A_396, %dma_wait3A_397] : memref<10240x64xf32, #tpu.memory_space<vmem_shared>> -> memref<10240x64xf32, #tpu.memory_space<vmem_shared>>
    tpu.wait_indirect_dma semaphore(%arg17 : memref<!tpu.dma_semaphore, #tpu.memory_space<semaphore_mem>>) src(%dma_wait3A_392 : memref<128x64xf32, #tpu.memory_space<vmem>>) dst(%dma_wait3A_398 : memref<10240x64xf32, #tpu.memory_space<vmem_shared>>)
    %dma_wait3A_399 = arith.constant 71 : i32
    %dma_wait3A_400 = arith.constant 128 : i32
    %dma_wait3A_401 = arith.constant 0 : i32
    %dma_wait3A_402 = tpu.memref_slice %arg9[%dma_wait3A_400, %dma_wait3A_401] : memref<256x64xf32, #tpu.memory_space<vmem>> -> memref<128x64xf32, #tpu.memory_space<vmem>>
    %dma_wait3A_403 = arith.constant 0 : i32
    %dma_wait3A_404 = tpu.memref_slice %arg6[%dma_wait3A_399, %dma_wait3A_403] : memref<79x128xi32, #tpu.memory_space<vmem>> -> memref<1x128xi32, #tpu.memory_space<vmem>>
    %dma_wait3A_405 = tpu.memref_squeeze %dma_wait3A_404 : memref<1x128xi32, #tpu.memory_space<vmem>> -> memref<128xi32, #tpu.memory_space<vmem>>
    %dma_wait3A_406 = arith.constant 0 : i32
    %dma_wait3A_407 = arith.constant 0 : i32
    %dma_wait3A_408 = tpu.memref_slice %arg11[%dma_wait3A_406, %dma_wait3A_407] : memref<10240x64xf32, #tpu.memory_space<vmem_shared>> -> memref<10240x64xf32, #tpu.memory_space<vmem_shared>>
    tpu.wait_indirect_dma semaphore(%arg17 : memref<!tpu.dma_semaphore, #tpu.memory_space<semaphore_mem>>) src(%dma_wait3A_402 : memref<128x64xf32, #tpu.memory_space<vmem>>) dst(%dma_wait3A_408 : memref<10240x64xf32, #tpu.memory_space<vmem_shared>>)
    %dma_start3A_409 = arith.constant 76 : i32
    %dma_start3A_410 = arith.constant 0 : i32
    %dma_start3A_411 = arith.constant 0 : i32
    %dma_start3A_412 = tpu.memref_slice %arg9[%dma_start3A_410, %dma_start3A_411] : memref<256x64xf32, #tpu.memory_space<vmem>> -> memref<128x64xf32, #tpu.memory_space<vmem>>
    %dma_start3A_413 = arith.constant 0 : i32
    %dma_start3A_414 = tpu.memref_slice %arg5[%dma_start3A_409, %dma_start3A_413] : memref<79x128xi32, #tpu.memory_space<vmem>> -> memref<1x128xi32, #tpu.memory_space<vmem>>
    %dma_start3A_415 = tpu.memref_squeeze %dma_start3A_414 : memref<1x128xi32, #tpu.memory_space<vmem>> -> memref<128xi32, #tpu.memory_space<vmem>>
    %dma_start3A_416 = arith.constant 0 : i32
    %dma_start3A_417 = arith.constant 0 : i32
    %dma_start3A_418 = tpu.memref_slice %arg2[%dma_start3A_416, %dma_start3A_417] : memref<10000x64xf32, #tpu.memory_space<hbm>> -> memref<10000x64xf32, #tpu.memory_space<hbm>>
    tpu.enqueue_indirect_dma source(%dma_start3A_418 : memref<10000x64xf32, #tpu.memory_space<hbm>>) target(%dma_start3A_412 : memref<128x64xf32, #tpu.memory_space<vmem>>) offsets(%dma_start3A_415 : memref<128xi32, #tpu.memory_space<vmem>>) semaphore(%arg14 : memref<!tpu.dma_semaphore, #tpu.memory_space<semaphore_mem>>)
    %dma_start3A_419 = arith.constant 77 : i32
    %dma_start3A_420 = arith.constant 128 : i32
    %dma_start3A_421 = arith.constant 0 : i32
    %dma_start3A_422 = tpu.memref_slice %arg9[%dma_start3A_420, %dma_start3A_421] : memref<256x64xf32, #tpu.memory_space<vmem>> -> memref<128x64xf32, #tpu.memory_space<vmem>>
    %dma_start3A_423 = arith.constant 0 : i32
    %dma_start3A_424 = tpu.memref_slice %arg5[%dma_start3A_419, %dma_start3A_423] : memref<79x128xi32, #tpu.memory_space<vmem>> -> memref<1x128xi32, #tpu.memory_space<vmem>>
    %dma_start3A_425 = tpu.memref_squeeze %dma_start3A_424 : memref<1x128xi32, #tpu.memory_space<vmem>> -> memref<128xi32, #tpu.memory_space<vmem>>
    %dma_start3A_426 = arith.constant 0 : i32
    %dma_start3A_427 = arith.constant 0 : i32
    %dma_start3A_428 = tpu.memref_slice %arg2[%dma_start3A_426, %dma_start3A_427] : memref<10000x64xf32, #tpu.memory_space<hbm>> -> memref<10000x64xf32, #tpu.memory_space<hbm>>
    tpu.enqueue_indirect_dma source(%dma_start3A_428 : memref<10000x64xf32, #tpu.memory_space<hbm>>) target(%dma_start3A_422 : memref<128x64xf32, #tpu.memory_space<vmem>>) offsets(%dma_start3A_425 : memref<128xi32, #tpu.memory_space<vmem>>) semaphore(%arg14 : memref<!tpu.dma_semaphore, #tpu.memory_space<semaphore_mem>>)
    %dma_wait3A_429 = arith.constant 74 : i32
    %dma_wait3A_430 = arith.constant 0 : i32
    %dma_wait3A_431 = arith.constant 0 : i32
    %dma_wait3A_432 = tpu.memref_slice %arg8[%dma_wait3A_430, %dma_wait3A_431] : memref<256x64xf32, #tpu.memory_space<vmem>> -> memref<128x64xf32, #tpu.memory_space<vmem>>
    %dma_wait3A_433 = arith.constant 0 : i32
    %dma_wait3A_434 = tpu.memref_slice %arg5[%dma_wait3A_429, %dma_wait3A_433] : memref<79x128xi32, #tpu.memory_space<vmem>> -> memref<1x128xi32, #tpu.memory_space<vmem>>
    %dma_wait3A_435 = tpu.memref_squeeze %dma_wait3A_434 : memref<1x128xi32, #tpu.memory_space<vmem>> -> memref<128xi32, #tpu.memory_space<vmem>>
    %dma_wait3A_436 = arith.constant 0 : i32
    %dma_wait3A_437 = arith.constant 0 : i32
    %dma_wait3A_438 = tpu.memref_slice %arg2[%dma_wait3A_436, %dma_wait3A_437] : memref<10000x64xf32, #tpu.memory_space<hbm>> -> memref<10000x64xf32, #tpu.memory_space<hbm>>
    tpu.wait_indirect_dma semaphore(%arg13 : memref<!tpu.dma_semaphore, #tpu.memory_space<semaphore_mem>>) src(%dma_wait3A_438 : memref<10000x64xf32, #tpu.memory_space<hbm>>) dst(%dma_wait3A_432 : memref<128x64xf32, #tpu.memory_space<vmem>>)
    %dma_wait3A_439 = arith.constant 75 : i32
    %dma_wait3A_440 = arith.constant 128 : i32
    %dma_wait3A_441 = arith.constant 0 : i32
    %dma_wait3A_442 = tpu.memref_slice %arg8[%dma_wait3A_440, %dma_wait3A_441] : memref<256x64xf32, #tpu.memory_space<vmem>> -> memref<128x64xf32, #tpu.memory_space<vmem>>
    %dma_wait3A_443 = arith.constant 0 : i32
    %dma_wait3A_444 = tpu.memref_slice %arg5[%dma_wait3A_439, %dma_wait3A_443] : memref<79x128xi32, #tpu.memory_space<vmem>> -> memref<1x128xi32, #tpu.memory_space<vmem>>
    %dma_wait3A_445 = tpu.memref_squeeze %dma_wait3A_444 : memref<1x128xi32, #tpu.memory_space<vmem>> -> memref<128xi32, #tpu.memory_space<vmem>>
    %dma_wait3A_446 = arith.constant 0 : i32
    %dma_wait3A_447 = arith.constant 0 : i32
    %dma_wait3A_448 = tpu.memref_slice %arg2[%dma_wait3A_446, %dma_wait3A_447] : memref<10000x64xf32, #tpu.memory_space<hbm>> -> memref<10000x64xf32, #tpu.memory_space<hbm>>
    tpu.wait_indirect_dma semaphore(%arg13 : memref<!tpu.dma_semaphore, #tpu.memory_space<semaphore_mem>>) src(%dma_wait3A_448 : memref<10000x64xf32, #tpu.memory_space<hbm>>) dst(%dma_wait3A_442 : memref<128x64xf32, #tpu.memory_space<vmem>>)
    %dma_start3A_449 = arith.constant 74 : i32
    %dma_start3A_450 = arith.constant 0 : i32
    %dma_start3A_451 = arith.constant 0 : i32
    %dma_start3A_452 = tpu.memref_slice %arg8[%dma_start3A_450, %dma_start3A_451] : memref<256x64xf32, #tpu.memory_space<vmem>> -> memref<128x64xf32, #tpu.memory_space<vmem>>
    %dma_start3A_453 = arith.constant 0 : i32
    %dma_start3A_454 = tpu.memref_slice %arg6[%dma_start3A_449, %dma_start3A_453] : memref<79x128xi32, #tpu.memory_space<vmem>> -> memref<1x128xi32, #tpu.memory_space<vmem>>
    %dma_start3A_455 = tpu.memref_squeeze %dma_start3A_454 : memref<1x128xi32, #tpu.memory_space<vmem>> -> memref<128xi32, #tpu.memory_space<vmem>>
    %dma_start3A_456 = arith.constant 0 : i32
    %dma_start3A_457 = arith.constant 0 : i32
    %dma_start3A_458 = tpu.memref_slice %arg11[%dma_start3A_456, %dma_start3A_457] : memref<10240x64xf32, #tpu.memory_space<vmem_shared>> -> memref<10240x64xf32, #tpu.memory_space<vmem_shared>>
    tpu.enqueue_indirect_dma source(%dma_start3A_452 : memref<128x64xf32, #tpu.memory_space<vmem>>) target(%dma_start3A_458 : memref<10240x64xf32, #tpu.memory_space<vmem_shared>>) offsets(%dma_start3A_455 : memref<128xi32, #tpu.memory_space<vmem>>) semaphore(%arg16 : memref<!tpu.dma_semaphore, #tpu.memory_space<semaphore_mem>>) {add = true}
    %dma_start3A_459 = arith.constant 75 : i32
    %dma_start3A_460 = arith.constant 128 : i32
    %dma_start3A_461 = arith.constant 0 : i32
    %dma_start3A_462 = tpu.memref_slice %arg8[%dma_start3A_460, %dma_start3A_461] : memref<256x64xf32, #tpu.memory_space<vmem>> -> memref<128x64xf32, #tpu.memory_space<vmem>>
    %dma_start3A_463 = arith.constant 0 : i32
    %dma_start3A_464 = tpu.memref_slice %arg6[%dma_start3A_459, %dma_start3A_463] : memref<79x128xi32, #tpu.memory_space<vmem>> -> memref<1x128xi32, #tpu.memory_space<vmem>>
    %dma_start3A_465 = tpu.memref_squeeze %dma_start3A_464 : memref<1x128xi32, #tpu.memory_space<vmem>> -> memref<128xi32, #tpu.memory_space<vmem>>
    %dma_start3A_466 = arith.constant 0 : i32
    %dma_start3A_467 = arith.constant 0 : i32
    %dma_start3A_468 = tpu.memref_slice %arg11[%dma_start3A_466, %dma_start3A_467] : memref<10240x64xf32, #tpu.memory_space<vmem_shared>> -> memref<10240x64xf32, #tpu.memory_space<vmem_shared>>
    tpu.enqueue_indirect_dma source(%dma_start3A_462 : memref<128x64xf32, #tpu.memory_space<vmem>>) target(%dma_start3A_468 : memref<10240x64xf32, #tpu.memory_space<vmem_shared>>) offsets(%dma_start3A_465 : memref<128xi32, #tpu.memory_space<vmem>>) semaphore(%arg16 : memref<!tpu.dma_semaphore, #tpu.memory_space<semaphore_mem>>) {add = true}
    %dma_wait3A_469 = arith.constant 72 : i32
    %dma_wait3A_470 = arith.constant 0 : i32
    %dma_wait3A_471 = arith.constant 0 : i32
    %dma_wait3A_472 = tpu.memref_slice %arg7[%dma_wait3A_470, %dma_wait3A_471] : memref<256x64xf32, #tpu.memory_space<vmem>> -> memref<128x64xf32, #tpu.memory_space<vmem>>
    %dma_wait3A_473 = arith.constant 0 : i32
    %dma_wait3A_474 = tpu.memref_slice %arg6[%dma_wait3A_469, %dma_wait3A_473] : memref<79x128xi32, #tpu.memory_space<vmem>> -> memref<1x128xi32, #tpu.memory_space<vmem>>
    %dma_wait3A_475 = tpu.memref_squeeze %dma_wait3A_474 : memref<1x128xi32, #tpu.memory_space<vmem>> -> memref<128xi32, #tpu.memory_space<vmem>>
    %dma_wait3A_476 = arith.constant 0 : i32
    %dma_wait3A_477 = arith.constant 0 : i32
    %dma_wait3A_478 = tpu.memref_slice %arg11[%dma_wait3A_476, %dma_wait3A_477] : memref<10240x64xf32, #tpu.memory_space<vmem_shared>> -> memref<10240x64xf32, #tpu.memory_space<vmem_shared>>
    tpu.wait_indirect_dma semaphore(%arg15 : memref<!tpu.dma_semaphore, #tpu.memory_space<semaphore_mem>>) src(%dma_wait3A_472 : memref<128x64xf32, #tpu.memory_space<vmem>>) dst(%dma_wait3A_478 : memref<10240x64xf32, #tpu.memory_space<vmem_shared>>)
    %dma_wait3A_479 = arith.constant 73 : i32
    %dma_wait3A_480 = arith.constant 128 : i32
    %dma_wait3A_481 = arith.constant 0 : i32
    %dma_wait3A_482 = tpu.memref_slice %arg7[%dma_wait3A_480, %dma_wait3A_481] : memref<256x64xf32, #tpu.memory_space<vmem>> -> memref<128x64xf32, #tpu.memory_space<vmem>>
    %dma_wait3A_483 = arith.constant 0 : i32
    %dma_wait3A_484 = tpu.memref_slice %arg6[%dma_wait3A_479, %dma_wait3A_483] : memref<79x128xi32, #tpu.memory_space<vmem>> -> memref<1x128xi32, #tpu.memory_space<vmem>>
    %dma_wait3A_485 = tpu.memref_squeeze %dma_wait3A_484 : memref<1x128xi32, #tpu.memory_space<vmem>> -> memref<128xi32, #tpu.memory_space<vmem>>
    %dma_wait3A_486 = arith.constant 0 : i32
    %dma_wait3A_487 = arith.constant 0 : i32
    %dma_wait3A_488 = tpu.memref_slice %arg11[%dma_wait3A_486, %dma_wait3A_487] : memref<10240x64xf32, #tpu.memory_space<vmem_shared>> -> memref<10240x64xf32, #tpu.memory_space<vmem_shared>>
    tpu.wait_indirect_dma semaphore(%arg15 : memref<!tpu.dma_semaphore, #tpu.memory_space<semaphore_mem>>) src(%dma_wait3A_482 : memref<128x64xf32, #tpu.memory_space<vmem>>) dst(%dma_wait3A_488 : memref<10240x64xf32, #tpu.memory_space<vmem_shared>>)
    %dma_wait3A_489 = arith.constant 76 : i32
    %dma_wait3A_490 = arith.constant 0 : i32
    %dma_wait3A_491 = arith.constant 0 : i32
    %dma_wait3A_492 = tpu.memref_slice %arg9[%dma_wait3A_490, %dma_wait3A_491] : memref<256x64xf32, #tpu.memory_space<vmem>> -> memref<128x64xf32, #tpu.memory_space<vmem>>
    %dma_wait3A_493 = arith.constant 0 : i32
    %dma_wait3A_494 = tpu.memref_slice %arg5[%dma_wait3A_489, %dma_wait3A_493] : memref<79x128xi32, #tpu.memory_space<vmem>> -> memref<1x128xi32, #tpu.memory_space<vmem>>
    %dma_wait3A_495 = tpu.memref_squeeze %dma_wait3A_494 : memref<1x128xi32, #tpu.memory_space<vmem>> -> memref<128xi32, #tpu.memory_space<vmem>>
    %dma_wait3A_496 = arith.constant 0 : i32
    %dma_wait3A_497 = arith.constant 0 : i32
    %dma_wait3A_498 = tpu.memref_slice %arg2[%dma_wait3A_496, %dma_wait3A_497] : memref<10000x64xf32, #tpu.memory_space<hbm>> -> memref<10000x64xf32, #tpu.memory_space<hbm>>
    tpu.wait_indirect_dma semaphore(%arg14 : memref<!tpu.dma_semaphore, #tpu.memory_space<semaphore_mem>>) src(%dma_wait3A_498 : memref<10000x64xf32, #tpu.memory_space<hbm>>) dst(%dma_wait3A_492 : memref<128x64xf32, #tpu.memory_space<vmem>>)
    %dma_wait3A_499 = arith.constant 77 : i32
    %dma_wait3A_500 = arith.constant 128 : i32
    %dma_wait3A_501 = arith.constant 0 : i32
    %dma_wait3A_502 = tpu.memref_slice %arg9[%dma_wait3A_500, %dma_wait3A_501] : memref<256x64xf32, #tpu.memory_space<vmem>> -> memref<128x64xf32, #tpu.memory_space<vmem>>
    %dma_wait3A_503 = arith.constant 0 : i32
    %dma_wait3A_504 = tpu.memref_slice %arg5[%dma_wait3A_499, %dma_wait3A_503] : memref<79x128xi32, #tpu.memory_space<vmem>> -> memref<1x128xi32, #tpu.memory_space<vmem>>
    %dma_wait3A_505 = tpu.memref_squeeze %dma_wait3A_504 : memref<1x128xi32, #tpu.memory_space<vmem>> -> memref<128xi32, #tpu.memory_space<vmem>>
    %dma_wait3A_506 = arith.constant 0 : i32
    %dma_wait3A_507 = arith.constant 0 : i32
    %dma_wait3A_508 = tpu.memref_slice %arg2[%dma_wait3A_506, %dma_wait3A_507] : memref<10000x64xf32, #tpu.memory_space<hbm>> -> memref<10000x64xf32, #tpu.memory_space<hbm>>
    tpu.wait_indirect_dma semaphore(%arg14 : memref<!tpu.dma_semaphore, #tpu.memory_space<semaphore_mem>>) src(%dma_wait3A_508 : memref<10000x64xf32, #tpu.memory_space<hbm>>) dst(%dma_wait3A_502 : memref<128x64xf32, #tpu.memory_space<vmem>>)
    %dma_start3A_509 = arith.constant 76 : i32
    %dma_start3A_510 = arith.constant 0 : i32
    %dma_start3A_511 = arith.constant 0 : i32
    %dma_start3A_512 = tpu.memref_slice %arg9[%dma_start3A_510, %dma_start3A_511] : memref<256x64xf32, #tpu.memory_space<vmem>> -> memref<128x64xf32, #tpu.memory_space<vmem>>
    %dma_start3A_513 = arith.constant 0 : i32
    %dma_start3A_514 = tpu.memref_slice %arg6[%dma_start3A_509, %dma_start3A_513] : memref<79x128xi32, #tpu.memory_space<vmem>> -> memref<1x128xi32, #tpu.memory_space<vmem>>
    %dma_start3A_515 = tpu.memref_squeeze %dma_start3A_514 : memref<1x128xi32, #tpu.memory_space<vmem>> -> memref<128xi32, #tpu.memory_space<vmem>>
    %dma_start3A_516 = arith.constant 0 : i32
    %dma_start3A_517 = arith.constant 0 : i32
    %dma_start3A_518 = tpu.memref_slice %arg11[%dma_start3A_516, %dma_start3A_517] : memref<10240x64xf32, #tpu.memory_space<vmem_shared>> -> memref<10240x64xf32, #tpu.memory_space<vmem_shared>>
    tpu.enqueue_indirect_dma source(%dma_start3A_512 : memref<128x64xf32, #tpu.memory_space<vmem>>) target(%dma_start3A_518 : memref<10240x64xf32, #tpu.memory_space<vmem_shared>>) offsets(%dma_start3A_515 : memref<128xi32, #tpu.memory_space<vmem>>) semaphore(%arg17 : memref<!tpu.dma_semaphore, #tpu.memory_space<semaphore_mem>>) {add = true}
    %dma_start3A_519 = arith.constant 77 : i32
    %dma_start3A_520 = arith.constant 128 : i32
    %dma_start3A_521 = arith.constant 0 : i32
    %dma_start3A_522 = tpu.memref_slice %arg9[%dma_start3A_520, %dma_start3A_521] : memref<256x64xf32, #tpu.memory_space<vmem>> -> memref<128x64xf32, #tpu.memory_space<vmem>>
    %dma_start3A_523 = arith.constant 0 : i32
    %dma_start3A_524 = tpu.memref_slice %arg6[%dma_start3A_519, %dma_start3A_523] : memref<79x128xi32, #tpu.memory_space<vmem>> -> memref<1x128xi32, #tpu.memory_space<vmem>>
    %dma_start3A_525 = tpu.memref_squeeze %dma_start3A_524 : memref<1x128xi32, #tpu.memory_space<vmem>> -> memref<128xi32, #tpu.memory_space<vmem>>
    %dma_start3A_526 = arith.constant 0 : i32
    %dma_start3A_527 = arith.constant 0 : i32
    %dma_start3A_528 = tpu.memref_slice %arg11[%dma_start3A_526, %dma_start3A_527] : memref<10240x64xf32, #tpu.memory_space<vmem_shared>> -> memref<10240x64xf32, #tpu.memory_space<vmem_shared>>
    tpu.enqueue_indirect_dma source(%dma_start3A_522 : memref<128x64xf32, #tpu.memory_space<vmem>>) target(%dma_start3A_528 : memref<10240x64xf32, #tpu.memory_space<vmem_shared>>) offsets(%dma_start3A_525 : memref<128xi32, #tpu.memory_space<vmem>>) semaphore(%arg17 : memref<!tpu.dma_semaphore, #tpu.memory_space<semaphore_mem>>) {add = true}
    %dma_wait3A_529 = arith.constant 74 : i32
    %dma_wait3A_530 = arith.constant 0 : i32
    %dma_wait3A_531 = arith.constant 0 : i32
    %dma_wait3A_532 = tpu.memref_slice %arg8[%dma_wait3A_530, %dma_wait3A_531] : memref<256x64xf32, #tpu.memory_space<vmem>> -> memref<128x64xf32, #tpu.memory_space<vmem>>
    %dma_wait3A_533 = arith.constant 0 : i32
    %dma_wait3A_534 = tpu.memref_slice %arg6[%dma_wait3A_529, %dma_wait3A_533] : memref<79x128xi32, #tpu.memory_space<vmem>> -> memref<1x128xi32, #tpu.memory_space<vmem>>
    %dma_wait3A_535 = tpu.memref_squeeze %dma_wait3A_534 : memref<1x128xi32, #tpu.memory_space<vmem>> -> memref<128xi32, #tpu.memory_space<vmem>>
    %dma_wait3A_536 = arith.constant 0 : i32
    %dma_wait3A_537 = arith.constant 0 : i32
    %dma_wait3A_538 = tpu.memref_slice %arg11[%dma_wait3A_536, %dma_wait3A_537] : memref<10240x64xf32, #tpu.memory_space<vmem_shared>> -> memref<10240x64xf32, #tpu.memory_space<vmem_shared>>
    tpu.wait_indirect_dma semaphore(%arg16 : memref<!tpu.dma_semaphore, #tpu.memory_space<semaphore_mem>>) src(%dma_wait3A_532 : memref<128x64xf32, #tpu.memory_space<vmem>>) dst(%dma_wait3A_538 : memref<10240x64xf32, #tpu.memory_space<vmem_shared>>)
    %dma_wait3A_539 = arith.constant 75 : i32
    %dma_wait3A_540 = arith.constant 128 : i32
    %dma_wait3A_541 = arith.constant 0 : i32
    %dma_wait3A_542 = tpu.memref_slice %arg8[%dma_wait3A_540, %dma_wait3A_541] : memref<256x64xf32, #tpu.memory_space<vmem>> -> memref<128x64xf32, #tpu.memory_space<vmem>>
    %dma_wait3A_543 = arith.constant 0 : i32
    %dma_wait3A_544 = tpu.memref_slice %arg6[%dma_wait3A_539, %dma_wait3A_543] : memref<79x128xi32, #tpu.memory_space<vmem>> -> memref<1x128xi32, #tpu.memory_space<vmem>>
    %dma_wait3A_545 = tpu.memref_squeeze %dma_wait3A_544 : memref<1x128xi32, #tpu.memory_space<vmem>> -> memref<128xi32, #tpu.memory_space<vmem>>
    %dma_wait3A_546 = arith.constant 0 : i32
    %dma_wait3A_547 = arith.constant 0 : i32
    %dma_wait3A_548 = tpu.memref_slice %arg11[%dma_wait3A_546, %dma_wait3A_547] : memref<10240x64xf32, #tpu.memory_space<vmem_shared>> -> memref<10240x64xf32, #tpu.memory_space<vmem_shared>>
    tpu.wait_indirect_dma semaphore(%arg16 : memref<!tpu.dma_semaphore, #tpu.memory_space<semaphore_mem>>) src(%dma_wait3A_542 : memref<128x64xf32, #tpu.memory_space<vmem>>) dst(%dma_wait3A_548 : memref<10240x64xf32, #tpu.memory_space<vmem_shared>>)
    %dma_wait3A_549 = arith.constant 76 : i32
    %dma_wait3A_550 = arith.constant 0 : i32
    %dma_wait3A_551 = arith.constant 0 : i32
    %dma_wait3A_552 = tpu.memref_slice %arg9[%dma_wait3A_550, %dma_wait3A_551] : memref<256x64xf32, #tpu.memory_space<vmem>> -> memref<128x64xf32, #tpu.memory_space<vmem>>
    %dma_wait3A_553 = arith.constant 0 : i32
    %dma_wait3A_554 = tpu.memref_slice %arg6[%dma_wait3A_549, %dma_wait3A_553] : memref<79x128xi32, #tpu.memory_space<vmem>> -> memref<1x128xi32, #tpu.memory_space<vmem>>
    %dma_wait3A_555 = tpu.memref_squeeze %dma_wait3A_554 : memref<1x128xi32, #tpu.memory_space<vmem>> -> memref<128xi32, #tpu.memory_space<vmem>>
    %dma_wait3A_556 = arith.constant 0 : i32
    %dma_wait3A_557 = arith.constant 0 : i32
    %dma_wait3A_558 = tpu.memref_slice %arg11[%dma_wait3A_556, %dma_wait3A_557] : memref<10240x64xf32, #tpu.memory_space<vmem_shared>> -> memref<10240x64xf32, #tpu.memory_space<vmem_shared>>
    tpu.wait_indirect_dma semaphore(%arg17 : memref<!tpu.dma_semaphore, #tpu.memory_space<semaphore_mem>>) src(%dma_wait3A_552 : memref<128x64xf32, #tpu.memory_space<vmem>>) dst(%dma_wait3A_558 : memref<10240x64xf32, #tpu.memory_space<vmem_shared>>)
    %dma_wait3A_559 = arith.constant 77 : i32
    %dma_wait3A_560 = arith.constant 128 : i32
    %dma_wait3A_561 = arith.constant 0 : i32
    %dma_wait3A_562 = tpu.memref_slice %arg9[%dma_wait3A_560, %dma_wait3A_561] : memref<256x64xf32, #tpu.memory_space<vmem>> -> memref<128x64xf32, #tpu.memory_space<vmem>>
    %dma_wait3A_563 = arith.constant 0 : i32
    %dma_wait3A_564 = tpu.memref_slice %arg6[%dma_wait3A_559, %dma_wait3A_563] : memref<79x128xi32, #tpu.memory_space<vmem>> -> memref<1x128xi32, #tpu.memory_space<vmem>>
    %dma_wait3A_565 = tpu.memref_squeeze %dma_wait3A_564 : memref<1x128xi32, #tpu.memory_space<vmem>> -> memref<128xi32, #tpu.memory_space<vmem>>
    %dma_wait3A_566 = arith.constant 0 : i32
    %dma_wait3A_567 = arith.constant 0 : i32
    %dma_wait3A_568 = tpu.memref_slice %arg11[%dma_wait3A_566, %dma_wait3A_567] : memref<10240x64xf32, #tpu.memory_space<vmem_shared>> -> memref<10240x64xf32, #tpu.memory_space<vmem_shared>>
    tpu.wait_indirect_dma semaphore(%arg17 : memref<!tpu.dma_semaphore, #tpu.memory_space<semaphore_mem>>) src(%dma_wait3A_562 : memref<128x64xf32, #tpu.memory_space<vmem>>) dst(%dma_wait3A_568 : memref<10240x64xf32, #tpu.memory_space<vmem_shared>>)
    %lt3A_569 = arith.constant 4 : i32
    %lt3A_570 = arith.cmpi slt, %add3A, %lt3A_569 : i32
    %convert_element_type3A_571 = arith.extui %lt3A_570 : i1 to i32
    %cond3A_572 = arith.constant 0 : i32
    %cond3A_573 = arith.cmpi ne, %convert_element_type3A_571, %cond3A_572 : i32
    scf.if %cond3A_573 {
      %dma_start3A_579 = arith.constant 78 : i32
      %dma_start3A_580 = arith.constant 0 : i32
      %dma_start3A_581 = arith.constant 0 : i32
      %dma_start3A_582 = tpu.memref_slice %arg7[%dma_start3A_580, %dma_start3A_581] : memref<256x64xf32, #tpu.memory_space<vmem>> -> memref<128x64xf32, #tpu.memory_space<vmem>>
      %dma_start3A_583 = arith.constant 0 : i32
      %dma_start3A_584 = tpu.memref_slice %arg5[%dma_start3A_579, %dma_start3A_583] : memref<79x128xi32, #tpu.memory_space<vmem>> -> memref<1x128xi32, #tpu.memory_space<vmem>>
      %dma_start3A_585 = tpu.memref_squeeze %dma_start3A_584 : memref<1x128xi32, #tpu.memory_space<vmem>> -> memref<128xi32, #tpu.memory_space<vmem>>
      %dma_start3A_586 = arith.constant 0 : i32
      %dma_start3A_587 = arith.constant 0 : i32
      %dma_start3A_588 = tpu.memref_slice %arg2[%dma_start3A_586, %dma_start3A_587] : memref<10000x64xf32, #tpu.memory_space<hbm>> -> memref<10000x64xf32, #tpu.memory_space<hbm>>
      tpu.enqueue_indirect_dma source(%dma_start3A_588 : memref<10000x64xf32, #tpu.memory_space<hbm>>) target(%dma_start3A_582 : memref<128x64xf32, #tpu.memory_space<vmem>>) offsets(%dma_start3A_585 : memref<128xi32, #tpu.memory_space<vmem>>) semaphore(%arg12 : memref<!tpu.dma_semaphore, #tpu.memory_space<semaphore_mem>>)
      %dma_wait3A_589 = arith.constant 78 : i32
      %dma_wait3A_590 = arith.constant 0 : i32
      %dma_wait3A_591 = arith.constant 0 : i32
      %dma_wait3A_592 = tpu.memref_slice %arg7[%dma_wait3A_590, %dma_wait3A_591] : memref<256x64xf32, #tpu.memory_space<vmem>> -> memref<128x64xf32, #tpu.memory_space<vmem>>
      %dma_wait3A_593 = arith.constant 0 : i32
      %dma_wait3A_594 = tpu.memref_slice %arg5[%dma_wait3A_589, %dma_wait3A_593] : memref<79x128xi32, #tpu.memory_space<vmem>> -> memref<1x128xi32, #tpu.memory_space<vmem>>
      %dma_wait3A_595 = tpu.memref_squeeze %dma_wait3A_594 : memref<1x128xi32, #tpu.memory_space<vmem>> -> memref<128xi32, #tpu.memory_space<vmem>>
      %dma_wait3A_596 = arith.constant 0 : i32
      %dma_wait3A_597 = arith.constant 0 : i32
      %dma_wait3A_598 = tpu.memref_slice %arg2[%dma_wait3A_596, %dma_wait3A_597] : memref<10000x64xf32, #tpu.memory_space<hbm>> -> memref<10000x64xf32, #tpu.memory_space<hbm>>
      tpu.wait_indirect_dma semaphore(%arg12 : memref<!tpu.dma_semaphore, #tpu.memory_space<semaphore_mem>>) src(%dma_wait3A_598 : memref<10000x64xf32, #tpu.memory_space<hbm>>) dst(%dma_wait3A_592 : memref<128x64xf32, #tpu.memory_space<vmem>>)
      %run_scoped3A = arith.constant 78 : i32
      "tpu.region"() ({
        %run_scoped3A_599 = tpu.sem_alloc : memref<!tpu.dma_semaphore, #tpu.memory_space<semaphore_mem>>
        %dma_start3A_600 = arith.constant 0 : i32
        %dma_start3A_601 = arith.constant 0 : i32
        %dma_start3A_602 = tpu.memref_slice %arg7[%dma_start3A_600, %dma_start3A_601] : memref<256x64xf32, #tpu.memory_space<vmem>> -> memref<128x64xf32, #tpu.memory_space<vmem>>
        %dma_start3A_603 = arith.constant 0 : i32
        %dma_start3A_604 = tpu.memref_slice %arg6[%run_scoped3A, %dma_start3A_603] : memref<79x128xi32, #tpu.memory_space<vmem>> -> memref<1x128xi32, #tpu.memory_space<vmem>>
        %dma_start3A_605 = tpu.memref_squeeze %dma_start3A_604 : memref<1x128xi32, #tpu.memory_space<vmem>> -> memref<128xi32, #tpu.memory_space<vmem>>
        %dma_start3A_606 = arith.constant 0 : i32
        %dma_start3A_607 = arith.constant 0 : i32
        %dma_start3A_608 = tpu.memref_slice %arg11[%dma_start3A_606, %dma_start3A_607] : memref<10240x64xf32, #tpu.memory_space<vmem_shared>> -> memref<10240x64xf32, #tpu.memory_space<vmem_shared>>
        tpu.enqueue_indirect_dma source(%dma_start3A_602 : memref<128x64xf32, #tpu.memory_space<vmem>>) target(%dma_start3A_608 : memref<10240x64xf32, #tpu.memory_space<vmem_shared>>) offsets(%dma_start3A_605 : memref<128xi32, #tpu.memory_space<vmem>>) semaphore(%run_scoped3A_599 : memref<!tpu.dma_semaphore, #tpu.memory_space<semaphore_mem>>) {add = true}
        %dma_wait3A_609 = arith.constant 0 : i32
        %dma_wait3A_610 = arith.constant 0 : i32
        %dma_wait3A_611 = tpu.memref_slice %arg7[%dma_wait3A_609, %dma_wait3A_610] : memref<256x64xf32, #tpu.memory_space<vmem>> -> memref<128x64xf32, #tpu.memory_space<vmem>>
        %dma_wait3A_612 = arith.constant 0 : i32
        %dma_wait3A_613 = tpu.memref_slice %arg6[%run_scoped3A, %dma_wait3A_612] : memref<79x128xi32, #tpu.memory_space<vmem>> -> memref<1x128xi32, #tpu.memory_space<vmem>>
        %dma_wait3A_614 = tpu.memref_squeeze %dma_wait3A_613 : memref<1x128xi32, #tpu.memory_space<vmem>> -> memref<128xi32, #tpu.memory_space<vmem>>
        %dma_wait3A_615 = arith.constant 0 : i32
        %dma_wait3A_616 = arith.constant 0 : i32
        %dma_wait3A_617 = tpu.memref_slice %arg11[%dma_wait3A_615, %dma_wait3A_616] : memref<10240x64xf32, #tpu.memory_space<vmem_shared>> -> memref<10240x64xf32, #tpu.memory_space<vmem_shared>>
        tpu.wait_indirect_dma semaphore(%run_scoped3A_599 : memref<!tpu.dma_semaphore, #tpu.memory_space<semaphore_mem>>) src(%dma_wait3A_611 : memref<128x64xf32, #tpu.memory_space<vmem>>) dst(%dma_wait3A_617 : memref<10240x64xf32, #tpu.memory_space<vmem_shared>>)
        tpu.yield
      }) : () -> ()
    } else {
    }
    %barrier3A_574 = arith.constant 0 : index
    tpu.barrier barrier_id(%barrier3A_574)
    %mul3A_575 = arith.constant 640 : i32
    %mul3A_576 = arith.muli %arg1, %mul3A_575 : i32
    %mul3A_577 = arith.constant 640 : i32
    %mul3A_578 = arith.muli %arg1, %mul3A_577 : i32
    "tpu.region"() ({
      %run_scoped3A = tpu.sem_alloc : memref<!tpu.dma_semaphore, #tpu.memory_space<semaphore_mem>>
      %dma_start3A_579 = arith.constant 0 : i32
      %dma_start3A_580 = tpu.memref_slice %arg4[%arg0, %mul3A_578, %dma_start3A_579] : memref<2x10240x64xf32, #tpu.memory_space<hbm>> -> memref<1x640x64xf32, #tpu.memory_space<hbm>>
      %dma_start3A_581 = tpu.memref_squeeze %dma_start3A_580 : memref<1x640x64xf32, #tpu.memory_space<hbm>> -> memref<640x64xf32, #tpu.memory_space<hbm>>
      %dma_start3A_582 = arith.constant 0 : i32
      %dma_start3A_583 = tpu.memref_slice %arg11[%mul3A_576, %dma_start3A_582] : memref<10240x64xf32, #tpu.memory_space<vmem_shared>> -> memref<640x64xf32, #tpu.memory_space<vmem_shared>>
      tpu.enqueue_dma source(%dma_start3A_583 : memref<640x64xf32, #tpu.memory_space<vmem_shared>>) target(%dma_start3A_581 : memref<640x64xf32, #tpu.memory_space<hbm>>) target_semaphore(%run_scoped3A : memref<!tpu.dma_semaphore, #tpu.memory_space<semaphore_mem>>)
      %dma_wait3A_584 = arith.constant 0 : i32
      %dma_wait3A_585 = tpu.memref_slice %arg4[%arg0, %mul3A_578, %dma_wait3A_584] : memref<2x10240x64xf32, #tpu.memory_space<hbm>> -> memref<1x640x64xf32, #tpu.memory_space<hbm>>
      %dma_wait3A_586 = tpu.memref_squeeze %dma_wait3A_585 : memref<1x640x64xf32, #tpu.memory_space<hbm>> -> memref<640x64xf32, #tpu.memory_space<hbm>>
      %dma_wait3A_587 = arith.constant 0 : i32
      %dma_wait3A_588 = tpu.memref_slice %arg11[%mul3A_576, %dma_wait3A_587] : memref<10240x64xf32, #tpu.memory_space<vmem_shared>> -> memref<640x64xf32, #tpu.memory_space<vmem_shared>>
      tpu.wait_dma2 semaphore(%run_scoped3A : memref<!tpu.dma_semaphore, #tpu.memory_space<semaphore_mem>>) src(%dma_wait3A_588 : memref<640x64xf32, #tpu.memory_space<vmem_shared>>) dst(%dma_wait3A_586 : memref<640x64xf32, #tpu.memory_space<hbm>>)
      tpu.yield
    }) : () -> ()
    return
  }
}

module attributes {stable_mosaic.version = 14 : i64} {
  func.func @body(%arg0: memref<5000x256xf32, #tpu.memory_space<vmem>>, %arg1: memref<256x128xf32, #tpu.memory_space<vmem>>, %arg2: memref<5000x128xf32, #tpu.memory_space<vmem>>) attributes {dimension_semantics = [], scalar_prefetch = 0 : i64, scratch_operands = 0 : i64, tpu.core_type = #tpu.core_type<tc>} {
    %get3A = arith.constant 0 : index
    %get3A_0 = arith.constant 0 : index
    %get3A_1 = vector.load %arg0[%get3A, %get3A_0] : memref<5000x256xf32, #tpu.memory_space<vmem>>, vector<5000x256xf32>
    %get3A_2 = arith.constant 0 : index
    %get3A_3 = arith.constant 0 : index
    %get3A_4 = vector.load %arg1[%get3A_2, %get3A_3] : memref<256x128xf32, #tpu.memory_space<vmem>>, vector<256x128xf32>
    %dot_general3A = arith.constant dense<0.000000e+00> : vector<5000x128xf32>
    %dot_general3A_5 = tpu.matmul %get3A_1, %get3A_4, %dot_general3A {dimension_numbers = #tpu.dot_dimension_numbers<[1], [0], [0], [1], [0, 0, 1, 1], [], []>, transpose_lhs_hint = false} : vector<5000x256xf32>, vector<256x128xf32>, vector<5000x128xf32> -> vector<5000x128xf32>
    %swap3A = arith.constant 0 : index
    %swap3A_6 = arith.constant 0 : index
    %swap3A_7 = vector.load %arg2[%swap3A, %swap3A_6] : memref<5000x128xf32, #tpu.memory_space<vmem>>, vector<5000x128xf32>
    tpu.vector_store %arg2[%swap3A, %swap3A_6], %dot_general3A_5 {strides = array<i32>} : memref<5000x128xf32, #tpu.memory_space<vmem>>, vector<5000x128xf32>,
    return
  }
}

module attributes {stable_mosaic.version = 14 : i64} {
  func.func @body(%arg0: memref<5000x128xf32, #tpu.memory_space<vmem>>, %arg1: memref<2x1280x128xf32, #tpu.memory_space<vmem>>, %arg2: memref<4x128x128xf32, #tpu.memory_space<vmem>>, %arg3: memref<5000x128xf32, #tpu.memory_space<vmem>>, %arg4: memref<5000x128xf32, #tpu.memory_space<vmem>>) attributes {dimension_semantics = [], scalar_prefetch = 0 : i64, scratch_operands = 0 : i64, tpu.core_type = #tpu.core_type<tc>} {
    %get3A = arith.constant 0 : index
    %get3A_0 = arith.constant 0 : index
    %get3A_1 = arith.constant 0 : index
    %get3A_2 = vector.load %arg1[%get3A, %get3A_0, %get3A_1] : memref<2x1280x128xf32, #tpu.memory_space<vmem>>, vector<1x1250x128xf32>
    %get3A_3 = vector.shape_cast %get3A_2 : vector<1x1250x128xf32> to vector<1250x128xf32>
    %get3A_4 = arith.constant 1 : index
    %get3A_5 = arith.constant 0 : index
    %get3A_6 = arith.constant 0 : index
    %get3A_7 = vector.load %arg1[%get3A_4, %get3A_5, %get3A_6] : memref<2x1280x128xf32, #tpu.memory_space<vmem>>, vector<1x1250x128xf32>
    %get3A_8 = vector.shape_cast %get3A_7 : vector<1x1250x128xf32> to vector<1250x128xf32>
    %add3A = arith.addf %get3A_3, %get3A_8 : vector<1250x128xf32>
    %get3A_9 = arith.constant 0 : index
    %get3A_10 = arith.constant 0 : index
    %get3A_11 = arith.constant 0 : index
    %get3A_12 = vector.load %arg2[%get3A_9, %get3A_10, %get3A_11] : memref<4x128x128xf32, #tpu.memory_space<vmem>>, vector<1x128x128xf32>
    %get3A_13 = vector.shape_cast %get3A_12 : vector<1x128x128xf32> to vector<128x128xf32>
    %dot_general3A = arith.constant dense<0.000000e+00> : vector<1250x128xf32>
    %dot_general3A_14 = tpu.matmul %add3A, %get3A_13, %dot_general3A {dimension_numbers = #tpu.dot_dimension_numbers<[1], [0], [0], [1], [0, 0, 1, 1], [], []>, transpose_lhs_hint = false} : vector<1250x128xf32>, vector<128x128xf32>, vector<1250x128xf32> -> vector<1250x128xf32>
    %broadcast_in_dim3A = vector.shape_cast %dot_general3A_14 : vector<1250x128xf32> to vector<1250x1x128xf32>
    %get3A_15 = arith.constant 1 : index
    %get3A_16 = arith.constant 0 : index
    %get3A_17 = arith.constant 0 : index
    %get3A_18 = vector.load %arg2[%get3A_15, %get3A_16, %get3A_17] : memref<4x128x128xf32, #tpu.memory_space<vmem>>, vector<1x128x128xf32>
    %get3A_19 = vector.shape_cast %get3A_18 : vector<1x128x128xf32> to vector<128x128xf32>
    %dot_general3A_20 = arith.constant dense<0.000000e+00> : vector<1250x128xf32>
    %dot_general3A_21 = tpu.matmul %add3A, %get3A_19, %dot_general3A_20 {dimension_numbers = #tpu.dot_dimension_numbers<[1], [0], [0], [1], [0, 0, 1, 1], [], []>, transpose_lhs_hint = false} : vector<1250x128xf32>, vector<128x128xf32>, vector<1250x128xf32> -> vector<1250x128xf32>
    %broadcast_in_dim3A_22 = vector.shape_cast %dot_general3A_21 : vector<1250x128xf32> to vector<1250x1x128xf32>
    %get3A_23 = arith.constant 2 : index
    %get3A_24 = arith.constant 0 : index
    %get3A_25 = arith.constant 0 : index
    %get3A_26 = vector.load %arg2[%get3A_23, %get3A_24, %get3A_25] : memref<4x128x128xf32, #tpu.memory_space<vmem>>, vector<1x128x128xf32>
    %get3A_27 = vector.shape_cast %get3A_26 : vector<1x128x128xf32> to vector<128x128xf32>
    %dot_general3A_28 = arith.constant dense<0.000000e+00> : vector<1250x128xf32>
    %dot_general3A_29 = tpu.matmul %add3A, %get3A_27, %dot_general3A_28 {dimension_numbers = #tpu.dot_dimension_numbers<[1], [0], [0], [1], [0, 0, 1, 1], [], []>, transpose_lhs_hint = false} : vector<1250x128xf32>, vector<128x128xf32>, vector<1250x128xf32> -> vector<1250x128xf32>
    %broadcast_in_dim3A_30 = vector.shape_cast %dot_general3A_29 : vector<1250x128xf32> to vector<1250x1x128xf32>
    %get3A_31 = arith.constant 3 : index
    %get3A_32 = arith.constant 0 : index
    %get3A_33 = arith.constant 0 : index
    %get3A_34 = vector.load %arg2[%get3A_31, %get3A_32, %get3A_33] : memref<4x128x128xf32, #tpu.memory_space<vmem>>, vector<1x128x128xf32>
    %get3A_35 = vector.shape_cast %get3A_34 : vector<1x128x128xf32> to vector<128x128xf32>
    %dot_general3A_36 = arith.constant dense<0.000000e+00> : vector<1250x128xf32>
    %dot_general3A_37 = tpu.matmul %add3A, %get3A_35, %dot_general3A_36 {dimension_numbers = #tpu.dot_dimension_numbers<[1], [0], [0], [1], [0, 0, 1, 1], [], []>, transpose_lhs_hint = false} : vector<1250x128xf32>, vector<128x128xf32>, vector<1250x128xf32> -> vector<1250x128xf32>
    %broadcast_in_dim3A_38 = vector.shape_cast %dot_general3A_37 : vector<1250x128xf32> to vector<1250x1x128xf32>
    %concatenate3A = tpu.concatenate %broadcast_in_dim3A, %broadcast_in_dim3A_22, %broadcast_in_dim3A_30, %broadcast_in_dim3A_38 in 1 : vector<1250x1x128xf32>, vector<1250x1x128xf32>, vector<1250x1x128xf32>, vector<1250x1x128xf32> -> vector<1250x4x128xf32>
    %reshape3A = vector.shape_cast %concatenate3A : vector<1250x4x128xf32> to vector<5000x128xf32>
    %add3A_39 = arith.constant 1.000000e+00 : f32
    %add3A_40 = vector.broadcast %add3A_39 : f32 to vector<5000x128xf32>
    %add3A_41 = arith.addf %reshape3A, %add3A_40 : vector<5000x128xf32>
    %sqrt3A = math.sqrt %add3A_41 : vector<5000x128xf32>
    %div3A = arith.constant 1.000000e+00 : f32
    %div3A_42 = vector.broadcast %div3A : f32 to vector<5000x128xf32>
    %div3A_43 = arith.divf %div3A_42, %sqrt3A : vector<5000x128xf32>
    %get3A_44 = arith.constant 0 : index
    %get3A_45 = arith.constant 0 : index
    %get3A_46 = vector.load %arg0[%get3A_44, %get3A_45] : memref<5000x128xf32, #tpu.memory_space<vmem>>, vector<5000x128xf32>
    %mul3A = arith.mulf %get3A_46, %div3A_43 : vector<5000x128xf32>
    %swap3A = arith.constant 0 : index
    %swap3A_47 = arith.constant 0 : index
    %swap3A_48 = vector.load %arg3[%swap3A, %swap3A_47] : memref<5000x128xf32, #tpu.memory_space<vmem>>, vector<5000x128xf32>
    tpu.vector_store %arg3[%swap3A, %swap3A_47], %mul3A {strides = array<i32>} : memref<5000x128xf32, #tpu.memory_space<vmem>>, vector<5000x128xf32>,
    %swap3A_49 = arith.constant 0 : index
    %swap3A_50 = arith.constant 0 : index
    %swap3A_51 = vector.load %arg4[%swap3A_49, %swap3A_50] : memref<5000x128xf32, #tpu.memory_space<vmem>>, vector<5000x128xf32>
    tpu.vector_store %arg4[%swap3A_49, %swap3A_50], %div3A_43 {strides = array<i32>} : memref<5000x128xf32, #tpu.memory_space<vmem>>, vector<5000x128xf32>,
    return
  }
}

module attributes {stable_mosaic.version = 14 : i64} {
  func.func @body(%arg0: memref<2x5120x128xf32, #tpu.memory_space<vmem>>, %arg1: memref<5000x128xf32, #tpu.memory_space<vmem>>, %arg2: memref<5000x128xf32, #tpu.memory_space<vmem>>, %arg3: memref<1x128xf32, #tpu.memory_space<vmem>>, %arg4: memref<5000x128xf32, #tpu.memory_space<vmem>>) attributes {dimension_semantics = [], scalar_prefetch = 0 : i64, scratch_operands = 0 : i64, tpu.core_type = #tpu.core_type<tc>} {
    %get3A = arith.constant 0 : index
    %get3A_0 = arith.constant 0 : index
    %get3A_1 = arith.constant 0 : index
    %get3A_2 = vector.load %arg0[%get3A, %get3A_0, %get3A_1] : memref<2x5120x128xf32, #tpu.memory_space<vmem>>, vector<1x5000x128xf32>
    %get3A_3 = vector.shape_cast %get3A_2 : vector<1x5000x128xf32> to vector<5000x128xf32>
    %get3A_4 = arith.constant 1 : index
    %get3A_5 = arith.constant 0 : index
    %get3A_6 = arith.constant 0 : index
    %get3A_7 = vector.load %arg0[%get3A_4, %get3A_5, %get3A_6] : memref<2x5120x128xf32, #tpu.memory_space<vmem>>, vector<1x5000x128xf32>
    %get3A_8 = vector.shape_cast %get3A_7 : vector<1x5000x128xf32> to vector<5000x128xf32>
    %add3A = arith.addf %get3A_3, %get3A_8 : vector<5000x128xf32>
    %get3A_9 = arith.constant 0 : index
    %get3A_10 = arith.constant 0 : index
    %get3A_11 = vector.load %arg1[%get3A_9, %get3A_10] : memref<5000x128xf32, #tpu.memory_space<vmem>>, vector<5000x128xf32>
    %add3A_12 = arith.addf %add3A, %get3A_11 : vector<5000x128xf32>
    %get3A_13 = arith.constant 0 : index
    %get3A_14 = arith.constant 0 : index
    %get3A_15 = vector.load %arg2[%get3A_13, %get3A_14] : memref<5000x128xf32, #tpu.memory_space<vmem>>, vector<5000x128xf32>
    %mul3A = arith.mulf %add3A_12, %get3A_15 : vector<5000x128xf32>
    %get3A_16 = arith.constant 0 : index
    %get3A_17 = arith.constant 0 : index
    %get3A_18 = vector.load %arg3[%get3A_16, %get3A_17] : memref<1x128xf32, #tpu.memory_space<vmem>>, vector<1x128xf32>
    %add3A_19 = vector.broadcast %get3A_18 : vector<1x128xf32> to vector<5000x128xf32>
    %add3A_20 = arith.addf %mul3A, %add3A_19 : vector<5000x128xf32>
    %swap3A = arith.constant 0 : index
    %swap3A_21 = arith.constant 0 : index
    %swap3A_22 = vector.load %arg4[%swap3A, %swap3A_21] : memref<5000x128xf32, #tpu.memory_space<vmem>>, vector<5000x128xf32>
    tpu.vector_store %arg4[%swap3A, %swap3A_21], %add3A_20 {strides = array<i32>} : memref<5000x128xf32, #tpu.memory_space<vmem>>, vector<5000x128xf32>,
    return
  }
}

</mosaic_0001>

<sc_bundles>
// kernel: kernel.10.cloned.1.call-start
scs
__scs_entry_jumppad:
0x0: {  	(pc) =	sbr.rel $0x88, $3  }
0x1: {  	(tag) =	ssettag $0x0;
	lr =	simm.s32 $0x1  }
0x2: {  	[smem:$0x3F9D] =	sst lr;
	_ =	strace $0xD0000000  }
0x3: {  	_ = 	snop  }
0x4: {  	_ = 	snop  }
0x5: {  	_ = 	snop  }
0x6: {  	_ = 	snop  }
0x7: {  	_ = 	snop  }
__scs_overlays_trampoline_lowered:
0x8: {  	[smem:$0x3FAC] =	sst s0  }
0x9: {  	[smem:$0x3FAD] =	sst s1  }
0xa: {  	[smem:$0x3FAE] =	sst s2  }
0xb: {  	[smem:$0x3FAF] =	sst s3  }
0xc: {  	[smem:$0x3FB0] =	sst s4  }
0xd: {  	[smem:$0x3FB1] =	sst s5  }
0xe: {  	[smem:$0x3FB2] =	sst s6  }
0xf: {  	[smem:$0x3FB3] =	sst s7  }
0x10: {  	[smem:$0x3FB4] =	sst s8  }
0x11: {  	[smem:$0x3FB5] =	sst s9;
	s0 =	simm.s32 @!p0 $0x0  }
0x12: {  	s1 =	sld [smem:$0x3F9B];
	s0 =	simm.s32 @p0 $0x1  }
0x13: {  	[smem:$0x3FB6] =	sst s0;
	s0 =	simm.s32 @!p1 $0x0  }
0x14: {  	s2 =	sld [smem:$0x3F9A];
	s0 =	simm.s32 @p1 $0x1  }
0x15: {  	[smem:$0x3FB7] =	sst s0;
	s0 =	simm.s32 @!p2 $0x0  }
0x16: {  	s3 =	sld [smem:$0x3FDB];
	s0 =	simm.s32 @p2 $0x1  }
0x17: {  	s4 =	simm.s32 $0x1BF5;
	[smem:$0x3FB9] =	sst s0  }
0x18: {  	s0 =	sld [smem:$0x3F9C];
	_ =	swait.ge [sflag:s4], $0x0  }
0x19: {  	s7 =	sld [smem:$0x3F9D]  }
0x1a: {  	s8 =	sadd.s32 $0xFFFFE003, lr  }
0x1b: {  	s9 =	sadd.s32 $0xFFFFFEF7, lr;
	s5 =	simm.s32 $0xFFFFFFFF;
	p2 =	slt.u32 s8, $0xFFFFF086  }
0x1c: {  	p1 =	slt.u32 s9, $0xF7A;
	s5 =	simm.s32 @!p2 $0x0  }
0x1d: {  	s5 =	simm.s32 @p1 $0x1;
	p0 =	seq.s32 s7, s2  }
0x1e: {  	s7 =	smul.u32 @!p0 $0xF7A, s2;
	p2 =	seq.s32 @!p0 s5, $0x0  }
0x1f: {  	s9 =	smul.u32 $0xF7A, s1;
	s8 =	simm.s32 @!p0 $0x1BF5;
	p2 =	por !p2, p0  }
0x20: {  	[sflag:s8] =	ssyncset.s32 @!p0 $0xFFFFF086;
	s6 =	sadd.s32 @!p0 s3, s7;
	s7 =	simm.s32 @!p0 $0x108  }
0x21: {  	s3 =	sadd.s32 s3, s9;
	s6 =	sadd.s32 @!p0 $0x88, s6;
	s7 =	simm.s32 @p2 $0x1082  }
0x22: {  	[simem:s7], [sflag:s8] =	dma.local @!p0 [hbm:s6], $0xF7A  }
0x23: {  	s9 =	sor.u32 $0xD0000000, s2;
	s6 =	simm.s32 $0x108;
	_ =	swait.ge @!p0 [sflag:s8], $0x0  }
0x24: {  	s3 =	sadd.s32 $0x88, s3;
	s6 =	simm.s32 @!p1 $0x1082;
	[sflag:s4] =	ssyncset.s32 $0xFFFFF086  }
0x25: {  	[simem:s6], [sflag:s4] =	dma.local [hbm:s3], $0xF7A  }
0x26: {  	[smem:$0x3F9D] =	sst s1;
	(tag) =	ssettag s2;
	_ =	strace s9  }
0x27: {  	s1 =	sld [smem:$0x3FAD]  }
0x28: {  	s2 =	sld [smem:$0x3FAE]  }
0x29: {  	s4 =	sld [smem:$0x3FB0]  }
0x2a: {  	p0 =	seq.s32 s5, $0x0;
	s5 =	sld [smem:$0x3FB1]  }
0x2b: {  	s6 =	sld [smem:$0x3FB2]  }
0x2c: {  	s7 =	sld [smem:$0x3FB3]  }
0x2d: {  	s3 =	simm.s32 $0x108;
	s8 =	sld [smem:$0x3FB4]  }
0x2e: {  	s3 =	simm.s32 @!p0 $0x1082;
	s9 =	sld [smem:$0x3FB5]  }
0x2f: {  	lr =	sadd.s32 s0, s3;
	s0 =	sld [smem:$0x3FAC]  }
0x30: {  	s3 =	sld [smem:$0x3FAF]  }
0x31: {  	[smem:$0x3FB8] =	sst s10  }
0x32: {  	s10 =	sld [smem:$0x3FB6];
	_ =	sdelay $0x3  }
0x33: {  	p0 =	seq.s32 s10, $0x1;
	s10 =	sld [smem:$0x3FB8];
	_ =	sdelay $0x3  }
0x34: {  	[smem:$0x3FB8] =	sst s10  }
0x35: {  	s10 =	sld [smem:$0x3FB7];
	_ =	sdelay $0x3  }
0x36: {  	p1 =	seq.s32 s10, $0x1;
	s10 =	sld [smem:$0x3FB8];
	_ =	sdelay $0x3  }
0x37: {  	[smem:$0x3FB8] =	sst s10  }
0x38: {  	s10 =	sld [smem:$0x3FB9]  }
0x39: {  	_ = 	snop;
	(pc) =	sbr.ind lr, $3  }
0x3a: {  	_ = 	snop  }
0x3b: {  	_ = 	snop  }
0x3c: {  	p2 =	seq.s32 s10, $0x1;
	s10 =	sld [smem:$0x3FB8]  }
0x3d: {  	_ =	shalt  }
0x3e: {  	_ =	shalt  }
0x3f: {  	_ =	shalt  }
0x40: {  	_ =	shalt  }
0x41: {  	_ =	shalt  }
0x42: {  	_ =	shalt  }
0x43: {  	_ =	shalt  }
0x44: {  	_ =	shalt  }
0x45: {  	_ =	shalt  }
0x46: {  	_ =	shalt  }
0x47: {  	_ =	shalt  }
0x48: {  	_ =	shalt  }
0x49: {  	_ =	shalt  }
0x4a: {  	_ =	shalt  }
0x4b: {  	_ =	shalt  }
0x4c: {  	_ =	shalt  }
0x4d: {  	_ =	shalt  }
0x4e: {  	_ =	shalt  }
0x4f: {  	_ =	shalt  }
0x50: {  	_ =	shalt  }
0x51: {  	_ =	shalt  }
0x52: {  	_ =	shalt  }
0x53: {  	_ =	shalt  }
0x54: {  	_ =	shalt  }
0x55: {  	_ =	shalt  }
0x56: {  	_ =	shalt  }
0x57: {  	_ =	shalt  }
0x58: {  	_ =	shalt  }
0x59: {  	_ =	shalt  }
0x5a: {  	_ =	shalt  }
0x5b: {  	_ =	shalt  }
0x5c: {  	_ =	shalt  }
0x5d: {  	_ =	shalt  }
0x5e: {  	_ =	shalt  }
0x5f: {  	_ =	shalt  }
0x60: {  	_ =	shalt  }
0x61: {  	_ =	shalt  }
0x62: {  	_ =	shalt  }
0x63: {  	_ =	shalt  }
0x64: {  	_ =	shalt  }
0x65: {  	_ =	shalt  }
0x66: {  	_ =	shalt  }
0x67: {  	_ =	shalt  }
0x68: {  	_ =	shalt  }
0x69: {  	_ =	shalt  }
0x6a: {  	_ =	shalt  }
0x6b: {  	_ =	shalt  }
0x6c: {  	_ =	shalt  }
0x6d: {  	_ =	shalt  }
0x6e: {  	_ =	shalt  }
0x6f: {  	_ =	shalt  }
0x70: {  	_ =	shalt  }
0x71: {  	_ =	shalt  }
0x72: {  	_ =	shalt  }
0x73: {  	_ =	shalt  }
0x74: {  	_ =	shalt  }
0x75: {  	_ =	shalt  }
0x76: {  	_ =	shalt  }
0x77: {  	_ =	shalt  }
0x78: {  	_ =	shalt  }
0x79: {  	_ =	shalt  }
0x7a: {  	_ =	shalt  }
0x7b: {  	_ =	shalt  }
0x7c: {  	_ =	shalt  }
0x7d: {  	_ =	shalt  }
0x7e: {  	_ =	shalt  }
0x7f: {  	_ =	shalt  }
0x80: {  	_ =	shalt  }
0x81: {  	_ =	shalt  }
0x82: {  	_ =	shalt  }
0x83: {  	_ =	shalt  }
0x84: {  	_ =	shalt  }
0x85: {  	_ =	shalt  }
0x86: {  	_ =	shalt  }
0x87: {  	_ =	shalt  }
.Lfunc_end0:
.L_simem_size_0:
called_computation.1_lowered:
.L_overlay_start_0:
0x88: {  	s2 =	sld [smem:$0x3FD9]  }
0x89: {  	s3 =	sld [smem:$0x3FFE];
	_ =	sdelay $0x1  }
0x8a: {  	s1 =	srdreg.scid  }
0x8b: {  	s0 =	sand.u32 $0x1, s1  }
0x8c: {  	s17 =	sshll.u32 s0, $0xA;
	s2 =	sadd.s32 s3, s2  }
0x8d: {  	s2 =	sadd.s32 s2, s17  }
0x8e: {  	[smem:$0x3FC4] =	sst s2  }
0x8f: {  	_ = 	snop  }
0x90: {  	s2 =	sld [smem:$0x3FD0];
	(tm) =	ssettm $0x1  }
0x91: {  	s18 =	sld [smem:$0x3FFB];
	_ =	sdelay $0x3  }
0x92: {  	_ =	strace s18  }
0x93: {  	s3 =	sld [smem:$0x3FFC];
	_ =	sdelay $0x3  }
0x94: {  	_ =	strace s3  }
0x95: {  	s3 =	sld [smem:$0x3FFD];
	_ =	sdelay $0x3  }
0x96: {  	_ =	strace s3  }
0x97: {  	_ =	strace $0x8FFFFFFF  }
0x98: {  	s19 =	sld [smem:$0x3FDB];
	_ =	sdelay $0x1  }
0x99: {  	s4 =	simm.s32 $_scs_section_size  }
0x9a: {  	s5 =	simm.s32 $_size__tile_overlayer_lowered;
	s6 =	simm.s32 $_tile_overlayer_lowered  }
0x9b: {  	s22 =	simm.s32 $0x1BFF;
	s21 =	sshll.u32 s6, $0x1;
	s3 =	sadd.s32 s4, s19  }
0x9c: {  	s7 =	simm.s32 $0x0;
	s20 =	sshll.u32 s5, $0x1;
	s5 =	sadd.s32 s21, s3  }
0x9d: {  	[timem:s7], [sflag:s22] =	dma.local [hbm:s5], s20  }
0x9e: {  	_ =	swait.ge [sflag:s22], s20  }
0x9f: {  	s4 =	ssub.s32 $0x0, s20;
	[sflag:s22] =	ssyncset.done $0x0  }
0xa0: {  	[sflag:s22] =	ssyncadd.s32 s4;
	_ =	sdelay $0x1  }
0xa1: {  	s23 =	simm.s32 $0x1B8B  }
0xa2: {  	_ =	swait.ge [sflag:s23], $0x1  }
0xa3: {  	[sflag:s23] =	ssyncset.done $0x0  }
0xa4: {  	s25 =	simm.s32 $0x1B8E;
	s24 =	sld [smem:$0x3FFE];
	[sflag:s23] =	ssyncadd.s32 $0xFFFFFFFF  }
0xa5: {  	s26 =	simm.s32 $execute0_lowered;
	[smem:$0x3FD2] =	sst s25  }
0xa6: {  	s5 =	sshll.u32 s26, $0x1;
	_ =	strace $0x80000049;
	[dreg:$0x1] =	wrdreg $0xFFFFFFFF  }
0xa7: {  	s28 =	simm.s32 $_size_execute0_lowered;
	s3 =	sadd.s32 s3, s5;
	[dreg:$0x0] =	wrdreg $0x0  }
0xa8: {  	s5 =	sshll.u32 s28, $0x1;
	[dreg:$0x2] =	wrdreg s3  }
0xa9: {  	[dreg:$0x3] =	wrdreg s5  }
0xaa: {  	[dreg:$0x4] =	wrdreg $0xC0  }
0xab: {  	_ =	task [dreg:s7], $0x5FFFF  }
0xac: {  	[dreg:$0x1] =	wrdreg $0xFFFFFFFF  }
0xad: {  	[dreg:$0x0] =	wrdreg $0x60  }
0xae: {  	[dreg:$0x2] =	wrdreg s24  }
0xaf: {  	[dreg:$0x3] =	wrdreg s2  }
0xb0: {  	[dreg:$0x4] =	wrdreg $0x12F000  }
0xb1: {  	[dreg:$0x5] =	wrdreg $0x9  }
0xb2: {  	_ =	task.clear_ibuf [dreg:s7], $0x6FFFF;
	_ =	strace $0x90000049  }
0xb3: {  	s29 =	simm.s32 $0x9;
	_ =	strace $0x8000004B  }
0xb4: {  	_ =	swait.ge [sflag:s29], $0x1  }
0xb5: {  	[sflag:s29] =	ssyncadd.s32 $0xFFFFFFFF  }
0xb6: {  	_ =	strace $0x9000004B  }
0xb7: {  	_ =	sfence  }
0xb8: {  	s30 =	sld [smem:$0x0];
	_ =	sdelay $0x2  }
0xb9: {  	s31 =	sshll.u32 s1, $0xD;
	s1 =	sshrl.u32 s1, $0x2  }
0xba: {  	s3 =	sand.u32 $0x4000, s31;
	s1 =	sadd.s32 s1, s30  }
0xbb: {  	s0 =	sor.u32 s3, s0;
	s1 =	sshll.u32 s1, $0x11  }
0xbc: {  	s0 =	sor.u32 s1, s0  }
0xbd: {  	s0 =	sadd.s32 $0x8F2B, s0  }
0xbe: {  	[sflag:s0] =	ssyncadd.remote.s32 $0x1  }
0xbf: {  	_ =	sfence.sel $0xFFFF  }
0xc0: {  	[dreg:$0x0] =	wrdreg $0xFFFFFFFF;
	(pc) =	sbr.abs _section_cstart, $3  }
0xc1: {  	[dreg:$0x1] =	wrdreg $0xFFFFFFFF  }
0xc2: {  	_ =	task.clear_ibuf [dreg:s7], $0x2FFFF;
	_ =	strace $0x9FFFFFFF  }
0xc3: {  	(tm) =	ssettm $0x7FFFFFFF  }
tec
execute0_lowered:
.L_overlay_start_1:
0x0: {  	(tag) =	ssettag $0x1  }
0x1: {  	s0 =	rddreg [dreg:$0x0]  }
0x2: {  	s1 =	srdreg.scid;
	s6 =	rddreg [dreg:$0x1]  }
0x3: {  	s11 =	stileid.u32;
	s2 =	rddreg [dreg:$0x2];
	s3 =	simm.s32 $0x0  }
0x4: {  	s16 =	simm.s32 $0x2780;
	s17 =	simm.s32 $0x10F00;
	s18 =	simm.s32 $0x4  }
0x5: {  	s19 =	simm.s32 $0x7;
	s28 =	simm.s32 $0xAF00;
	s29 =	simm.s32 $0x1  }
0x6: {  	s30 =	simm.s32 $0x2;
	s31 =	simm.s32 $0x3;
	s7 =	smul.u32 $0xA000, s11  }
0x7: {  	s1 =	sand.u32 $0x1, s1;
	[smem:$0x7FF] =	sst s3;
	s10 =	smul.u32 $0x28000, s11  }
0x8: {  	s22 =	sshll.u32 s11, $0x4;
	s4 =	smul.u32 $0xA0000, s1;
	s5 =	sshll.u32 s1, $0x4  }
0x9: {  	_ =	strace $0x8000004A;
	s1 =	ssub.s32 $0x2, s1;
	s8 =	sor.u32 s11, s5  }
0xa: {  	s21 =	sshrl.u32 s1, $0x1;
	s24 =	sshrl.u32 s10, $0x2;
	s26 =	sadd.s32 s7, s2  }
0xb: {  	s4 =	sadd.s32 s7, s4;
	s9 =	smul.u32 $0x2700, s8;
	s1 =	ssub.s32 s1, s21  }
0xc: {  	p0 =	sgt.u32 s8, $0x3;
	s21 =	simm.s32 $0x4F00;
	s7 =	simm.s32 $0x0  }
0xd: {  	s20 =	sshrl.u32 s4, $0x3;
	s4 =	sadd.s32 $0x2200, s0;
	s1 =	smax.u32 s1, $0x1  }
0xe: {  	s0 =	sadd.s32 s20, s0;
	s9 =	sshrl.u32 s9, $0x3;
	[dreg:$0x8] =	wrdreg s1  }
0xf: {  	s20 =	simm.s32 $0x80;
	s1 =	simm.s32 $0xCF00;
	s5 =	sadd.s32 s6, s9  }
0x10: {  	s6 =	sadd.s32 s22, s6;
	s9 =	sadd.s32 s24, s2;
	s0 =	sadd.s32 $0x15C00, s0  }
0x11: {  	s22 =	simm.s32 $0x6F00;
	s24 =	simm.s32 $0x8F00;
	s23 =	sadd.s32 $0x9C40, s5  }
0x12: {  	s25 =	sadd.s32 $0x9C00, s6;
	s6 =	sadd.s32 $0x13840, s6;
	[dreg:$0x7] =	wrdreg s0  }
0x13: {  	s12 =	sadd.s32 $0x2000, s9;
	s13 =	sadd.s32 $0x4000, s9;
	[dreg:$0x4] =	wrdreg s23  }
0x14: {  	s14 =	sadd.s32 $0x6000, s9;
	s15 =	sadd.s32 $0x8000, s9;
	[dreg:$0x5] =	wrdreg s25  }
0x15: {  	s0 =	simm.s32 $0x6;
	[dreg:$0x6] =	wrdreg s6;
	s25 =	sshrl.u32 s26, $0x3  }
0x16: {  	v0 =	vimm.f32 $0.0e+00;
	s26 =	simm.s32 $0xEF00;
	s23 =	simm.s32 $0x5;
	s6 =	simm.s32 $0x8  }
.LBB2_1:
0x17: {  	[tilespmem:s3], [sflag:$0x7] =	stream.linear.gather [hbm4b:s5+s3], $0x2700, $0x38;
	[tilespmem:$0x1CF00] =	vst v63  }
0x18: {  	s8 =	rddreg [dreg:$0x4]  }
0x19: {  	[tilespmem:s16], [sflag:$0x7] =	stream.linear.gather [hbm4b:s8+s3], $0x2700, $0x38;
	[tilespmem:$0x1CF00] =	vst v63  }
0x1a: {  	s10 =	simm.s32 @!p0 $0x2700;
	s11 =	rddreg [dreg:$0x5];
	s8 =	simm.s32 @!p0 $0x0  }
0x1b: {  	[tilespmem:s10], [sflag:$0x7] =	stream.linear.gather @!p0 [hbm4b:s11+s8], $0x80, $0x38;
	[tilespmem:$0x1CF00] =	vst v63  }
0x1c: {  	s10 =	simm.s32 @!p0 $0x4E80;
	s11 =	rddreg [dreg:$0x6]  }
0x1d: {  	[tilespmem:s10], [sflag:$0x7] =	stream.linear.gather @!p0 [hbm4b:s11+s8], $0x80, $0x38;
	[tilespmem:$0x1CF00] =	vst v63  }
0x1e: {  	s11 =	sand.u32 $0x7F00, s3  }
0x1f: {  	s16 =	sand.u32 $0x30, s3;
	s11 =	sshrl.u32 s11, $0x2  }
0x20: {  	s8 =	simm.s32 $0x40;
	s10 =	simm.s32 $0x0;
	s16 =	sor.u32 s16, s11  }
.LBB2_2:
0x21: {  	p1 =	sne.s32 s8, $0x7FC0  }
0x22: {  	[tilespmem:s16+$0x10F00] =	vst v0;
	s10 =	sadd.s32 $0x10, s10;
	s16 =	smov.u32 s8;
	s8 =	sadd.s32 $0x40, s8  }
.Ltmp0:
0x23: {  	(pc) =	sbr.rel @p1 .LBB2_2-.Ltmp0, $4  }
0x24: {  	_ = 	snop  }
0x25: {  	s16 =	sand.u32 $0x7F00, s16  }
0x26: {  	s11 =	sand.u32 $0x30, s10;
	s16 =	sshrl.u32 s16, $0x2  }
0x27: {  	s16 =	sor.u32 s11, s16  }
0x28: {  	[tilespmem:s16+$0x10F00] =	vst v0  }
0x29: {  	[spmem:s9] =	stream.linear.scatter [tilespmem:s17], [sflag:$0x4], $0x2000, $0x38;
	[tilespmem:$0x1CF00] =	vst v63  }
0x2a: {  	_ = 	snop  }
0x2b: {  	[spmem:s12] =	stream.linear.scatter [tilespmem:s17], [sflag:$0x4], $0x2000, $0x38;
	[tilespmem:$0x1CF00] =	vst v63  }
0x2c: {  	_ = 	snop  }
0x2d: {  	[spmem:s13] =	stream.linear.scatter [tilespmem:s17], [sflag:$0x4], $0x2000, $0x38;
	[tilespmem:$0x1CF00] =	vst v63  }
0x2e: {  	_ = 	snop  }
0x2f: {  	[spmem:s14] =	stream.linear.scatter [tilespmem:s17], [sflag:$0x4], $0x2000, $0x38;
	[tilespmem:$0x1CF00] =	vst v63  }
0x30: {  	_ = 	snop  }
0x31: {  	[spmem:s15] =	stream.linear.scatter [tilespmem:s17], [sflag:$0x4], $0x2000, $0x38;
	[tilespmem:$0x1CF00] =	vst v63  }
0x32: {  	_ =	swait.ge [sflag:s18], $0x2000  }
0x33: {  	[sflag:s18] =	ssyncset.done $0x0  }
0x34: {  	[sflag:s18] =	ssyncadd.s32 $0xFFFFE000  }
0x35: {  	_ =	swait.ge [sflag:s18], $0x2000  }
0x36: {  	[sflag:s18] =	ssyncset.done $0x0  }
0x37: {  	[sflag:s18] =	ssyncadd.s32 $0xFFFFE000  }
0x38: {  	_ =	swait.ge [sflag:s18], $0x2000  }
0x39: {  	[sflag:s18] =	ssyncset.done $0x0  }
0x3a: {  	[sflag:s18] =	ssyncadd.s32 $0xFFFFE000  }
0x3b: {  	_ =	swait.ge [sflag:s18], $0x2000  }
0x3c: {  	[sflag:s18] =	ssyncset.done $0x0  }
0x3d: {  	[sflag:s18] =	ssyncadd.s32 $0xFFFFE000  }
0x3e: {  	_ =	swait.ge [sflag:s18], $0x2000  }
0x3f: {  	[sflag:s18] =	ssyncset.done $0x0  }
0x40: {  	[sflag:s18] =	ssyncadd.s32 $0xFFFFE000  }
0x41: {  	[bflag:$0x0] =	sbarrier.arrive $0xFFFF  }
0x42: {  	_ =	swait.ge [sflag:s19], $0x2700  }
0x43: {  	[sflag:s19] =	ssyncset.done $0x0  }
0x44: {  	[sflag:s19] =	ssyncadd.s32 $0xFFFFD900  }
0x45: {  	_ =	swait.ge [sflag:s19], $0x2700  }
0x46: {  	[sflag:s19] =	ssyncset.done $0x0  }
0x47: {  	s8 =	simm.s32 @!p0 $0x7;
	[sflag:s19] =	ssyncadd.s32 $0xFFFFD900  }
0x48: {  	_ =	swait.ge @!p0 [sflag:s8], $0x80  }
0x49: {  	[sflag:s8] =	ssyncset.done @!p0 $0x0  }
0x4a: {  	[sflag:s8] =	ssyncadd.s32 @!p0 $0xFFFFFF80  }
0x4b: {  	_ =	swait.ge @!p0 [sflag:s8], $0x80  }
0x4c: {  	[sflag:s8] =	ssyncset.done @!p0 $0x0  }
0x4d: {  	s10 =	simm.s32 $0x0;
	[sflag:s8] =	ssyncadd.s32 @!p0 $0xFFFFFF80  }
0x4e: {  	[tilespmem:s21], [sflag:$0x1] =	stream.indirect.gather [hbm4b:s4+s20], $0x40, s10, s20, $0xb8;
	[tilespmem:$0x1CF00] =	vst v63  }
0x4f: {  	_ = 	snop  }
0x50: {  	[tilespmem:s22], [sflag:$0x1] =	stream.indirect.gather [hbm4b:s4+s20], $0x40, s20, s20, $0xb8;
	[tilespmem:$0x1CF00] =	vst v63  }
0x51: {  	s11 =	simm.s32 $0x100  }
0x52: {  	[tilespmem:s24], [sflag:$0x2] =	stream.indirect.gather [hbm4b:s4+s20], $0x40, s11, s20, $0xb8;
	[tilespmem:$0x1CF00] =	vst v63  }
0x53: {  	s16 =	simm.s32 $0x180  }
0x54: {  	[tilespmem:s28], [sflag:$0x2] =	stream.indirect.gather [hbm4b:s4+s20], $0x40, s16, s20, $0xb8;
	[tilespmem:$0x1CF00] =	vst v63  }
0x55: {  	_ =	swait.ge [sflag:s29], $0x2000  }
0x56: {  	[sflag:s29] =	ssyncset.done $0x0  }
0x57: {  	[sflag:s29] =	ssyncadd.s32 $0xFFFFE000  }
0x58: {  	_ =	swait.ge [sflag:s29], $0x2000  }
0x59: {  	[sflag:s29] =	ssyncset.done $0x0  }
0x5a: {  	s16 =	simm.s32 $0x2780;
	[sflag:s29] =	ssyncadd.s32 $0xFFFFE000  }
0x5b: {  	[spmem:s2] =	stream.indirect.scatter.add.f32 [tilespmem:s21], [sflag:$0x4], $0x40, s16, s20, $0xb8;
	[tilespmem:$0x1CF00] =	vst v63  }
0x5c: {  	s10 =	simm.s32 $0x2800  }
0x5d: {  	[spmem:s2] =	stream.indirect.scatter.add.f32 [tilespmem:s22], [sflag:$0x4], $0x40, s10, s20, $0xb8;
	[tilespmem:$0x1CF00] =	vst v63  }
0x5e: {  	s11 =	simm.s32 $0x200  }
0x5f: {  	[tilespmem:s1], [sflag:$0x3] =	stream.indirect.gather [hbm4b:s4+s20], $0x40, s11, s20, $0xb8;
	[tilespmem:$0x1CF00] =	vst v63  }
0x60: {  	s10 =	simm.s32 $0x280  }
0x61: {  	[tilespmem:s26], [sflag:$0x3] =	stream.indirect.gather [hbm4b:s4+s20], $0x40, s10, s20, $0xb8;
	[tilespmem:$0x1CF00] =	vst v63  }
0x62: {  	_ =	swait.ge [sflag:s30], $0x2000  }
0x63: {  	[sflag:s30] =	ssyncset.done $0x0  }
0x64: {  	[sflag:s30] =	ssyncadd.s32 $0xFFFFE000  }
0x65: {  	_ =	swait.ge [sflag:s30], $0x2000  }
0x66: {  	[sflag:s30] =	ssyncset.done $0x0  }
0x67: {  	s11 =	simm.s32 $0x2880;
	[sflag:s30] =	ssyncadd.s32 $0xFFFFE000  }
0x68: {  	[spmem:s2] =	stream.indirect.scatter.add.f32 [tilespmem:s24], [sflag:$0x5], $0x40, s11, s20, $0xb8;
	[tilespmem:$0x1CF00] =	vst v63  }
0x69: {  	s10 =	simm.s32 $0x2900  }
0x6a: {  	[spmem:s2] =	stream.indirect.scatter.add.f32 [tilespmem:s28], [sflag:$0x5], $0x40, s10, s20, $0xb8;
	[tilespmem:$0x1CF00] =	vst v63  }
0x6b: {  	_ =	swait.ge [sflag:s18], $0x2000  }
0x6c: {  	[sflag:s18] =	ssyncset.done $0x0  }
0x6d: {  	[sflag:s18] =	ssyncadd.s32 $0xFFFFE000  }
0x6e: {  	_ =	swait.ge [sflag:s18], $0x2000  }
0x6f: {  	[sflag:s18] =	ssyncset.done $0x0  }
0x70: {  	s11 =	simm.s32 $0x300;
	[sflag:s18] =	ssyncadd.s32 $0xFFFFE000  }
0x71: {  	[tilespmem:s21], [sflag:$0x1] =	stream.indirect.gather [hbm4b:s4+s20], $0x40, s11, s20, $0xb8;
	[tilespmem:$0x1CF00] =	vst v63  }
0x72: {  	s10 =	simm.s32 $0x380  }
0x73: {  	[tilespmem:s22], [sflag:$0x1] =	stream.indirect.gather [hbm4b:s4+s20], $0x40, s10, s20, $0xb8;
	[tilespmem:$0x1CF00] =	vst v63  }
0x74: {  	_ =	swait.ge [sflag:s31], $0x2000  }
0x75: {  	[sflag:s31] =	ssyncset.done $0x0  }
0x76: {  	[sflag:s31] =	ssyncadd.s32 $0xFFFFE000  }
0x77: {  	_ =	swait.ge [sflag:s31], $0x2000  }
0x78: {  	[sflag:s31] =	ssyncset.done $0x0  }
0x79: {  	s11 =	simm.s32 $0x2980;
	[sflag:s31] =	ssyncadd.s32 $0xFFFFE000  }
0x7a: {  	[spmem:s2] =	stream.indirect.scatter.add.f32 [tilespmem:s1], [sflag:$0x6], $0x40, s11, s20, $0xb8;
	[tilespmem:$0x1CF00] =	vst v63  }
0x7b: {  	s10 =	simm.s32 $0x2A00  }
0x7c: {  	[spmem:s2] =	stream.indirect.scatter.add.f32 [tilespmem:s26], [sflag:$0x6], $0x40, s10, s20, $0xb8;
	[tilespmem:$0x1CF00] =	vst v63  }
0x7d: {  	_ =	swait.ge [sflag:s23], $0x2000  }
0x7e: {  	[sflag:s23] =	ssyncset.done $0x0  }
0x7f: {  	[sflag:s23] =	ssyncadd.s32 $0xFFFFE000  }
0x80: {  	_ =	swait.ge [sflag:s23], $0x2000  }
0x81: {  	[sflag:s23] =	ssyncset.done $0x0  }
0x82: {  	s11 =	simm.s32 $0x400;
	[sflag:s23] =	ssyncadd.s32 $0xFFFFE000  }
0x83: {  	[tilespmem:s24], [sflag:$0x2] =	stream.indirect.gather [hbm4b:s4+s20], $0x40, s11, s20, $0xb8;
	[tilespmem:$0x1CF00] =	vst v63  }
0x84: {  	s10 =	simm.s32 $0x480  }
0x85: {  	[tilespmem:s28], [sflag:$0x2] =	stream.indirect.gather [hbm4b:s4+s20], $0x40, s10, s20, $0xb8;
	[tilespmem:$0x1CF00] =	vst v63  }
0x86: {  	_ =	swait.ge [sflag:s29], $0x2000  }
0x87: {  	[sflag:s29] =	ssyncset.done $0x0  }
0x88: {  	[sflag:s29] =	ssyncadd.s32 $0xFFFFE000  }
0x89: {  	_ =	swait.ge [sflag:s29], $0x2000  }
0x8a: {  	[sflag:s29] =	ssyncset.done $0x0  }
0x8b: {  	s11 =	simm.s32 $0x2A80;
	[sflag:s29] =	ssyncadd.s32 $0xFFFFE000  }
0x8c: {  	[spmem:s2] =	stream.indirect.scatter.add.f32 [tilespmem:s21], [sflag:$0x4], $0x40, s11, s20, $0xb8;
	[tilespmem:$0x1CF00] =	vst v63  }
0x8d: {  	s10 =	simm.s32 $0x2B00  }
0x8e: {  	[spmem:s2] =	stream.indirect.scatter.add.f32 [tilespmem:s22], [sflag:$0x4], $0x40, s10, s20, $0xb8;
	[tilespmem:$0x1CF00] =	vst v63  }
0x8f: {  	_ =	swait.ge [sflag:s0], $0x2000  }
0x90: {  	[sflag:s0] =	ssyncset.done $0x0  }
0x91: {  	[sflag:s0] =	ssyncadd.s32 $0xFFFFE000  }
0x92: {  	_ =	swait.ge [sflag:s0], $0x2000  }
0x93: {  	[sflag:s0] =	ssyncset.done $0x0  }
0x94: {  	s11 =	simm.s32 $0x500;
	[sflag:s0] =	ssyncadd.s32 $0xFFFFE000  }
0x95: {  	[tilespmem:s1], [sflag:$0x3] =	stream.indirect.gather [hbm4b:s4+s20], $0x40, s11, s20, $0xb8;
	[tilespmem:$0x1CF00] =	vst v63  }
0x96: {  	s10 =	simm.s32 $0x580  }
0x97: {  	[tilespmem:s26], [sflag:$0x3] =	stream.indirect.gather [hbm4b:s4+s20], $0x40, s10, s20, $0xb8;
	[tilespmem:$0x1CF00] =	vst v63  }
0x98: {  	_ =	swait.ge [sflag:s30], $0x2000  }
0x99: {  	[sflag:s30] =	ssyncset.done $0x0  }
0x9a: {  	[sflag:s30] =	ssyncadd.s32 $0xFFFFE000  }
0x9b: {  	_ =	swait.ge [sflag:s30], $0x2000  }
0x9c: {  	[sflag:s30] =	ssyncset.done $0x0  }
0x9d: {  	s11 =	simm.s32 $0x2B80;
	[sflag:s30] =	ssyncadd.s32 $0xFFFFE000  }
0x9e: {  	[spmem:s2] =	stream.indirect.scatter.add.f32 [tilespmem:s24], [sflag:$0x5], $0x40, s11, s20, $0xb8;
	[tilespmem:$0x1CF00] =	vst v63  }
0x9f: {  	s10 =	simm.s32 $0x2C00  }
0xa0: {  	[spmem:s2] =	stream.indirect.scatter.add.f32 [tilespmem:s28], [sflag:$0x5], $0x40, s10, s20, $0xb8;
	[tilespmem:$0x1CF00] =	vst v63  }
0xa1: {  	_ =	swait.ge [sflag:s18], $0x2000  }
0xa2: {  	[sflag:s18] =	ssyncset.done $0x0  }
0xa3: {  	[sflag:s18] =	ssyncadd.s32 $0xFFFFE000  }
0xa4: {  	_ =	swait.ge [sflag:s18], $0x2000  }
0xa5: {  	[sflag:s18] =	ssyncset.done $0x0  }
0xa6: {  	s11 =	simm.s32 $0x600;
	[sflag:s18] =	ssyncadd.s32 $0xFFFFE000  }
0xa7: {  	[tilespmem:s21], [sflag:$0x1] =	stream.indirect.gather [hbm4b:s4+s20], $0x40, s11, s20, $0xb8;
	[tilespmem:$0x1CF00] =	vst v63  }
0xa8: {  	s10 =	simm.s32 $0x680  }
0xa9: {  	[tilespmem:s22], [sflag:$0x1] =	stream.indirect.gather [hbm4b:s4+s20], $0x40, s10, s20, $0xb8;
	[tilespmem:$0x1CF00] =	vst v63  }
0xaa: {  	_ =	swait.ge [sflag:s31], $0x2000  }
0xab: {  	[sflag:s31] =	ssyncset.done $0x0  }
0xac: {  	[sflag:s31] =	ssyncadd.s32 $0xFFFFE000  }
0xad: {  	_ =	swait.ge [sflag:s31], $0x2000  }
0xae: {  	[sflag:s31] =	ssyncset.done $0x0  }
0xaf: {  	s11 =	simm.s32 $0x2C80;
	[sflag:s31] =	ssyncadd.s32 $0xFFFFE000  }
0xb0: {  	[spmem:s2] =	stream.indirect.scatter.add.f32 [tilespmem:s1], [sflag:$0x6], $0x40, s11, s20, $0xb8;
	[tilespmem:$0x1CF00] =	vst v63  }
0xb1: {  	s10 =	simm.s32 $0x2D00  }
0xb2: {  	[spmem:s2] =	stream.indirect.scatter.add.f32 [tilespmem:s26], [sflag:$0x6], $0x40, s10, s20, $0xb8;
	[tilespmem:$0x1CF00] =	vst v63  }
0xb3: {  	_ =	swait.ge [sflag:s23], $0x2000  }
0xb4: {  	[sflag:s23] =	ssyncset.done $0x0  }
0xb5: {  	[sflag:s23] =	ssyncadd.s32 $0xFFFFE000  }
0xb6: {  	_ =	swait.ge [sflag:s23], $0x2000  }
0xb7: {  	s8 =	simm.s32 $0xC00;
	[sflag:s23] =	ssyncset.done $0x0  }
0xb8: {  	s11 =	simm.s32 $0x700;
	s10 =	simm.s32 $0x780;
	[sflag:s23] =	ssyncadd.s32 $0xFFFFE000  }
0xb9: {  	[tilespmem:s24], [sflag:$0x2] =	stream.indirect.gather [hbm4b:s4+s20], $0x40, s11, s20, $0xb8;
	[tilespmem:$0x1CF00] =	vst v63  }
.LBB2_4:
0xba: {  	[tilespmem:s28], [sflag:$0x2] =	stream.indirect.gather [hbm4b:s4+s20], $0x40, s10, s20, $0xb8;
	[tilespmem:$0x1CF00] =	vst v63  }
0xbb: {  	s10 =	smov.u32 s8  }
0xbc: {  	p1 =	sne.s32 s8, $0x7800;
	s8 =	sadd.s32 $0xC00, s8;
	_ =	swait.ge [sflag:s29], $0x2000  }
0xbd: {  	[sflag:s29] =	ssyncset.done $0x0  }
0xbe: {  	[sflag:s29] =	ssyncadd.s32 $0xFFFFE000  }
0xbf: {  	_ =	swait.ge [sflag:s29], $0x2000  }
0xc0: {  	s10 =	sshra.s32 s10, $0x2;
	[sflag:s29] =	ssyncset.done $0x0  }
0xc1: {  	s11 =	sadd.s32 $0x2A80, s10;
	[sflag:s29] =	ssyncadd.s32 $0xFFFFE000  }
0xc2: {  	[spmem:s2] =	stream.indirect.scatter.add.f32 [tilespmem:s21], [sflag:$0x4], $0x40, s11, s20, $0xb8;
	[tilespmem:$0x1CF00] =	vst v63  }
0xc3: {  	s11 =	sadd.s32 $0x2B00, s10  }
0xc4: {  	[spmem:s2] =	stream.indirect.scatter.add.f32 [tilespmem:s22], [sflag:$0x4], $0x40, s11, s20, $0xb8;
	[tilespmem:$0x1CF00] =	vst v63  }
0xc5: {  	_ =	swait.ge [sflag:s0], $0x2000  }
0xc6: {  	[sflag:s0] =	ssyncset.done $0x0  }
0xc7: {  	[sflag:s0] =	ssyncadd.s32 $0xFFFFE000  }
0xc8: {  	_ =	swait.ge [sflag:s0], $0x2000  }
0xc9: {  	[sflag:s0] =	ssyncset.done $0x0  }
0xca: {  	s11 =	sadd.s32 $0x500, s10;
	[sflag:s0] =	ssyncadd.s32 $0xFFFFE000  }
0xcb: {  	[tilespmem:s1], [sflag:$0x3] =	stream.indirect.gather [hbm4b:s4+s20], $0x40, s11, s20, $0xb8;
	[tilespmem:$0x1CF00] =	vst v63  }
0xcc: {  	s11 =	sadd.s32 $0x580, s10  }
0xcd: {  	[tilespmem:s26], [sflag:$0x3] =	stream.indirect.gather [hbm4b:s4+s20], $0x40, s11, s20, $0xb8;
	[tilespmem:$0x1CF00] =	vst v63  }
0xce: {  	_ =	swait.ge [sflag:s30], $0x2000  }
0xcf: {  	[sflag:s30] =	ssyncset.done $0x0  }
0xd0: {  	[sflag:s30] =	ssyncadd.s32 $0xFFFFE000  }
0xd1: {  	_ =	swait.ge [sflag:s30], $0x2000  }
0xd2: {  	[sflag:s30] =	ssyncset.done $0x0  }
0xd3: {  	s11 =	sadd.s32 $0x2B80, s10;
	[sflag:s30] =	ssyncadd.s32 $0xFFFFE000  }
0xd4: {  	[spmem:s2] =	stream.indirect.scatter.add.f32 [tilespmem:s24], [sflag:$0x5], $0x40, s11, s20, $0xb8;
	[tilespmem:$0x1CF00] =	vst v63  }
0xd5: {  	s11 =	sadd.s32 $0x2C00, s10  }
0xd6: {  	[spmem:s2] =	stream.indirect.scatter.add.f32 [tilespmem:s28], [sflag:$0x5], $0x40, s11, s20, $0xb8;
	[tilespmem:$0x1CF00] =	vst v63  }
0xd7: {  	_ =	swait.ge [sflag:s18], $0x2000  }
0xd8: {  	[sflag:s18] =	ssyncset.done $0x0  }
0xd9: {  	[sflag:s18] =	ssyncadd.s32 $0xFFFFE000  }
0xda: {  	_ =	swait.ge [sflag:s18], $0x2000  }
0xdb: {  	[sflag:s18] =	ssyncset.done $0x0  }
0xdc: {  	s11 =	sadd.s32 $0x600, s10;
	[sflag:s18] =	ssyncadd.s32 $0xFFFFE000  }
0xdd: {  	[tilespmem:s21], [sflag:$0x1] =	stream.indirect.gather [hbm4b:s4+s20], $0x40, s11, s20, $0xb8;
	[tilespmem:$0x1CF00] =	vst v63  }
0xde: {  	s11 =	sadd.s32 $0x680, s10  }
0xdf: {  	[tilespmem:s22], [sflag:$0x1] =	stream.indirect.gather [hbm4b:s4+s20], $0x40, s11, s20, $0xb8;
	[tilespmem:$0x1CF00] =	vst v63  }
0xe0: {  	_ =	swait.ge [sflag:s31], $0x2000  }
0xe1: {  	[sflag:s31] =	ssyncset.done $0x0  }
0xe2: {  	[sflag:s31] =	ssyncadd.s32 $0xFFFFE000  }
0xe3: {  	_ =	swait.ge [sflag:s31], $0x2000  }
0xe4: {  	[sflag:s31] =	ssyncset.done $0x0  }
0xe5: {  	s11 =	sadd.s32 $0x2C80, s10;
	[sflag:s31] =	ssyncadd.s32 $0xFFFFE000  }
0xe6: {  	[spmem:s2] =	stream.indirect.scatter.add.f32 [tilespmem:s1], [sflag:$0x6], $0x40, s11, s20, $0xb8;
	[tilespmem:$0x1CF00] =	vst v63  }
0xe7: {  	s11 =	sadd.s32 $0x2D00, s10  }
0xe8: {  	[spmem:s2] =	stream.indirect.scatter.add.f32 [tilespmem:s26], [sflag:$0x6], $0x40, s11, s20, $0xb8;
	[tilespmem:$0x1CF00] =	vst v63  }
0xe9: {  	_ =	swait.ge [sflag:s23], $0x2000  }
0xea: {  	[sflag:s23] =	ssyncset.done $0x0  }
0xeb: {  	[sflag:s23] =	ssyncadd.s32 $0xFFFFE000  }
.Ltmp1:
0xec: {  	_ =	swait.ge [sflag:s23], $0x2000;
	(pc) =	sbr.rel @p1 .LBB2_4-.Ltmp1, $4  }
0xed: {  	[sflag:s23] =	ssyncset.done $0x0  }
0xee: {  	s11 =	sadd.s32 $0x700, s10;
	[sflag:s23] =	ssyncadd.s32 $0xFFFFE000  }
0xef: {  	[tilespmem:s24], [sflag:$0x2] =	stream.indirect.gather [hbm4b:s4+s20], $0x40, s11, s20, $0xb8;
	[tilespmem:$0x1CF00] =	vst v63  }
0xf0: {  	s10 =	sadd.s32 $0x780, s10  }
0xf1: {  	[tilespmem:s28], [sflag:$0x2] =	stream.indirect.gather [hbm4b:s4+s20], $0x40, s10, s20, $0xb8;
	[tilespmem:$0x1CF00] =	vst v63  }
0xf2: {  	_ =	swait.ge [sflag:s29], $0x2000  }
0xf3: {  	[sflag:s29] =	ssyncset.done $0x0  }
0xf4: {  	[sflag:s29] =	ssyncadd.s32 $0xFFFFE000  }
0xf5: {  	_ =	swait.ge [sflag:s29], $0x2000  }
0xf6: {  	[sflag:s29] =	ssyncset.done $0x0  }
0xf7: {  	s8 =	simm.s32 $0x4B80;
	[sflag:s29] =	ssyncadd.s32 $0xFFFFE000  }
0xf8: {  	[spmem:s2] =	stream.indirect.scatter.add.f32 [tilespmem:s21], [sflag:$0x4], $0x40, s8, s20, $0xb8;
	[tilespmem:$0x1CF00] =	vst v63  }
0xf9: {  	s11 =	simm.s32 $0x4C00  }
0xfa: {  	[spmem:s2] =	stream.indirect.scatter.add.f32 [tilespmem:s22], [sflag:$0x4], $0x40, s11, s20, $0xb8;
	[tilespmem:$0x1CF00] =	vst v63  }
0xfb: {  	_ =	swait.ge [sflag:s0], $0x2000  }
0xfc: {  	[sflag:s0] =	ssyncset.done $0x0  }
0xfd: {  	[sflag:s0] =	ssyncadd.s32 $0xFFFFE000  }
0xfe: {  	_ =	swait.ge [sflag:s0], $0x2000  }
0xff: {  	[sflag:s0] =	ssyncset.done $0x0  }
0x100: {  	s10 =	simm.s32 $0x2600;
	[sflag:s0] =	ssyncadd.s32 $0xFFFFE000  }
0x101: {  	[tilespmem:s1], [sflag:$0x3] =	stream.indirect.gather [hbm4b:s4+s20], $0x40, s10, s20, $0xb8;
	[tilespmem:$0x1CF00] =	vst v63  }
0x102: {  	s11 =	simm.s32 $0x2680  }
0x103: {  	[tilespmem:s26], [sflag:$0x3] =	stream.indirect.gather [hbm4b:s4+s20], $0x40, s11, s20, $0xb8;
	[tilespmem:$0x1CF00] =	vst v63  }
0x104: {  	_ =	swait.ge [sflag:s30], $0x2000  }
0x105: {  	[sflag:s30] =	ssyncset.done $0x0  }
0x106: {  	[sflag:s30] =	ssyncadd.s32 $0xFFFFE000  }
0x107: {  	_ =	swait.ge [sflag:s30], $0x2000  }
0x108: {  	[sflag:s30] =	ssyncset.done $0x0  }
0x109: {  	s10 =	simm.s32 $0x4C80;
	[sflag:s30] =	ssyncadd.s32 $0xFFFFE000  }
0x10a: {  	[spmem:s2] =	stream.indirect.scatter.add.f32 [tilespmem:s24], [sflag:$0x5], $0x40, s10, s20, $0xb8;
	[tilespmem:$0x1CF00] =	vst v63  }
0x10b: {  	s11 =	simm.s32 $0x4D00  }
0x10c: {  	[spmem:s2] =	stream.indirect.scatter.add.f32 [tilespmem:s28], [sflag:$0x5], $0x40, s11, s20, $0xb8;
	[tilespmem:$0x1CF00] =	vst v63  }
0x10d: {  	_ =	swait.ge [sflag:s18], $0x2000  }
0x10e: {  	[sflag:s18] =	ssyncset.done $0x0  }
0x10f: {  	[sflag:s18] =	ssyncadd.s32 $0xFFFFE000  }
0x110: {  	_ =	swait.ge [sflag:s18], $0x2000  }
0x111: {  	[sflag:s18] =	ssyncset.done $0x0  }
0x112: {  	[sflag:s18] =	ssyncadd.s32 $0xFFFFE000  }
0x113: {  	_ =	swait.ge [sflag:s31], $0x2000  }
0x114: {  	[sflag:s31] =	ssyncset.done $0x0  }
0x115: {  	[sflag:s31] =	ssyncadd.s32 $0xFFFFE000  }
0x116: {  	_ =	swait.ge [sflag:s31], $0x2000  }
0x117: {  	[sflag:s31] =	ssyncset.done $0x0  }
0x118: {  	s10 =	simm.s32 $0x4D80;
	[sflag:s31] =	ssyncadd.s32 $0xFFFFE000  }
0x119: {  	[spmem:s2] =	stream.indirect.scatter.add.f32 [tilespmem:s1], [sflag:$0x6], $0x40, s10, s20, $0xb8;
	[tilespmem:$0x1CF00] =	vst v63  }
0x11a: {  	s11 =	simm.s32 $0x4E00  }
0x11b: {  	[spmem:s2] =	stream.indirect.scatter.add.f32 [tilespmem:s26], [sflag:$0x6], $0x40, s11, s20, $0xb8;
	[tilespmem:$0x1CF00] =	vst v63  }
0x11c: {  	_ =	swait.ge [sflag:s23], $0x2000  }
0x11d: {  	[sflag:s23] =	ssyncset.done $0x0  }
0x11e: {  	[sflag:s23] =	ssyncadd.s32 $0xFFFFE000  }
0x11f: {  	_ =	swait.ge [sflag:s23], $0x2000  }
0x120: {  	[sflag:s23] =	ssyncset.done $0x0  }
0x121: {  	[sflag:s23] =	ssyncadd.s32 $0xFFFFE000  }
0x122: {  	_ =	swait.ge [sflag:s0], $0x2000  }
0x123: {  	[sflag:s0] =	ssyncset.done $0x0  }
0x124: {  	[sflag:s0] =	ssyncadd.s32 $0xFFFFE000  }
0x125: {  	_ =	swait.ge [sflag:s0], $0x2000  }
0x126: {  	s8 =	simm.s32 @!p0 $0x80;
	[sflag:s0] =	ssyncset.done $0x0  }
0x127: {  	s10 =	simm.s32 @!p0 $0x2700;
	s11 =	simm.s32 @!p0 $0x4F00;
	[sflag:s0] =	ssyncadd.s32 $0xFFFFE000  }
0x128: {  	[tilespmem:s11], [sflag:$0x1] =	stream.indirect.gather @!p0 [hbm4b:s4+s8], $0x40, s10, s8, $0xb8;
	[tilespmem:$0x1CF00] =	vst v63  }
0x129: {  	s10 =	simm.s32 @!p0 $0x1  }
0x12a: {  	_ =	swait.ge @!p0 [sflag:s10], $0x2000  }
0x12b: {  	[sflag:s10] =	ssyncset.done @!p0 $0x0  }
0x12c: {  	[sflag:s10] =	ssyncadd.s32 @!p0 $0xFFFFE000;
	s10 =	simm.s32 @!p0 $0x4E80  }
0x12d: {  	[spmem:s2] =	stream.indirect.scatter.add.f32 @!p0 [tilespmem:s11], [sflag:$0x8], $0x40, s10, s8, $0xb8;
	[tilespmem:$0x1CF00] =	vst v63  }
0x12e: {  	s8 =	simm.s32 @!p0 $0x8  }
0x12f: {  	_ =	swait.ge @!p0 [sflag:s8], $0x2000  }
0x130: {  	[sflag:s8] =	ssyncset.done @!p0 $0x0  }
0x131: {  	s10 =	stileid.u32;
	[sflag:s8] =	ssyncadd.s32 @!p0 $0xFFFFE000  }
0x132: {  	s8 =	sshll.u32 s10, $0x6;
	[bflag:$0x0] =	sbarrier.arrive $0xFFFF  }
0x133: {  	s8 =	sor.u32 $0x1C08, s8;
	s11 =	rddreg [dreg:$0x7]  }
0x134: {  	[hbm:s11], [sflag:s8] =	dma.local [spmem:s25], $0x1400  }
0x135: {  	_ =	swait.ge [sflag:s6], $0x1400  }
0x136: {  	s7 =	sadd.s32 $0x1, s7;
	s11 =	rddreg [dreg:$0x8]  }
0x137: {  	p1 =	sne.s32 s7, s11  }
.Ltmp2:
0x138: {  	_ = 	snop;
	(pc) =	sbr.rel @p1 .LBB2_1-.Ltmp2, $3  }
0x139: {  	_ =	sdelay $0x1  }
0x13a: {  	[sflag:s6] =	ssyncset.done $0x0  }
0x13b: {  	[sflag:s6] =	ssyncadd.s32 $0xFFFFEC00  }
0x13c: {  	_ =	sfence.sel $0x180000  }
0x13d: {  	[bflag:$0x0] =	sbarrier.arrive $0xFFFF  }
0x13e: {  	_ =	strace $0x9000004A  }
0x13f: {  	s0 =	stileid.u32;
	[bflag:$0x2] =	sbarrier.arrive $0xFFFF  }
0x140: {  	p0 =	sne.s32 s0, $0x0;
	s0 =	rddreg [dreg:$0x3]  }
0x141: {  	s0 =	sadd.s32 @!p0 $0x100000, s0  }
0x142: {  	[sflag:s0] =	ssyncadd.tile.s32 @!p0 $0x1;
	_ =	shalt  }
.Lfunc_end2:
_tile_overlayer_lowered:
.L_overlay_start_2:
0x143: {  	(tag) =	ssettag $0x2  }
0x144: {  	s0 =	rddreg [dreg:$0x0];
	s2 =	stileid.u32  }
0x145: {  	s1 =	rddreg [dreg:$0x1];
	p0 =	sne.s32 s2, $0x0  }
0x146: {  	s3 =	rddreg [dreg:$0x2];
	[bflag:$0x3] =	sbarrier.arrive $0xFFFF;
	s2 =	simm.s32 @!p0 $0x1C08  }
0x147: {  	[timem:s3], [sflag:s2] =	dma.local @!p0 [hbm:s0], s1  }
0x148: {  	s0 =	simm.s32 @!p0 $0x8  }
0x149: {  	_ =	swait.ge @!p0 [sflag:s0], s1  }
0x14a: {  	s1 =	ssub.s32 @!p0 $0x0, s1;
	[sflag:s0] =	ssyncset.done @!p0 $0x0  }
0x14b: {  	[sflag:s0] =	ssyncadd.s32 @!p0 s1  }
0x14c: {  	[bflag:$0x3] =	sbarrier.arrive $0xFFFF  }
0x14d: {  	_ =	shalt  }

// kernel: kernel.7.cloned.1.call-start
scs
__scs_entry_jumppad:
0x0: {  	(pc) =	sbr.rel $0x88, $3  }
0x1: {  	(tag) =	ssettag $0x0;
	lr =	simm.s32 $0x1  }
0x2: {  	[smem:$0x3F9D] =	sst lr;
	_ =	strace $0xD0000000  }
0x3: {  	_ = 	snop  }
0x4: {  	_ = 	snop  }
0x5: {  	_ = 	snop  }
0x6: {  	_ = 	snop  }
0x7: {  	_ = 	snop  }
__scs_overlays_trampoline_lowered:
0x8: {  	[smem:$0x3FAC] =	sst s0  }
0x9: {  	[smem:$0x3FAD] =	sst s1  }
0xa: {  	[smem:$0x3FAE] =	sst s2  }
0xb: {  	[smem:$0x3FAF] =	sst s3  }
0xc: {  	[smem:$0x3FB0] =	sst s4  }
0xd: {  	[smem:$0x3FB1] =	sst s5  }
0xe: {  	[smem:$0x3FB2] =	sst s6  }
0xf: {  	[smem:$0x3FB3] =	sst s7  }
0x10: {  	[smem:$0x3FB4] =	sst s8  }
0x11: {  	[smem:$0x3FB5] =	sst s9;
	s0 =	simm.s32 @!p0 $0x0  }
0x12: {  	s1 =	sld [smem:$0x3F9B];
	s0 =	simm.s32 @p0 $0x1  }
0x13: {  	[smem:$0x3FB6] =	sst s0;
	s0 =	simm.s32 @!p1 $0x0  }
0x14: {  	s2 =	sld [smem:$0x3F9A];
	s0 =	simm.s32 @p1 $0x1  }
0x15: {  	[smem:$0x3FB7] =	sst s0;
	s0 =	simm.s32 @!p2 $0x0  }
0x16: {  	s3 =	sld [smem:$0x3FDB];
	s0 =	simm.s32 @p2 $0x1  }
0x17: {  	s4 =	simm.s32 $0x1BF5;
	[smem:$0x3FB9] =	sst s0  }
0x18: {  	s0 =	sld [smem:$0x3F9C];
	_ =	swait.ge [sflag:s4], $0x0  }
0x19: {  	s7 =	sld [smem:$0x3F9D]  }
0x1a: {  	s8 =	sadd.s32 $0xFFFFE003, lr  }
0x1b: {  	s9 =	sadd.s32 $0xFFFFFEF7, lr;
	s5 =	simm.s32 $0xFFFFFFFF;
	p2 =	slt.u32 s8, $0xFFFFF086  }
0x1c: {  	p1 =	slt.u32 s9, $0xF7A;
	s5 =	simm.s32 @!p2 $0x0  }
0x1d: {  	s5 =	simm.s32 @p1 $0x1;
	p0 =	seq.s32 s7, s2  }
0x1e: {  	s7 =	smul.u32 @!p0 $0xF7A, s2;
	p2 =	seq.s32 @!p0 s5, $0x0  }
0x1f: {  	s9 =	smul.u32 $0xF7A, s1;
	s8 =	simm.s32 @!p0 $0x1BF5;
	p2 =	por !p2, p0  }
0x20: {  	[sflag:s8] =	ssyncset.s32 @!p0 $0xFFFFF086;
	s6 =	sadd.s32 @!p0 s3, s7;
	s7 =	simm.s32 @!p0 $0x108  }
0x21: {  	s3 =	sadd.s32 s3, s9;
	s6 =	sadd.s32 @!p0 $0x88, s6;
	s7 =	simm.s32 @p2 $0x1082  }
0x22: {  	[simem:s7], [sflag:s8] =	dma.local @!p0 [hbm:s6], $0xF7A  }
0x23: {  	s9 =	sor.u32 $0xD0000000, s2;
	s6 =	simm.s32 $0x108;
	_ =	swait.ge @!p0 [sflag:s8], $0x0  }
0x24: {  	s3 =	sadd.s32 $0x88, s3;
	s6 =	simm.s32 @!p1 $0x1082;
	[sflag:s4] =	ssyncset.s32 $0xFFFFF086  }
0x25: {  	[simem:s6], [sflag:s4] =	dma.local [hbm:s3], $0xF7A  }
0x26: {  	[smem:$0x3F9D] =	sst s1;
	(tag) =	ssettag s2;
	_ =	strace s9  }
0x27: {  	s1 =	sld [smem:$0x3FAD]  }
0x28: {  	s2 =	sld [smem:$0x3FAE]  }
0x29: {  	s4 =	sld [smem:$0x3FB0]  }
0x2a: {  	p0 =	seq.s32 s5, $0x0;
	s5 =	sld [smem:$0x3FB1]  }
0x2b: {  	s6 =	sld [smem:$0x3FB2]  }
0x2c: {  	s7 =	sld [smem:$0x3FB3]  }
0x2d: {  	s3 =	simm.s32 $0x108;
	s8 =	sld [smem:$0x3FB4]  }
0x2e: {  	s3 =	simm.s32 @!p0 $0x1082;
	s9 =	sld [smem:$0x3FB5]  }
0x2f: {  	lr =	sadd.s32 s0, s3;
	s0 =	sld [smem:$0x3FAC]  }
0x30: {  	s3 =	sld [smem:$0x3FAF]  }
0x31: {  	[smem:$0x3FB8] =	sst s10  }
0x32: {  	s10 =	sld [smem:$0x3FB6];
	_ =	sdelay $0x3  }
0x33: {  	p0 =	seq.s32 s10, $0x1;
	s10 =	sld [smem:$0x3FB8];
	_ =	sdelay $0x3  }
0x34: {  	[smem:$0x3FB8] =	sst s10  }
0x35: {  	s10 =	sld [smem:$0x3FB7];
	_ =	sdelay $0x3  }
0x36: {  	p1 =	seq.s32 s10, $0x1;
	s10 =	sld [smem:$0x3FB8];
	_ =	sdelay $0x3  }
0x37: {  	[smem:$0x3FB8] =	sst s10  }
0x38: {  	s10 =	sld [smem:$0x3FB9]  }
0x39: {  	_ = 	snop;
	(pc) =	sbr.ind lr, $3  }
0x3a: {  	_ = 	snop  }
0x3b: {  	_ = 	snop  }
0x3c: {  	p2 =	seq.s32 s10, $0x1;
	s10 =	sld [smem:$0x3FB8]  }
0x3d: {  	_ =	shalt  }
0x3e: {  	_ =	shalt  }
0x3f: {  	_ =	shalt  }
0x40: {  	_ =	shalt  }
0x41: {  	_ =	shalt  }
0x42: {  	_ =	shalt  }
0x43: {  	_ =	shalt  }
0x44: {  	_ =	shalt  }
0x45: {  	_ =	shalt  }
0x46: {  	_ =	shalt  }
0x47: {  	_ =	shalt  }
0x48: {  	_ =	shalt  }
0x49: {  	_ =	shalt  }
0x4a: {  	_ =	shalt  }
0x4b: {  	_ =	shalt  }
0x4c: {  	_ =	shalt  }
0x4d: {  	_ =	shalt  }
0x4e: {  	_ =	shalt  }
0x4f: {  	_ =	shalt  }
0x50: {  	_ =	shalt  }
0x51: {  	_ =	shalt  }
0x52: {  	_ =	shalt  }
0x53: {  	_ =	shalt  }
0x54: {  	_ =	shalt  }
0x55: {  	_ =	shalt  }
0x56: {  	_ =	shalt  }
0x57: {  	_ =	shalt  }
0x58: {  	_ =	shalt  }
0x59: {  	_ =	shalt  }
0x5a: {  	_ =	shalt  }
0x5b: {  	_ =	shalt  }
0x5c: {  	_ =	shalt  }
0x5d: {  	_ =	shalt  }
0x5e: {  	_ =	shalt  }
0x5f: {  	_ =	shalt  }
0x60: {  	_ =	shalt  }
0x61: {  	_ =	shalt  }
0x62: {  	_ =	shalt  }
0x63: {  	_ =	shalt  }
0x64: {  	_ =	shalt  }
0x65: {  	_ =	shalt  }
0x66: {  	_ =	shalt  }
0x67: {  	_ =	shalt  }
0x68: {  	_ =	shalt  }
0x69: {  	_ =	shalt  }
0x6a: {  	_ =	shalt  }
0x6b: {  	_ =	shalt  }
0x6c: {  	_ =	shalt  }
0x6d: {  	_ =	shalt  }
0x6e: {  	_ =	shalt  }
0x6f: {  	_ =	shalt  }
0x70: {  	_ =	shalt  }
0x71: {  	_ =	shalt  }
0x72: {  	_ =	shalt  }
0x73: {  	_ =	shalt  }
0x74: {  	_ =	shalt  }
0x75: {  	_ =	shalt  }
0x76: {  	_ =	shalt  }
0x77: {  	_ =	shalt  }
0x78: {  	_ =	shalt  }
0x79: {  	_ =	shalt  }
0x7a: {  	_ =	shalt  }
0x7b: {  	_ =	shalt  }
0x7c: {  	_ =	shalt  }
0x7d: {  	_ =	shalt  }
0x7e: {  	_ =	shalt  }
0x7f: {  	_ =	shalt  }
0x80: {  	_ =	shalt  }
0x81: {  	_ =	shalt  }
0x82: {  	_ =	shalt  }
0x83: {  	_ =	shalt  }
0x84: {  	_ =	shalt  }
0x85: {  	_ =	shalt  }
0x86: {  	_ =	shalt  }
0x87: {  	_ =	shalt  }
.Lfunc_end0:
.L_simem_size_0:
called_computation_lowered:
.L_overlay_start_0:
0x88: {  	s2 =	sld [smem:$0x3FD9]  }
0x89: {  	s3 =	sld [smem:$0x3FFE];
	_ =	sdelay $0x1  }
0x8a: {  	s1 =	srdreg.scid  }
0x8b: {  	s0 =	sand.u32 $0x1, s1  }
0x8c: {  	s17 =	sshll.u32 s0, $0xA;
	s2 =	sadd.s32 s3, s2  }
0x8d: {  	s2 =	sadd.s32 s2, s17  }
0x8e: {  	[smem:$0x3FC4] =	sst s2  }
0x8f: {  	_ = 	snop  }
0x90: {  	s2 =	sld [smem:$0x3FD0];
	(tm) =	ssettm $0x1  }
0x91: {  	s18 =	sld [smem:$0x3FFB];
	_ =	sdelay $0x3  }
0x92: {  	_ =	strace s18  }
0x93: {  	s3 =	sld [smem:$0x3FFC];
	_ =	sdelay $0x3  }
0x94: {  	_ =	strace s3  }
0x95: {  	s3 =	sld [smem:$0x3FFD];
	_ =	sdelay $0x3  }
0x96: {  	_ =	strace s3  }
0x97: {  	_ =	strace $0x8FFFFFFF  }
0x98: {  	s19 =	sld [smem:$0x3FDB];
	_ =	sdelay $0x1  }
0x99: {  	s4 =	simm.s32 $_scs_section_size  }
0x9a: {  	s5 =	simm.s32 $_size__tile_overlayer_lowered;
	s6 =	simm.s32 $_tile_overlayer_lowered  }
0x9b: {  	s22 =	simm.s32 $0x1BFF;
	s21 =	sshll.u32 s6, $0x1;
	s3 =	sadd.s32 s4, s19  }
0x9c: {  	s7 =	simm.s32 $0x0;
	s20 =	sshll.u32 s5, $0x1;
	s5 =	sadd.s32 s21, s3  }
0x9d: {  	[timem:s7], [sflag:s22] =	dma.local [hbm:s5], s20  }
0x9e: {  	_ =	swait.ge [sflag:s22], s20  }
0x9f: {  	s4 =	ssub.s32 $0x0, s20;
	[sflag:s22] =	ssyncset.done $0x0  }
0xa0: {  	[sflag:s22] =	ssyncadd.s32 s4;
	_ =	sdelay $0x1  }
0xa1: {  	s23 =	simm.s32 $0x1B8B  }
0xa2: {  	_ =	swait.ge [sflag:s23], $0x1  }
0xa3: {  	[sflag:s23] =	ssyncset.done $0x0  }
0xa4: {  	s25 =	simm.s32 $0x1B8E;
	s24 =	sld [smem:$0x3FFE];
	[sflag:s23] =	ssyncadd.s32 $0xFFFFFFFF  }
0xa5: {  	s26 =	simm.s32 $execute0_lowered;
	[smem:$0x3FD2] =	sst s25  }
0xa6: {  	s5 =	sshll.u32 s26, $0x1;
	_ =	strace $0x80000046;
	[dreg:$0x1] =	wrdreg $0xFFFFFFFF  }
0xa7: {  	s28 =	simm.s32 $_size_execute0_lowered;
	s3 =	sadd.s32 s3, s5;
	[dreg:$0x0] =	wrdreg $0x0  }
0xa8: {  	s5 =	sshll.u32 s28, $0x1;
	[dreg:$0x2] =	wrdreg s3  }
0xa9: {  	[dreg:$0x3] =	wrdreg s5  }
0xaa: {  	[dreg:$0x4] =	wrdreg $0xC0  }
0xab: {  	_ =	task [dreg:s7], $0x5FFFF  }
0xac: {  	[dreg:$0x1] =	wrdreg $0xFFFFFFFF  }
0xad: {  	[dreg:$0x0] =	wrdreg $0x60  }
0xae: {  	[dreg:$0x2] =	wrdreg s2  }
0xaf: {  	[dreg:$0x3] =	wrdreg s24  }
0xb0: {  	[dreg:$0x4] =	wrdreg $0x37800  }
0xb1: {  	[dreg:$0x5] =	wrdreg $0x9  }
0xb2: {  	_ =	task.clear_ibuf [dreg:s7], $0x6FFFF;
	_ =	strace $0x90000046  }
0xb3: {  	s29 =	simm.s32 $0x9;
	_ =	strace $0x80000048  }
0xb4: {  	_ =	swait.ge [sflag:s29], $0x1  }
0xb5: {  	[sflag:s29] =	ssyncadd.s32 $0xFFFFFFFF  }
0xb6: {  	_ =	strace $0x90000048  }
0xb7: {  	_ =	sfence  }
0xb8: {  	s30 =	sld [smem:$0x0];
	_ =	sdelay $0x2  }
0xb9: {  	s31 =	sshll.u32 s1, $0xD;
	s1 =	sshrl.u32 s1, $0x2  }
0xba: {  	s3 =	sand.u32 $0x4000, s31;
	s1 =	sadd.s32 s1, s30  }
0xbb: {  	s0 =	sor.u32 s3, s0;
	s1 =	sshll.u32 s1, $0x11  }
0xbc: {  	s0 =	sor.u32 s1, s0  }
0xbd: {  	s0 =	sadd.s32 $0x8F2B, s0  }
0xbe: {  	[sflag:s0] =	ssyncadd.remote.s32 $0x1  }
0xbf: {  	_ =	sfence.sel $0xFFFF  }
0xc0: {  	[dreg:$0x0] =	wrdreg $0xFFFFFFFF;
	(pc) =	sbr.abs _section_cstart, $3  }
0xc1: {  	[dreg:$0x1] =	wrdreg $0xFFFFFFFF  }
0xc2: {  	_ =	task.clear_ibuf [dreg:s7], $0x2FFFF;
	_ =	strace $0x9FFFFFFF  }
0xc3: {  	(tm) =	ssettm $0x7FFFFFFF  }
tec
execute0_lowered:
.L_overlay_start_1:
0x0: {  	(tag) =	ssettag $0x1  }
0x1: {  	s4 =	rddreg [dreg:$0x0]  }
0x2: {  	s5 =	rddreg [dreg:$0x1];
	s0 =	srdreg.scid  }
0x3: {  	s2 =	rddreg [dreg:$0x2];
	s1 =	stileid.u32;
	s3 =	simm.s32 $0x0  }
0x4: {  	s14 =	simm.s32 $0x1;
	s15 =	simm.s32 $0x2;
	s16 =	simm.s32 $0x80  }
0x5: {  	s17 =	simm.s32 $0x2780;
	s20 =	simm.s32 $0x3;
	s21 =	simm.s32 $0x0  }
0x6: {  	s6 =	sand.u32 $0x1, s0;
	s0 =	rddreg [dreg:$0x3];
	s8 =	smul.u32 $0x2800, s1  }
0x7: {  	[smem:$0x7FF] =	sst s3;
	s10 =	smul.u32 $0xA000, s1;
	s30 =	sshll.u32 s1, $0x4  }
0x8: {  	s18 =	sshll.u32 s1, $0x6;
	s7 =	smul.u32 $0x28000, s6;
	s9 =	sshll.u32 s6, $0x4  }
0x9: {  	_ =	strace $0x80000047;
	s6 =	ssub.s32 $0x2, s6;
	s18 =	sor.u32 $0x1C03, s18  }
0xa: {  	s13 =	sor.u32 s1, s9;
	s28 =	sshrl.u32 s6, $0x1;
	s31 =	sshrl.u32 s10, $0x2  }
0xb: {  	s19 =	sadd.s32 s8, s2;
	s7 =	sadd.s32 s8, s7;
	s9 =	smul.u32 $0x2700, s13  }
0xc: {  	s11 =	ssub.s32 s6, s28;
	s6 =	sadd.s32 s30, s4;
	p0 =	sgt.u32 s13, $0x3  }
0xd: {  	s13 =	simm.s32 $0x2F80;
	s7 =	sshrl.u32 s7, $0x3;
	s29 =	sshrl.u32 s9, $0x3  }
0xe: {  	s19 =	sshrl.u32 s19, $0x3;
	s7 =	sadd.s32 s7, s5;
	s5 =	sadd.s32 s4, s29  }
0xf: {  	s4 =	sadd.s32 $0x9C40, s5;
	s5 =	sadd.s32 $0x13840, s6;
	s6 =	sadd.s32 s31, s2  }
0x10: {  	s8 =	smax.u32 s11, $0x1;
	s7 =	sadd.s32 $0x2200, s7;
	s9 =	sadd.s32 $0x800, s6  }
0x11: {  	v0 =	vimm.f32 $1.000000000e+00;
	v1 =	vimm.f32 $0.0e+00;
	s10 =	sadd.s32 $0x1000, s6;
	s11 =	sadd.s32 $0x1800, s6;
	s12 =	sadd.s32 $0x2000, s6  }
.LBB2_1:
0x12: {  	[tilespmem:s3], [sflag:$0x2] =	stream.linear.gather [hbm4b:s4+s3], $0x2700, $0x38;
	[tilespmem:$0x5F80] =	vst v63  }
0x13: {  	s22 =	simm.s32 @!p0 $0x0;
	s23 =	simm.s32 @!p0 $0x2700  }
0x14: {  	[tilespmem:s23], [sflag:$0x2] =	stream.linear.gather @!p0 [hbm4b:s5+s22], $0x80, $0x38;
	[tilespmem:$0x5F80] =	vst v63  }
0x15: {  	s22 =	simm.s32 $0x0  }
.LBB2_2:
0x16: {  	p1 =	sne.s32 s22, $0x1FC0  }
.Ltmp0:
0x17: {  	_ = 	snop;
	(pc) =	sbr.rel @p1 .LBB2_2-.Ltmp0, $3  }
0x18: {  	_ =	sdelay $0x1  }
0x19: {  	s23 =	sshra.s32 s22, $0x2  }
0x1a: {  	s22 =	sadd.s32 $0x40, s22;
	[tilespmem:s23+$0x2780] =	vst v0  }
0x1b: {  	s22 =	simm.s32 $0x40;
	s23 =	simm.s32 $0x0  }
.LBB2_4:
0x1c: {  	p1 =	sne.s32 s22, $0x1FC0;
	[tilespmem:s23+$0x2F80] =	vst v1;
	s23 =	smov.u32 s22;
	s22 =	sadd.s32 $0x40, s22  }
.Ltmp1:
0x1d: {  	(pc) =	sbr.rel @p1 .LBB2_4-.Ltmp1, $2  }
0x1e: {  	_ =	sdelay $0x2  }
0x1f: {  	s23 =	sshra.s32 s23, $0x2  }
0x20: {  	[tilespmem:s23+$0x2F80] =	vst v1  }
0x21: {  	[spmem:s6] =	stream.linear.scatter [tilespmem:s13], [sflag:$0x1], $0x800, $0x38;
	[tilespmem:$0x5F80] =	vst v63  }
0x22: {  	_ = 	snop  }
0x23: {  	[spmem:s9] =	stream.linear.scatter [tilespmem:s13], [sflag:$0x1], $0x800, $0x38;
	[tilespmem:$0x5F80] =	vst v63  }
0x24: {  	_ = 	snop  }
0x25: {  	[spmem:s10] =	stream.linear.scatter [tilespmem:s13], [sflag:$0x1], $0x800, $0x38;
	[tilespmem:$0x5F80] =	vst v63  }
0x26: {  	_ = 	snop  }
0x27: {  	[spmem:s11] =	stream.linear.scatter [tilespmem:s13], [sflag:$0x1], $0x800, $0x38;
	[tilespmem:$0x5F80] =	vst v63  }
0x28: {  	_ = 	snop  }
0x29: {  	[spmem:s12] =	stream.linear.scatter [tilespmem:s13], [sflag:$0x1], $0x800, $0x38;
	[tilespmem:$0x5F80] =	vst v63  }
0x2a: {  	_ =	swait.ge [sflag:s14], $0x800  }
0x2b: {  	[sflag:s14] =	ssyncset.done $0x0  }
0x2c: {  	[sflag:s14] =	ssyncadd.s32 $0xFFFFF800  }
0x2d: {  	_ =	swait.ge [sflag:s14], $0x800  }
0x2e: {  	[sflag:s14] =	ssyncset.done $0x0  }
0x2f: {  	[sflag:s14] =	ssyncadd.s32 $0xFFFFF800  }
0x30: {  	_ =	swait.ge [sflag:s14], $0x800  }
0x31: {  	[sflag:s14] =	ssyncset.done $0x0  }
0x32: {  	[sflag:s14] =	ssyncadd.s32 $0xFFFFF800  }
0x33: {  	_ =	swait.ge [sflag:s14], $0x800  }
0x34: {  	[sflag:s14] =	ssyncset.done $0x0  }
0x35: {  	[sflag:s14] =	ssyncadd.s32 $0xFFFFF800  }
0x36: {  	_ =	swait.ge [sflag:s14], $0x800  }
0x37: {  	[sflag:s14] =	ssyncset.done $0x0  }
0x38: {  	[sflag:s14] =	ssyncadd.s32 $0xFFFFF800  }
0x39: {  	[bflag:$0x0] =	sbarrier.arrive $0xFFFF  }
0x3a: {  	_ =	swait.ge [sflag:s15], $0x2700  }
0x3b: {  	[sflag:s15] =	ssyncset.done $0x0  }
0x3c: {  	s22 =	simm.s32 @!p0 $0x2;
	[sflag:s15] =	ssyncadd.s32 $0xFFFFD900  }
0x3d: {  	_ =	swait.ge @!p0 [sflag:s22], $0x80  }
0x3e: {  	[sflag:s22] =	ssyncset.done @!p0 $0x0  }
0x3f: {  	s25 =	simm.s32 $0x0;
	[sflag:s22] =	ssyncadd.s32 @!p0 $0xFFFFFF80  }
0x40: {  	[spmem:s2] =	stream.indirect.scatter.add.f32 [tilespmem:s17], [sflag:$0x1], $0x10, s25, s16, $0xb8;
	[tilespmem:$0x5F80] =	vst v63  }
0x41: {  	s26 =	simm.s32 $0x80  }
0x42: {  	[spmem:s2] =	stream.indirect.scatter.add.f32 [tilespmem:s17], [sflag:$0x1], $0x10, s26, s16, $0xb8;
	[tilespmem:$0x5F80] =	vst v63  }
0x43: {  	s28 =	simm.s32 $0x100  }
0x44: {  	[spmem:s2] =	stream.indirect.scatter.add.f32 [tilespmem:s17], [sflag:$0x1], $0x10, s28, s16, $0xb8;
	[tilespmem:$0x5F80] =	vst v63  }
0x45: {  	s29 =	simm.s32 $0x180  }
0x46: {  	[spmem:s2] =	stream.indirect.scatter.add.f32 [tilespmem:s17], [sflag:$0x1], $0x10, s29, s16, $0xb8;
	[tilespmem:$0x5F80] =	vst v63  }
0x47: {  	s30 =	simm.s32 $0x200  }
0x48: {  	[spmem:s2] =	stream.indirect.scatter.add.f32 [tilespmem:s17], [sflag:$0x1], $0x10, s30, s16, $0xb8;
	[tilespmem:$0x5F80] =	vst v63  }
0x49: {  	s31 =	simm.s32 $0x280  }
0x4a: {  	[spmem:s2] =	stream.indirect.scatter.add.f32 [tilespmem:s17], [sflag:$0x1], $0x10, s31, s16, $0xb8;
	[tilespmem:$0x5F80] =	vst v63  }
0x4b: {  	_ =	swait.ge [sflag:s14], $0x800  }
0x4c: {  	[sflag:s14] =	ssyncset.done $0x0  }
0x4d: {  	[sflag:s14] =	ssyncadd.s32 $0xFFFFF800  }
0x4e: {  	_ =	swait.ge [sflag:s14], $0x800  }
0x4f: {  	[sflag:s14] =	ssyncset.done $0x0  }
0x50: {  	[sflag:s14] =	ssyncadd.s32 $0xFFFFF800  }
0x51: {  	_ =	swait.ge [sflag:s14], $0x800  }
0x52: {  	[sflag:s14] =	ssyncset.done $0x0  }
0x53: {  	[sflag:s14] =	ssyncadd.s32 $0xFFFFF800  }
0x54: {  	_ =	swait.ge [sflag:s14], $0x800  }
0x55: {  	[sflag:s14] =	ssyncset.done $0x0  }
0x56: {  	[sflag:s14] =	ssyncadd.s32 $0xFFFFF800  }
0x57: {  	_ =	swait.ge [sflag:s14], $0x800  }
0x58: {  	[sflag:s14] =	ssyncset.done $0x0  }
0x59: {  	[sflag:s14] =	ssyncadd.s32 $0xFFFFF800  }
0x5a: {  	_ =	swait.ge [sflag:s14], $0x800  }
0x5b: {  	s23 =	simm.s32 $0x1800;
	s22 =	simm.s32 $0xC00;
	[sflag:s14] =	ssyncset.done $0x0  }
.LBB2_6:
0x5c: {  	s24 =	sshra.s32 s22, $0x2  }
0x5d: {  	[sflag:s14] =	ssyncadd.s32 $0xFFFFF800;
	s22 =	smov.u32 s23;
	s25 =	sadd.s32 $0xC00, s23  }
0x5e: {  	[spmem:s2] =	stream.indirect.scatter.add.f32 [tilespmem:s17], [sflag:$0x1], $0x10, s24, s16, $0xb8;
	[tilespmem:$0x5F80] =	vst v63  }
0x5f: {  	p1 =	sne.s32 s23, $0x9000;
	s23 =	sadd.s32 $0x80, s24  }
0x60: {  	[spmem:s2] =	stream.indirect.scatter.add.f32 [tilespmem:s17], [sflag:$0x1], $0x10, s23, s16, $0xb8;
	[tilespmem:$0x5F80] =	vst v63  }
0x61: {  	s23 =	sadd.s32 $0x100, s24  }
0x62: {  	[spmem:s2] =	stream.indirect.scatter.add.f32 [tilespmem:s17], [sflag:$0x1], $0x10, s23, s16, $0xb8;
	[tilespmem:$0x5F80] =	vst v63  }
0x63: {  	s23 =	sadd.s32 $0x180, s24  }
0x64: {  	[spmem:s2] =	stream.indirect.scatter.add.f32 [tilespmem:s17], [sflag:$0x1], $0x10, s23, s16, $0xb8;
	[tilespmem:$0x5F80] =	vst v63  }
0x65: {  	s23 =	sadd.s32 $0x200, s24  }
0x66: {  	[spmem:s2] =	stream.indirect.scatter.add.f32 [tilespmem:s17], [sflag:$0x1], $0x10, s23, s16, $0xb8;
	[tilespmem:$0x5F80] =	vst v63  }
0x67: {  	s23 =	sadd.s32 $0x280, s24  }
0x68: {  	[spmem:s2] =	stream.indirect.scatter.add.f32 [tilespmem:s17], [sflag:$0x1], $0x10, s23, s16, $0xb8;
	[tilespmem:$0x5F80] =	vst v63  }
0x69: {  	_ =	swait.ge [sflag:s14], $0x800  }
0x6a: {  	[sflag:s14] =	ssyncset.done $0x0  }
0x6b: {  	[sflag:s14] =	ssyncadd.s32 $0xFFFFF800  }
0x6c: {  	_ =	swait.ge [sflag:s14], $0x800  }
0x6d: {  	[sflag:s14] =	ssyncset.done $0x0  }
0x6e: {  	[sflag:s14] =	ssyncadd.s32 $0xFFFFF800  }
0x6f: {  	_ =	swait.ge [sflag:s14], $0x800  }
0x70: {  	[sflag:s14] =	ssyncset.done $0x0  }
0x71: {  	[sflag:s14] =	ssyncadd.s32 $0xFFFFF800  }
0x72: {  	_ =	swait.ge [sflag:s14], $0x800  }
0x73: {  	[sflag:s14] =	ssyncset.done $0x0  }
0x74: {  	[sflag:s14] =	ssyncadd.s32 $0xFFFFF800  }
.Ltmp2:
0x75: {  	_ =	swait.ge [sflag:s14], $0x800;
	(pc) =	sbr.rel @p1 .LBB2_6-.Ltmp2, $4  }
0x76: {  	[sflag:s14] =	ssyncset.done $0x0  }
0x77: {  	[sflag:s14] =	ssyncadd.s32 $0xFFFFF800  }
0x78: {  	_ =	swait.ge [sflag:s14], $0x800  }
0x79: {  	s23 =	smov.u32 s25;
	[sflag:s14] =	ssyncset.done $0x0  }
0x7a: {  	s22 =	sshra.s32 s22, $0x2;
	[sflag:s14] =	ssyncadd.s32 $0xFFFFF800  }
0x7b: {  	[spmem:s2] =	stream.indirect.scatter.add.f32 [tilespmem:s17], [sflag:$0x1], $0x10, s22, s16, $0xb8;
	[tilespmem:$0x5F80] =	vst v63  }
0x7c: {  	s23 =	sadd.s32 $0x80, s22  }
0x7d: {  	[spmem:s2] =	stream.indirect.scatter.add.f32 [tilespmem:s17], [sflag:$0x1], $0x10, s23, s16, $0xb8;
	[tilespmem:$0x5F80] =	vst v63  }
0x7e: {  	s29 =	sadd.s32 $0x100, s22  }
0x7f: {  	[spmem:s2] =	stream.indirect.scatter.add.f32 [tilespmem:s17], [sflag:$0x1], $0x10, s29, s16, $0xb8;
	[tilespmem:$0x5F80] =	vst v63  }
0x80: {  	s30 =	sadd.s32 $0x180, s22  }
0x81: {  	[spmem:s2] =	stream.indirect.scatter.add.f32 [tilespmem:s17], [sflag:$0x1], $0x10, s30, s16, $0xb8;
	[tilespmem:$0x5F80] =	vst v63  }
0x82: {  	s31 =	sadd.s32 $0x200, s22  }
0x83: {  	[spmem:s2] =	stream.indirect.scatter.add.f32 [tilespmem:s17], [sflag:$0x1], $0x10, s31, s16, $0xb8;
	[tilespmem:$0x5F80] =	vst v63  }
0x84: {  	s22 =	sadd.s32 $0x280, s22  }
0x85: {  	[spmem:s2] =	stream.indirect.scatter.add.f32 [tilespmem:s17], [sflag:$0x1], $0x10, s22, s16, $0xb8;
	[tilespmem:$0x5F80] =	vst v63  }
0x86: {  	_ =	swait.ge [sflag:s14], $0x800  }
0x87: {  	[sflag:s14] =	ssyncset.done $0x0  }
0x88: {  	[sflag:s14] =	ssyncadd.s32 $0xFFFFF800  }
0x89: {  	_ =	swait.ge [sflag:s14], $0x800  }
0x8a: {  	[sflag:s14] =	ssyncset.done $0x0  }
0x8b: {  	[sflag:s14] =	ssyncadd.s32 $0xFFFFF800  }
0x8c: {  	_ =	swait.ge [sflag:s14], $0x800  }
0x8d: {  	[sflag:s14] =	ssyncset.done $0x0  }
0x8e: {  	[sflag:s14] =	ssyncadd.s32 $0xFFFFF800  }
0x8f: {  	_ =	swait.ge [sflag:s14], $0x800  }
0x90: {  	[sflag:s14] =	ssyncset.done $0x0  }
0x91: {  	[sflag:s14] =	ssyncadd.s32 $0xFFFFF800  }
0x92: {  	_ =	swait.ge [sflag:s14], $0x800  }
0x93: {  	[sflag:s14] =	ssyncset.done $0x0  }
0x94: {  	[sflag:s14] =	ssyncadd.s32 $0xFFFFF800  }
0x95: {  	_ =	swait.ge [sflag:s14], $0x800  }
0x96: {  	s24 =	simm.s32 @!p0 $0x2780;
	[sflag:s14] =	ssyncset.done $0x0  }
0x97: {  	s23 =	simm.s32 @!p0 $0x2700;
	s22 =	simm.s32 @!p0 $0x80;
	[sflag:s14] =	ssyncadd.s32 $0xFFFFF800  }
0x98: {  	[spmem:s2] =	stream.indirect.scatter.add.f32 @!p0 [tilespmem:s24], [sflag:$0x3], $0x10, s23, s22, $0xb8;
	[tilespmem:$0x5F80] =	vst v63  }
0x99: {  	s22 =	simm.s32 @!p0 $0x3  }
0x9a: {  	_ =	swait.ge @!p0 [sflag:s22], $0x800  }
0x9b: {  	s21 =	sadd.s32 $0x1, s21;
	[sflag:s22] =	ssyncset.done @!p0 $0x0  }
0x9c: {  	p1 =	sne.s32 s21, s8;
	[sflag:s22] =	ssyncadd.s32 @!p0 $0xFFFFF800  }
.Ltmp3:
0x9d: {  	[bflag:$0x0] =	sbarrier.arrive $0xFFFF;
	(pc) =	sbr.rel @p1 .LBB2_1-.Ltmp3, $4  }
0x9e: {  	[hbm:s7], [sflag:s18] =	dma.local [spmem:s19], $0x500  }
0x9f: {  	_ =	swait.ge [sflag:s20], $0x500  }
0xa0: {  	[sflag:s20] =	ssyncset.done $0x0  }
0xa1: {  	[sflag:s20] =	ssyncadd.s32 $0xFFFFFB00  }
0xa2: {  	_ =	sfence.sel $0x180000  }
0xa3: {  	[bflag:$0x0] =	sbarrier.arrive $0xFFFF  }
0xa4: {  	p0 =	sne.s32 s1, $0x0;
	_ =	strace $0x90000047  }
0xa5: {  	s0 =	sadd.s32 @!p0 $0x100000, s0;
	[bflag:$0x2] =	sbarrier.arrive $0xFFFF  }
0xa6: {  	[sflag:s0] =	ssyncadd.tile.s32 @!p0 $0x1;
	_ =	shalt  }
.Lfunc_end2:
_tile_overlayer_lowered:
.L_overlay_start_2:
0xa7: {  	(tag) =	ssettag $0x2  }
0xa8: {  	s0 =	rddreg [dreg:$0x0];
	s2 =	stileid.u32  }
0xa9: {  	s1 =	rddreg [dreg:$0x1];
	p0 =	sne.s32 s2, $0x0  }
0xaa: {  	s3 =	rddreg [dreg:$0x2];
	[bflag:$0x3] =	sbarrier.arrive $0xFFFF;
	s2 =	simm.s32 @!p0 $0x1C03  }
0xab: {  	[timem:s3], [sflag:s2] =	dma.local @!p0 [hbm:s0], s1  }
0xac: {  	s0 =	simm.s32 @!p0 $0x3  }
0xad: {  	_ =	swait.ge @!p0 [sflag:s0], s1  }
0xae: {  	s1 =	ssub.s32 @!p0 $0x0, s1;
	[sflag:s0] =	ssyncset.done @!p0 $0x0  }
0xaf: {  	[sflag:s0] =	ssyncadd.s32 @!p0 s1  }
0xb0: {  	[bflag:$0x3] =	sbarrier.arrive $0xFFFF  }
0xb1: {  	_ =	shalt  }

</sc_bundles>
